<compile_context>
chip_gen: v7x
topology: tpu7x:2x2x1
jax: 0.10.2.dev20260603
libtpu: 0.0.44.dev20260713+nightly
codegen_flags: <defaults>
</compile_context>

<pallas_src>
import numpy as np
import jax
import jax.numpy as jnp
from jax import lax
from jax.experimental import pallas as pl
from jax.experimental.pallas import tpu as pltpu
from jax.experimental.pallas import tpu_sc as plsc

N_LEVELS = 16
F = 2
TABLE_SIZE = 2 ** 19
MASK = np.int32(TABLE_SIZE - 1)
_GROWTH = np.exp((np.log(4096.0) - np.log(16.0)) / (N_LEVELS - 1))
_SCALINGS = np.floor(16.0 * _GROWTH ** np.arange(N_LEVELS)).astype(np.float32)
P2 = np.int32(np.uint32(2654435761))
P3 = np.int32(805459861)

NC, NS = 2, 16
NW = NC * NS
B = 131072
BPW = B // NW
CH = 64
NCHUNK = BPW // CH
PV = CH // 16
NIDX = CH * N_LEVELS * 8 * F
L2 = np.int32(2 * TABLE_SIZE)

_DN = lax.GatherDimensionNumbers(
    offset_dims=(), collapsed_slice_dims=(0,), start_index_map=(0,))


def _lane():
    return lax.iota(jnp.int32, 16)


def _dup(v, idx):
    return lax.gather(v, idx[:, None], _DN, (1,),
                      mode=lax.GatherScatterMode.PROMISE_IN_BOUNDS)


def _hash8(xi, yi, zi):
    px1 = xi + np.int32(1)
    py0 = yi * P2
    py1 = py0 + P2
    pz0 = zi * P3
    pz1 = pz0 + P3
    e11 = px1 ^ py1
    e10 = px1 ^ py0
    e00 = xi ^ py0
    e01 = xi ^ py1
    def h(e, pz):
        return (e ^ pz) & MASK
    return (h(e11, pz1), h(e10, pz1), h(e00, pz1), h(e01, pz1),
            h(e11, pz0), h(e10, pz0), h(e00, pz0), h(e01, pz0))


def _body(xh, yh, zh, table_hbm, scal_hbm, out_hbm,
          x_v, y_v, z_v, scal_v, idx_a, idx_b, rows_a, rows_b, out_v,
          sem_a, sem_b):
    wid = lax.axis_index("s") * np.int32(NC) + lax.axis_index("c")
    base = wid * np.int32(BPW)

    for src, dst in ((xh, x_v), (yh, y_v), (zh, z_v), (scal_hbm, scal_v)):
        pltpu.sync_copy(src.at[pl.ds(0, src.shape[0])]
                        if src is scal_hbm else src.at[pl.ds(base, BPW)], dst)

    lane = _lane()
    dup_lo = lax.shift_right_logical(lane, np.int32(1))
    dup_hi = dup_lo + np.int32(8)
    par128 = (lane & np.int32(1)) * np.int32(128)
    idx_even = (lane & np.int32(7)) << np.int32(1)
    idx_odd = idx_even + np.int32(1)
    is_lo = lane < np.int32(8)
    scal16 = scal_v[pl.ds(0, 16)]

    def phase1(idx_v, g):
        cbase = g * np.int32(CH)

        @pl.loop(np.int32(0), np.int32(N_LEVELS))
        def l_loop(l):
            s = _dup(scal16, jnp.full((16,), l, jnp.int32))
            ladd = par128 + l * np.int32(L2)

            @pl.loop(np.int32(0), np.int32(PV))
            def p_loop(p):
                off = cbase + p * np.int32(16)
                xi = (x_v[pl.ds(off, 16)] * s).astype(jnp.int32)
                yi = (y_v[pl.ds(off, 16)] * s).astype(jnp.int32)
                zi = (z_v[pl.ds(off, 16)] * s).astype(jnp.int32)
                hs = _hash8(xi, yi, zi)
                q0 = (p * np.int32(N_LEVELS) + l) * np.int32(256)
                for c in range(8):
                    qc = q0 + np.int32(c * 32)
                    tl = _dup(hs[c], dup_lo)
                    th = _dup(hs[c], dup_hi)
                    idx_v[pl.ds(qc, 16)] = tl + (tl & np.int32(-128)) + ladd
                    idx_v[pl.ds(qc + np.int32(16), 16)] = (
                        th + (th & np.int32(-128)) + ladd)

    def fire(idx_v, rows_v, sem):
        pltpu.async_copy(table_hbm.at[idx_v], rows_v, sem)

    def wait(idx_v, rows_v, sem):
        pltpu.make_async_copy(table_hbm.at[idx_v], rows_v, sem).wait()

    def phase2(rows_v, g, hi):
        cbase = g * np.int32(CH)

        @pl.loop(np.int32(0), np.int32(N_LEVELS))
        def l_loop(l):
            s = _dup(scal16, jnp.full((16,), l, jnp.int32))
            ch0 = l * np.int32(2)

            @pl.loop(np.int32(0), np.int32(PV))
            def p_loop(p):
                off = cbase + p * np.int32(16)
                xs = x_v[pl.ds(off, 16)] * s
                ys = y_v[pl.ds(off, 16)] * s
                zs = z_v[pl.ds(off, 16)] * s
                ox = xs - xs.astype(jnp.int32).astype(jnp.float32)
                oy = ys - ys.astype(jnp.int32).astype(jnp.float32)
                oz = zs - zs.astype(jnp.int32).astype(jnp.float32)
                q0 = (p * np.int32(N_LEVELS) + l) * np.int32(256)
                encs = []
                for dup in (dup_lo, dup_hi):
                    oxh = _dup(ox, dup)
                    oyh = _dup(oy, dup)
                    ozh = _dup(oz, dup)
                    mxh = np.float32(1.0) - oxh
                    myh = np.float32(1.0) - oyh
                    mzh = np.float32(1.0) - ozh
                    fv = [rows_v[pl.ds(q0 + np.int32(c * 32), 16)]
                          for c in range(8)] if dup is dup_lo else \
                         [rows_v[pl.ds(q0 + np.int32(c * 32 + 16), 16)]
                          for c in range(8)]
                    f03 = fv[0] * oxh + fv[3] * mxh
                    f12 = fv[1] * oxh + fv[2] * mxh
                    f56 = fv[5] * oxh + fv[6] * mxh
                    f47 = fv[4] * oxh + fv[7] * mxh
                    f0312 = f03 * oyh + f12 * myh
                    f4756 = f47 * oyh + f56 * myh
                    encs.append(f0312 * ozh + f4756 * mzh)
                vlo, vhi = encs
                for fi, didx in ((0, idx_even), (1, idx_odd)):
                    ch = ch0 + np.int32(fi)
                    merged = jnp.where(is_lo, _dup(vlo, didx),
                                       _dup(vhi, didx))
                    opos = ((ch >> np.int32(3)) * np.int32(1024)
                            + (ch & np.int32(7)) * np.int32(128)
                            + np.int32(hi * CH) + p * np.int32(16))
                    out_v[pl.ds(opos, 16)] = merged

    phase1(idx_a, np.int32(0))
    fire(idx_a, rows_a, sem_a)

    @pl.loop(np.int32(0), np.int32(NCHUNK), step=np.int32(2))
    def pair_loop(g):
        phase1(idx_b, g + np.int32(1))
        fire(idx_b, rows_b, sem_b)
        wait(idx_a, rows_a, sem_a)
        phase2(rows_a, g, 0)

        @pl.when(g + np.int32(2) < np.int32(NCHUNK))
        def _():
            phase1(idx_a, g + np.int32(2))
            fire(idx_a, rows_a, sem_a)

        wait(idx_b, rows_b, sem_b)
        phase2(rows_b, g + np.int32(1), 1)

        pbase = (wid * np.int32(NCHUNK // 2)
                 + lax.shift_right_logical(g, np.int32(1))) * np.int32(1024)
        for cb in range(4):
            pltpu.sync_copy(
                out_v.at[pl.ds(cb * 1024, 1024)],
                out_hbm.at[pl.ds(np.int32(cb * (2 ** 20)) + pbase, 1024)])


@jax.jit
def _encode(xs, ys, zs, table_flat, scalings):
    mesh = plsc.VectorSubcoreMesh(
        core_axis_name="c", subcore_axis_name="s",
        num_cores=NC, num_subcores=NS)
    k = pl.kernel(
        _body,
        out_type=jax.ShapeDtypeStruct((B * N_LEVELS * F,), jnp.float32),
        mesh=mesh,
        scratch_types=[
            pltpu.VMEM((BPW,), jnp.float32),
            pltpu.VMEM((BPW,), jnp.float32),
            pltpu.VMEM((BPW,), jnp.float32),
            pltpu.VMEM((16,), jnp.float32),
            pltpu.VMEM((NIDX,), jnp.int32),
            pltpu.VMEM((NIDX,), jnp.int32),
            pltpu.VMEM((NIDX,), jnp.float32),
            pltpu.VMEM((NIDX,), jnp.float32),
            pltpu.VMEM((N_LEVELS * F * 2 * CH,), jnp.float32),
            pltpu.SemaphoreType.DMA,
            pltpu.SemaphoreType.DMA,
        ],
    )
    flat = k(xs, ys, zs, table_flat, scalings)
    arr = flat.reshape(4, 1024, 8, 128)
    return arr.transpose(1, 3, 0, 2).reshape(B, N_LEVELS * F)


def kernel(in_tensor, hash_table):
    pts = in_tensor.astype(jnp.float32)
    with jax.enable_x64(False):
        tab = hash_table.astype(jnp.float32)
        tab = tab.reshape(65536, 128, F).transpose(0, 2, 1).reshape(-1)
        return _encode(pts[:, 0], pts[:, 1], pts[:, 2], tab,
                       jnp.asarray(_SCALINGS))

# --- scband reference (transcript-rebuilt; emitter-appended) ---
"""Pipeline reference for scband-scale-hash-35673998360637 (READ-ONLY COPY).

The authoritative reference and input builder live on the scoring server;
editing this copy changes nothing except your own understanding.
"""

import jax, jax.numpy as jnp
import numpy as np

jax.config.update("jax_enable_x64", True)

N_LEVELS = 16
F_PER_LEVEL = 2
TABLE_SIZE = 2 ** 19
BASE_RES = 16
MAX_RES = 4096
GROWTH = np.exp((np.log(MAX_RES) - np.log(BASE_RES)) / (N_LEVELS - 1))
SCALINGS = jnp.asarray(np.floor(BASE_RES * GROWTH ** np.arange(N_LEVELS)), dtype=jnp.float32)
HASH_OFFSET = jnp.asarray(np.arange(N_LEVELS) * TABLE_SIZE, dtype=jnp.int64)
PRIMES = jnp.asarray([1, 2654435761, 805459861], dtype=jnp.int64)


def hash_fn(t):
    # t: int64 [..., L, 3]
    tp = t * PRIMES
    x = jnp.bitwise_xor(tp[..., 0], tp[..., 1])
    x = jnp.bitwise_xor(x, tp[..., 2])
    x = x % TABLE_SIZE
    x = x + HASH_OFFSET
    return x


def setup_inputs(seed: int = 0) -> dict:
    key = jax.random.key(seed)
    k1, k2 = jax.random.split(key)
    in_tensor = jax.random.uniform(k1, (131072, 3), dtype=jnp.float32)
    hash_table = (jax.random.uniform(k2, (TABLE_SIZE * N_LEVELS, F_PER_LEVEL), dtype=jnp.float32) * 2.0 - 1.0) * 0.001
    return {"in_tensor": in_tensor, "hash_table": hash_table}


def reference(in_tensor, hash_table):
    t = in_tensor[..., None, :]                      # [B, 1, 3]
    scaled = t * SCALINGS[:, None]                   # [B, L, 3]
    scaled_c_f = jnp.ceil(scaled)
    scaled_f_f = jnp.floor(scaled)
    sc = scaled_c_f.astype(jnp.int64)
    sf = scaled_f_f.astype(jnp.int64)
    offset = scaled - scaled_f_f                     # [B, L, 3]
    h0 = hash_fn(sc)
    h1 = hash_fn(jnp.concatenate([sc[..., 0:1], sf[..., 1:2], sc[..., 2:3]], axis=-1))
    h2 = hash_fn(jnp.concatenate([sf[..., 0:1], sf[..., 1:2], sc[..., 2:3]], axis=-1))
    h3 = hash_fn(jnp.concatenate([sf[..., 0:1], sc[..., 1:2], sc[..., 2:3]], axis=-1))
    h4 = hash_fn(jnp.concatenate([sc[..., 0:1], sc[..., 1:2], sf[..., 2:3]], axis=-1))
    h5 = hash_fn(jnp.concatenate([sc[..., 0:1], sf[..., 1:2], sf[..., 2:3]], axis=-1))
    h6 = hash_fn(sf)
    h7 = hash_fn(jnp.concatenate([sf[..., 0:1], sc[..., 1:2], sf[..., 2:3]], axis=-1))
    f0 = jnp.take(hash_table, h0, axis=0)
    f1 = jnp.take(hash_table, h1, axis=0)
    f2 = jnp.take(hash_table, h2, axis=0)
    f3 = jnp.take(hash_table, h3, axis=0)
    f4 = jnp.take(hash_table, h4, axis=0)
    f5 = jnp.take(hash_table, h5, axis=0)
    f6 = jnp.take(hash_table, h6, axis=0)
    f7 = jnp.take(hash_table, h7, axis=0)
    f03 = f0 * offset[..., 0:1] + f3 * (1 - offset[..., 0:1])
    f12 = f1 * offset[..., 0:1] + f2 * (1 - offset[..., 0:1])
    f56 = f5 * offset[..., 0:1] + f6 * (1 - offset[..., 0:1])
    f47 = f4 * offset[..., 0:1] + f7 * (1 - offset[..., 0:1])
    f0312 = f03 * offset[..., 1:2] + f12 * (1 - offset[..., 1:2])
    f4756 = f47 * offset[..., 1:2] + f56 * (1 - offset[..., 1:2])
    enc = f0312 * offset[..., 2:3] + f4756 * (1 - offset[..., 2:3])   # [B, L, F]
    return enc.reshape(enc.shape[0], N_LEVELS * F_PER_LEVEL)

if __name__ == "__main__":
    import jax
    _d = setup_inputs()
    print(jax.jit(kernel)(*tuple(_d.values())))

</pallas_src>

<mosaic_0001>
#map = affine_map<(d0, d1) -> (0)>
module attributes {stable_mosaic.version = 14 : i64} {
  func.func @_body(%arg0: i32, %arg1: i32, %arg2: memref<131072xf32, #tpu.memory_space<hbm>>, %arg3: memref<131072xf32, #tpu.memory_space<hbm>>, %arg4: memref<131072xf32, #tpu.memory_space<hbm>>, %arg5: memref<16777216xf32, #tpu.memory_space<hbm>>, %arg6: memref<16xf32, #tpu.memory_space<hbm>>, %arg7: memref<4194304xf32, #tpu.memory_space<hbm>>, %arg8: memref<4096xf32, #tpu.memory_space<vmem>>, %arg9: memref<4096xf32, #tpu.memory_space<vmem>>, %arg10: memref<4096xf32, #tpu.memory_space<vmem>>, %arg11: memref<16xf32, #tpu.memory_space<vmem>>, %arg12: memref<16384xi32, #tpu.memory_space<vmem>>, %arg13: memref<16384xi32, #tpu.memory_space<vmem>>, %arg14: memref<16384xf32, #tpu.memory_space<vmem>>, %arg15: memref<16384xf32, #tpu.memory_space<vmem>>, %arg16: memref<4096xf32, #tpu.memory_space<vmem>>, %arg17: memref<!tpu.dma_semaphore, #tpu.memory_space<semaphore_mem>>, %arg18: memref<!tpu.dma_semaphore, #tpu.memory_space<semaphore_mem>>) attributes {dimension_semantics = [#tpu.dimension_semantics<core_parallel>, #tpu.dimension_semantics<subcore_parallel>], iteration_bounds = array<i64: 2, 16>, scalar_prefetch = 0 : i64, scratch_operands = 11 : i64, tpu.core_type = #tpu.core_type<sc_vector_subcore>, window_params = [{transform_indices = #map}, {transform_indices = #map}, {transform_indices = #map}, {transform_indices = #map}, {transform_indices = #map}, {transform_indices = #map}]} {
    %mul3A = arith.constant 2 : i32
    %mul3A_0 = arith.muli %arg1, %mul3A : i32
    %add3A = arith.addi %mul3A_0, %arg0 : i32
    %mul3A_1 = arith.constant 4096 : i32
    %mul3A_2 = arith.muli %add3A, %mul3A_1 : i32
    "tpu.region"() ({
      %run_scoped3A = tpu.sem_alloc : memref<!tpu.dma_semaphore, #tpu.memory_space<semaphore_mem>>
      %dma_start3A_35 = tpu.memref_slice %arg2[%mul3A_2] : memref<131072xf32, #tpu.memory_space<hbm>> -> memref<4096xf32, #tpu.memory_space<hbm>>
      %dma_start3A_36 = tpu.memref_slice %arg2[%mul3A_2] : memref<131072xf32, #tpu.memory_space<hbm>> -> memref<4096xf32, #tpu.memory_space<hbm>>
      tpu.enqueue_dma source(%dma_start3A_36 : memref<4096xf32, #tpu.memory_space<hbm>>) target(%arg8 : memref<4096xf32, #tpu.memory_space<vmem>>) target_semaphore(%run_scoped3A : memref<!tpu.dma_semaphore, #tpu.memory_space<semaphore_mem>>)
      %dma_wait3A = tpu.memref_slice %arg2[%mul3A_2] : memref<131072xf32, #tpu.memory_space<hbm>> -> memref<4096xf32, #tpu.memory_space<hbm>>
      %dma_wait3A_37 = tpu.memref_slice %arg2[%mul3A_2] : memref<131072xf32, #tpu.memory_space<hbm>> -> memref<4096xf32, #tpu.memory_space<hbm>>
      tpu.wait_dma2 semaphore(%run_scoped3A : memref<!tpu.dma_semaphore, #tpu.memory_space<semaphore_mem>>) src(%dma_wait3A_37 : memref<4096xf32, #tpu.memory_space<hbm>>) dst(%arg8 : memref<4096xf32, #tpu.memory_space<vmem>>)
      tpu.yield
    }) : () -> ()
    "tpu.region"() ({
      %run_scoped3A = tpu.sem_alloc : memref<!tpu.dma_semaphore, #tpu.memory_space<semaphore_mem>>
      %dma_start3A_35 = tpu.memref_slice %arg3[%mul3A_2] : memref<131072xf32, #tpu.memory_space<hbm>> -> memref<4096xf32, #tpu.memory_space<hbm>>
      %dma_start3A_36 = tpu.memref_slice %arg3[%mul3A_2] : memref<131072xf32, #tpu.memory_space<hbm>> -> memref<4096xf32, #tpu.memory_space<hbm>>
      tpu.enqueue_dma source(%dma_start3A_36 : memref<4096xf32, #tpu.memory_space<hbm>>) target(%arg9 : memref<4096xf32, #tpu.memory_space<vmem>>) target_semaphore(%run_scoped3A : memref<!tpu.dma_semaphore, #tpu.memory_space<semaphore_mem>>)
      %dma_wait3A = tpu.memref_slice %arg3[%mul3A_2] : memref<131072xf32, #tpu.memory_space<hbm>> -> memref<4096xf32, #tpu.memory_space<hbm>>
      %dma_wait3A_37 = tpu.memref_slice %arg3[%mul3A_2] : memref<131072xf32, #tpu.memory_space<hbm>> -> memref<4096xf32, #tpu.memory_space<hbm>>
      tpu.wait_dma2 semaphore(%run_scoped3A : memref<!tpu.dma_semaphore, #tpu.memory_space<semaphore_mem>>) src(%dma_wait3A_37 : memref<4096xf32, #tpu.memory_space<hbm>>) dst(%arg9 : memref<4096xf32, #tpu.memory_space<vmem>>)
      tpu.yield
    }) : () -> ()
    "tpu.region"() ({
      %run_scoped3A = tpu.sem_alloc : memref<!tpu.dma_semaphore, #tpu.memory_space<semaphore_mem>>
      %dma_start3A_35 = tpu.memref_slice %arg4[%mul3A_2] : memref<131072xf32, #tpu.memory_space<hbm>> -> memref<4096xf32, #tpu.memory_space<hbm>>
      %dma_start3A_36 = tpu.memref_slice %arg4[%mul3A_2] : memref<131072xf32, #tpu.memory_space<hbm>> -> memref<4096xf32, #tpu.memory_space<hbm>>
      tpu.enqueue_dma source(%dma_start3A_36 : memref<4096xf32, #tpu.memory_space<hbm>>) target(%arg10 : memref<4096xf32, #tpu.memory_space<vmem>>) target_semaphore(%run_scoped3A : memref<!tpu.dma_semaphore, #tpu.memory_space<semaphore_mem>>)
      %dma_wait3A = tpu.memref_slice %arg4[%mul3A_2] : memref<131072xf32, #tpu.memory_space<hbm>> -> memref<4096xf32, #tpu.memory_space<hbm>>
      %dma_wait3A_37 = tpu.memref_slice %arg4[%mul3A_2] : memref<131072xf32, #tpu.memory_space<hbm>> -> memref<4096xf32, #tpu.memory_space<hbm>>
      tpu.wait_dma2 semaphore(%run_scoped3A : memref<!tpu.dma_semaphore, #tpu.memory_space<semaphore_mem>>) src(%dma_wait3A_37 : memref<4096xf32, #tpu.memory_space<hbm>>) dst(%arg10 : memref<4096xf32, #tpu.memory_space<vmem>>)
      tpu.yield
    }) : () -> ()
    "tpu.region"() ({
      %run_scoped3A = tpu.sem_alloc : memref<!tpu.dma_semaphore, #tpu.memory_space<semaphore_mem>>
      %dma_start3A_35 = arith.constant 0 : i32
      %dma_start3A_36 = tpu.memref_slice %arg6[%dma_start3A_35] : memref<16xf32, #tpu.memory_space<hbm>> -> memref<16xf32, #tpu.memory_space<hbm>>
      %dma_start3A_37 = arith.constant 0 : i32
      %dma_start3A_38 = tpu.memref_slice %arg6[%dma_start3A_37] : memref<16xf32, #tpu.memory_space<hbm>> -> memref<16xf32, #tpu.memory_space<hbm>>
      tpu.enqueue_dma source(%dma_start3A_38 : memref<16xf32, #tpu.memory_space<hbm>>) target(%arg11 : memref<16xf32, #tpu.memory_space<vmem>>) target_semaphore(%run_scoped3A : memref<!tpu.dma_semaphore, #tpu.memory_space<semaphore_mem>>)
      %dma_wait3A = arith.constant 0 : i32
      %dma_wait3A_39 = tpu.memref_slice %arg6[%dma_wait3A] : memref<16xf32, #tpu.memory_space<hbm>> -> memref<16xf32, #tpu.memory_space<hbm>>
      %dma_wait3A_40 = arith.constant 0 : i32
      %dma_wait3A_41 = tpu.memref_slice %arg6[%dma_wait3A_40] : memref<16xf32, #tpu.memory_space<hbm>> -> memref<16xf32, #tpu.memory_space<hbm>>
      tpu.wait_dma2 semaphore(%run_scoped3A : memref<!tpu.dma_semaphore, #tpu.memory_space<semaphore_mem>>) src(%dma_wait3A_41 : memref<16xf32, #tpu.memory_space<hbm>>) dst(%arg11 : memref<16xf32, #tpu.memory_space<vmem>>)
      tpu.yield
    }) : () -> ()
    %iota3A = tpu.iota {dimensions = array<i32: 0>} : vector<16xi32>
    %shift_right_logical3A = arith.constant 1 : i32
    %shift_right_logical3A_3 = vector.broadcast %shift_right_logical3A : i32 to vector<16xi32>
    %shift_right_logical3A_4 = arith.shrui %iota3A, %shift_right_logical3A_3 : vector<16xi32>
    %add3A_5 = arith.constant 8 : i32
    %add3A_6 = vector.broadcast %add3A_5 : i32 to vector<16xi32>
    %add3A_7 = arith.addi %shift_right_logical3A_4, %add3A_6 : vector<16xi32>
    %and3A = arith.constant 1 : i32
    %and3A_8 = vector.broadcast %and3A : i32 to vector<16xi32>
    %and3A_9 = arith.andi %iota3A, %and3A_8 : vector<16xi32>
    %mul3A_10 = arith.constant 128 : i32
    %mul3A_11 = vector.broadcast %mul3A_10 : i32 to vector<16xi32>
    %mul3A_12 = arith.muli %and3A_9, %mul3A_11 : vector<16xi32>
    %and3A_13 = arith.constant 7 : i32
    %and3A_14 = vector.broadcast %and3A_13 : i32 to vector<16xi32>
    %and3A_15 = arith.andi %iota3A, %and3A_14 : vector<16xi32>
    %shift_left3A = arith.constant 1 : i32
    %shift_left3A_16 = vector.broadcast %shift_left3A : i32 to vector<16xi32>
    %shift_left3A_17 = arith.shli %and3A_15, %shift_left3A_16 : vector<16xi32>
    %add3A_18 = arith.constant 1 : i32
    %add3A_19 = vector.broadcast %add3A_18 : i32 to vector<16xi32>
    %add3A_20 = arith.addi %shift_left3A_17, %add3A_19 : vector<16xi32>
    %lt3A = arith.constant 8 : i32
    %lt3A_21 = vector.broadcast %lt3A : i32 to vector<16xi32>
    %lt3A_22 = arith.cmpi slt, %iota3A, %lt3A_21 : vector<16xi32>
    %get3A = arith.constant 0 : index
    %get3A_23 = tpu.vector_load %arg11[%get3A] {strides = array<i32>} : memref<16xf32, #tpu.memory_space<vmem>>, vector<16xf32>,
    %get3A_24 = vector.shape_cast %get3A_23 : vector<16xf32> to vector<16xf32>
    %scan3A = arith.constant 0 : i32
    %scan3A_25 = arith.constant 16 : i32
    %scan3A_26 = arith.addi %scan3A, %scan3A_25 : i32
    %scan3A_27 = arith.constant 1 : i32
    scf.for %scan3A_35 = %scan3A to %scan3A_26 step %scan3A_27  : i32 {
      %mul3A_36 = arith.constant 1 : i32
      %mul3A_37 = arith.muli %scan3A_35, %mul3A_36 : i32
      %add3A_38 = arith.constant 0 : i32
      %add3A_39 = arith.addi %add3A_38, %mul3A_37 : i32
      %broadcast_in_dim3A = vector.broadcast %add3A_39 : i32 to vector<16xi32>
      %broadcast_in_dim3A_40 = vector.shape_cast %broadcast_in_dim3A : vector<16xi32> to vector<16x1xi32>
      %gather3A = vector.shape_cast %broadcast_in_dim3A_40 : vector<16x1xi32> to vector<16xi32>
      %gather3A_41 = tpu.dynamic_gather %get3A_24[%gather3A] in [0] : vector<16xf32>, vector<16xi32> -> vector<16xf32>
      %mul3A_42 = arith.constant 1048576 : i32
      %mul3A_43 = arith.muli %add3A_39, %mul3A_42 : i32
      %add3A_44 = vector.broadcast %mul3A_43 : i32 to vector<16xi32>
      %add3A_45 = arith.addi %mul3A_12, %add3A_44 : vector<16xi32>
      %scan3A_46 = arith.constant 0 : i32
      %scan3A_47 = arith.constant 4 : i32
      %scan3A_48 = arith.addi %scan3A_46, %scan3A_47 : i32
      %scan3A_49 = arith.constant 1 : i32
      scf.for %scan3A_51 = %scan3A_46 to %scan3A_48 step %scan3A_49  : i32 {
        %mul3A_52 = arith.constant 1 : i32
        %mul3A_53 = arith.muli %scan3A_51, %mul3A_52 : i32
        %add3A_54 = arith.constant 0 : i32
        %add3A_55 = arith.addi %add3A_54, %mul3A_53 : i32
        %mul3A_56 = arith.constant 16 : i32
        %mul3A_57 = arith.muli %add3A_55, %mul3A_56 : i32
        %add3A_58 = arith.constant 0 : i32
        %add3A_59 = arith.addi %add3A_58, %mul3A_57 : i32
        %get3A_60 = arith.index_cast %add3A_59 : i32 to index
        %get3A_61 = tpu.vector_load %arg8[%get3A_60] {strides = array<i32>} : memref<4096xf32, #tpu.memory_space<vmem>>, vector<16xf32>,
        %get3A_62 = vector.shape_cast %get3A_61 : vector<16xf32> to vector<16xf32>
        %mul3A_63 = arith.mulf %get3A_62, %gather3A_41 : vector<16xf32>
        %convert_element_type3A = arith.fptosi %mul3A_63 : vector<16xf32> to vector<16xi32>
        %get3A_64 = arith.index_cast %add3A_59 : i32 to index
        %get3A_65 = tpu.vector_load %arg9[%get3A_64] {strides = array<i32>} : memref<4096xf32, #tpu.memory_space<vmem>>, vector<16xf32>,
        %get3A_66 = vector.shape_cast %get3A_65 : vector<16xf32> to vector<16xf32>
        %mul3A_67 = arith.mulf %get3A_66, %gather3A_41 : vector<16xf32>
        %convert_element_type3A_68 = arith.fptosi %mul3A_67 : vector<16xf32> to vector<16xi32>
        %get3A_69 = arith.index_cast %add3A_59 : i32 to index
        %get3A_70 = tpu.vector_load %arg10[%get3A_69] {strides = array<i32>} : memref<4096xf32, #tpu.memory_space<vmem>>, vector<16xf32>,
        %get3A_71 = vector.shape_cast %get3A_70 : vector<16xf32> to vector<16xf32>
        %mul3A_72 = arith.mulf %get3A_71, %gather3A_41 : vector<16xf32>
        %convert_element_type3A_73 = arith.fptosi %mul3A_72 : vector<16xf32> to vector<16xi32>
        %add3A_74 = arith.constant 1 : i32
        %add3A_75 = vector.broadcast %add3A_74 : i32 to vector<16xi32>
        %add3A_76 = arith.addi %convert_element_type3A, %add3A_75 : vector<16xi32>
        %mul3A_77 = arith.constant -1640531535 : i32
        %mul3A_78 = vector.broadcast %mul3A_77 : i32 to vector<16xi32>
        %mul3A_79 = arith.muli %convert_element_type3A_68, %mul3A_78 : vector<16xi32>
        %add3A_80 = arith.constant -1640531535 : i32
        %add3A_81 = vector.broadcast %add3A_80 : i32 to vector<16xi32>
        %add3A_82 = arith.addi %mul3A_79, %add3A_81 : vector<16xi32>
        %mul3A_83 = arith.constant 805459861 : i32
        %mul3A_84 = vector.broadcast %mul3A_83 : i32 to vector<16xi32>
        %mul3A_85 = arith.muli %convert_element_type3A_73, %mul3A_84 : vector<16xi32>
        %add3A_86 = arith.constant 805459861 : i32
        %add3A_87 = vector.broadcast %add3A_86 : i32 to vector<16xi32>
        %add3A_88 = arith.addi %mul3A_85, %add3A_87 : vector<16xi32>
        %xor3A = arith.xori %add3A_76, %add3A_82 : vector<16xi32>
        %xor3A_89 = arith.xori %add3A_76, %mul3A_79 : vector<16xi32>
        %xor3A_90 = arith.xori %convert_element_type3A, %mul3A_79 : vector<16xi32>
        %xor3A_91 = arith.xori %convert_element_type3A, %add3A_82 : vector<16xi32>
        %xor3A_92 = arith.xori %xor3A, %add3A_88 : vector<16xi32>
        %and3A_93 = arith.constant 524287 : i32
        %and3A_94 = vector.broadcast %and3A_93 : i32 to vector<16xi32>
        %and3A_95 = arith.andi %xor3A_92, %and3A_94 : vector<16xi32>
        %xor3A_96 = arith.xori %xor3A_89, %add3A_88 : vector<16xi32>
        %and3A_97 = arith.constant 524287 : i32
        %and3A_98 = vector.broadcast %and3A_97 : i32 to vector<16xi32>
        %and3A_99 = arith.andi %xor3A_96, %and3A_98 : vector<16xi32>
        %xor3A_100 = arith.xori %xor3A_90, %add3A_88 : vector<16xi32>
        %and3A_101 = arith.constant 524287 : i32
        %and3A_102 = vector.broadcast %and3A_101 : i32 to vector<16xi32>
        %and3A_103 = arith.andi %xor3A_100, %and3A_102 : vector<16xi32>
        %xor3A_104 = arith.xori %xor3A_91, %add3A_88 : vector<16xi32>
        %and3A_105 = arith.constant 524287 : i32
        %and3A_106 = vector.broadcast %and3A_105 : i32 to vector<16xi32>
        %and3A_107 = arith.andi %xor3A_104, %and3A_106 : vector<16xi32>
        %xor3A_108 = arith.xori %xor3A, %mul3A_85 : vector<16xi32>
        %and3A_109 = arith.constant 524287 : i32
        %and3A_110 = vector.broadcast %and3A_109 : i32 to vector<16xi32>
        %and3A_111 = arith.andi %xor3A_108, %and3A_110 : vector<16xi32>
        %xor3A_112 = arith.xori %xor3A_89, %mul3A_85 : vector<16xi32>
        %and3A_113 = arith.constant 524287 : i32
        %and3A_114 = vector.broadcast %and3A_113 : i32 to vector<16xi32>
        %and3A_115 = arith.andi %xor3A_112, %and3A_114 : vector<16xi32>
        %xor3A_116 = arith.xori %xor3A_90, %mul3A_85 : vector<16xi32>
        %and3A_117 = arith.constant 524287 : i32
        %and3A_118 = vector.broadcast %and3A_117 : i32 to vector<16xi32>
        %and3A_119 = arith.andi %xor3A_116, %and3A_118 : vector<16xi32>
        %xor3A_120 = arith.xori %xor3A_91, %mul3A_85 : vector<16xi32>
        %and3A_121 = arith.constant 524287 : i32
        %and3A_122 = vector.broadcast %and3A_121 : i32 to vector<16xi32>
        %and3A_123 = arith.andi %xor3A_120, %and3A_122 : vector<16xi32>
        %mul3A_124 = arith.constant 16 : i32
        %mul3A_125 = arith.muli %add3A_55, %mul3A_124 : i32
        %add3A_126 = arith.addi %mul3A_125, %add3A_39 : i32
        %mul3A_127 = arith.constant 256 : i32
        %mul3A_128 = arith.muli %add3A_126, %mul3A_127 : i32
        %add3A_129 = arith.constant 0 : i32
        %add3A_130 = arith.addi %mul3A_128, %add3A_129 : i32
        %broadcast_in_dim3A_131 = vector.shape_cast %shift_right_logical3A_4 : vector<16xi32> to vector<16x1xi32>
        %gather3A_132 = vector.shape_cast %broadcast_in_dim3A_131 : vector<16x1xi32> to vector<16xi32>
        %gather3A_133 = tpu.dynamic_gather %and3A_95[%gather3A_132] in [0] : vector<16xi32>, vector<16xi32> -> vector<16xi32>
        %broadcast_in_dim3A_134 = vector.shape_cast %add3A_7 : vector<16xi32> to vector<16x1xi32>
        %gather3A_135 = vector.shape_cast %broadcast_in_dim3A_134 : vector<16x1xi32> to vector<16xi32>
        %gather3A_136 = tpu.dynamic_gather %and3A_95[%gather3A_135] in [0] : vector<16xi32>, vector<16xi32> -> vector<16xi32>
        %and3A_137 = arith.constant -128 : i32
        %and3A_138 = vector.broadcast %and3A_137 : i32 to vector<16xi32>
        %and3A_139 = arith.andi %gather3A_133, %and3A_138 : vector<16xi32>
        %add3A_140 = arith.addi %gather3A_133, %and3A_139 : vector<16xi32>
        %add3A_141 = arith.addi %add3A_140, %add3A_45 : vector<16xi32>
        %swap3A = arith.index_cast %add3A_130 : i32 to index
        %swap3A_142 = tpu.vector_load %arg12[%swap3A] {strides = array<i32>} : memref<16384xi32, #tpu.memory_space<vmem>>, vector<16xi32>,
        %swap3A_143 = vector.shape_cast %swap3A_142 : vector<16xi32> to vector<16xi32>
        %swap3A_144 = vector.shape_cast %add3A_141 : vector<16xi32> to vector<16xi32>
        tpu.vector_store %arg12[%swap3A], %swap3A_144 {strides = array<i32>} : memref<16384xi32, #tpu.memory_space<vmem>>, vector<16xi32>,
        %and3A_145 = arith.constant -128 : i32
        %and3A_146 = vector.broadcast %and3A_145 : i32 to vector<16xi32>
        %and3A_147 = arith.andi %gather3A_136, %and3A_146 : vector<16xi32>
        %add3A_148 = arith.addi %gather3A_136, %and3A_147 : vector<16xi32>
        %add3A_149 = arith.addi %add3A_148, %add3A_45 : vector<16xi32>
        %add3A_150 = arith.constant 16 : i32
        %add3A_151 = arith.addi %add3A_130, %add3A_150 : i32
        %swap3A_152 = arith.index_cast %add3A_151 : i32 to index
        %swap3A_153 = tpu.vector_load %arg12[%swap3A_152] {strides = array<i32>} : memref<16384xi32, #tpu.memory_space<vmem>>, vector<16xi32>,
        %swap3A_154 = vector.shape_cast %swap3A_153 : vector<16xi32> to vector<16xi32>
        %swap3A_155 = vector.shape_cast %add3A_149 : vector<16xi32> to vector<16xi32>
        tpu.vector_store %arg12[%swap3A_152], %swap3A_155 {strides = array<i32>} : memref<16384xi32, #tpu.memory_space<vmem>>, vector<16xi32>,
        %add3A_156 = arith.constant 32 : i32
        %add3A_157 = arith.addi %mul3A_128, %add3A_156 : i32
        %broadcast_in_dim3A_158 = vector.shape_cast %shift_right_logical3A_4 : vector<16xi32> to vector<16x1xi32>
        %gather3A_159 = vector.shape_cast %broadcast_in_dim3A_158 : vector<16x1xi32> to vector<16xi32>
        %gather3A_160 = tpu.dynamic_gather %and3A_99[%gather3A_159] in [0] : vector<16xi32>, vector<16xi32> -> vector<16xi32>
        %broadcast_in_dim3A_161 = vector.shape_cast %add3A_7 : vector<16xi32> to vector<16x1xi32>
        %gather3A_162 = vector.shape_cast %broadcast_in_dim3A_161 : vector<16x1xi32> to vector<16xi32>
        %gather3A_163 = tpu.dynamic_gather %and3A_99[%gather3A_162] in [0] : vector<16xi32>, vector<16xi32> -> vector<16xi32>
        %and3A_164 = arith.constant -128 : i32
        %and3A_165 = vector.broadcast %and3A_164 : i32 to vector<16xi32>
        %and3A_166 = arith.andi %gather3A_160, %and3A_165 : vector<16xi32>
        %add3A_167 = arith.addi %gather3A_160, %and3A_166 : vector<16xi32>
        %add3A_168 = arith.addi %add3A_167, %add3A_45 : vector<16xi32>
        %swap3A_169 = arith.index_cast %add3A_157 : i32 to index
        %swap3A_170 = tpu.vector_load %arg12[%swap3A_169] {strides = array<i32>} : memref<16384xi32, #tpu.memory_space<vmem>>, vector<16xi32>,
        %swap3A_171 = vector.shape_cast %swap3A_170 : vector<16xi32> to vector<16xi32>
        %swap3A_172 = vector.shape_cast %add3A_168 : vector<16xi32> to vector<16xi32>
        tpu.vector_store %arg12[%swap3A_169], %swap3A_172 {strides = array<i32>} : memref<16384xi32, #tpu.memory_space<vmem>>, vector<16xi32>,
        %and3A_173 = arith.constant -128 : i32
        %and3A_174 = vector.broadcast %and3A_173 : i32 to vector<16xi32>
        %and3A_175 = arith.andi %gather3A_163, %and3A_174 : vector<16xi32>
        %add3A_176 = arith.addi %gather3A_163, %and3A_175 : vector<16xi32>
        %add3A_177 = arith.addi %add3A_176, %add3A_45 : vector<16xi32>
        %add3A_178 = arith.constant 16 : i32
        %add3A_179 = arith.addi %add3A_157, %add3A_178 : i32
        %swap3A_180 = arith.index_cast %add3A_179 : i32 to index
        %swap3A_181 = tpu.vector_load %arg12[%swap3A_180] {strides = array<i32>} : memref<16384xi32, #tpu.memory_space<vmem>>, vector<16xi32>,
        %swap3A_182 = vector.shape_cast %swap3A_181 : vector<16xi32> to vector<16xi32>
        %swap3A_183 = vector.shape_cast %add3A_177 : vector<16xi32> to vector<16xi32>
        tpu.vector_store %arg12[%swap3A_180], %swap3A_183 {strides = array<i32>} : memref<16384xi32, #tpu.memory_space<vmem>>, vector<16xi32>,
        %add3A_184 = arith.constant 64 : i32
        %add3A_185 = arith.addi %mul3A_128, %add3A_184 : i32
        %broadcast_in_dim3A_186 = vector.shape_cast %shift_right_logical3A_4 : vector<16xi32> to vector<16x1xi32>
        %gather3A_187 = vector.shape_cast %broadcast_in_dim3A_186 : vector<16x1xi32> to vector<16xi32>
        %gather3A_188 = tpu.dynamic_gather %and3A_103[%gather3A_187] in [0] : vector<16xi32>, vector<16xi32> -> vector<16xi32>
        %broadcast_in_dim3A_189 = vector.shape_cast %add3A_7 : vector<16xi32> to vector<16x1xi32>
        %gather3A_190 = vector.shape_cast %broadcast_in_dim3A_189 : vector<16x1xi32> to vector<16xi32>
        %gather3A_191 = tpu.dynamic_gather %and3A_103[%gather3A_190] in [0] : vector<16xi32>, vector<16xi32> -> vector<16xi32>
        %and3A_192 = arith.constant -128 : i32
        %and3A_193 = vector.broadcast %and3A_192 : i32 to vector<16xi32>
        %and3A_194 = arith.andi %gather3A_188, %and3A_193 : vector<16xi32>
        %add3A_195 = arith.addi %gather3A_188, %and3A_194 : vector<16xi32>
        %add3A_196 = arith.addi %add3A_195, %add3A_45 : vector<16xi32>
        %swap3A_197 = arith.index_cast %add3A_185 : i32 to index
        %swap3A_198 = tpu.vector_load %arg12[%swap3A_197] {strides = array<i32>} : memref<16384xi32, #tpu.memory_space<vmem>>, vector<16xi32>,
        %swap3A_199 = vector.shape_cast %swap3A_198 : vector<16xi32> to vector<16xi32>
        %swap3A_200 = vector.shape_cast %add3A_196 : vector<16xi32> to vector<16xi32>
        tpu.vector_store %arg12[%swap3A_197], %swap3A_200 {strides = array<i32>} : memref<16384xi32, #tpu.memory_space<vmem>>, vector<16xi32>,
        %and3A_201 = arith.constant -128 : i32
        %and3A_202 = vector.broadcast %and3A_201 : i32 to vector<16xi32>
        %and3A_203 = arith.andi %gather3A_191, %and3A_202 : vector<16xi32>
        %add3A_204 = arith.addi %gather3A_191, %and3A_203 : vector<16xi32>
        %add3A_205 = arith.addi %add3A_204, %add3A_45 : vector<16xi32>
        %add3A_206 = arith.constant 16 : i32
        %add3A_207 = arith.addi %add3A_185, %add3A_206 : i32
        %swap3A_208 = arith.index_cast %add3A_207 : i32 to index
        %swap3A_209 = tpu.vector_load %arg12[%swap3A_208] {strides = array<i32>} : memref<16384xi32, #tpu.memory_space<vmem>>, vector<16xi32>,
        %swap3A_210 = vector.shape_cast %swap3A_209 : vector<16xi32> to vector<16xi32>
        %swap3A_211 = vector.shape_cast %add3A_205 : vector<16xi32> to vector<16xi32>
        tpu.vector_store %arg12[%swap3A_208], %swap3A_211 {strides = array<i32>} : memref<16384xi32, #tpu.memory_space<vmem>>, vector<16xi32>,
        %add3A_212 = arith.constant 96 : i32
        %add3A_213 = arith.addi %mul3A_128, %add3A_212 : i32
        %broadcast_in_dim3A_214 = vector.shape_cast %shift_right_logical3A_4 : vector<16xi32> to vector<16x1xi32>
        %gather3A_215 = vector.shape_cast %broadcast_in_dim3A_214 : vector<16x1xi32> to vector<16xi32>
        %gather3A_216 = tpu.dynamic_gather %and3A_107[%gather3A_215] in [0] : vector<16xi32>, vector<16xi32> -> vector<16xi32>
        %broadcast_in_dim3A_217 = vector.shape_cast %add3A_7 : vector<16xi32> to vector<16x1xi32>
        %gather3A_218 = vector.shape_cast %broadcast_in_dim3A_217 : vector<16x1xi32> to vector<16xi32>
        %gather3A_219 = tpu.dynamic_gather %and3A_107[%gather3A_218] in [0] : vector<16xi32>, vector<16xi32> -> vector<16xi32>
        %and3A_220 = arith.constant -128 : i32
        %and3A_221 = vector.broadcast %and3A_220 : i32 to vector<16xi32>
        %and3A_222 = arith.andi %gather3A_216, %and3A_221 : vector<16xi32>
        %add3A_223 = arith.addi %gather3A_216, %and3A_222 : vector<16xi32>
        %add3A_224 = arith.addi %add3A_223, %add3A_45 : vector<16xi32>
        %swap3A_225 = arith.index_cast %add3A_213 : i32 to index
        %swap3A_226 = tpu.vector_load %arg12[%swap3A_225] {strides = array<i32>} : memref<16384xi32, #tpu.memory_space<vmem>>, vector<16xi32>,
        %swap3A_227 = vector.shape_cast %swap3A_226 : vector<16xi32> to vector<16xi32>
        %swap3A_228 = vector.shape_cast %add3A_224 : vector<16xi32> to vector<16xi32>
        tpu.vector_store %arg12[%swap3A_225], %swap3A_228 {strides = array<i32>} : memref<16384xi32, #tpu.memory_space<vmem>>, vector<16xi32>,
        %and3A_229 = arith.constant -128 : i32
        %and3A_230 = vector.broadcast %and3A_229 : i32 to vector<16xi32>
        %and3A_231 = arith.andi %gather3A_219, %and3A_230 : vector<16xi32>
        %add3A_232 = arith.addi %gather3A_219, %and3A_231 : vector<16xi32>
        %add3A_233 = arith.addi %add3A_232, %add3A_45 : vector<16xi32>
        %add3A_234 = arith.constant 16 : i32
        %add3A_235 = arith.addi %add3A_213, %add3A_234 : i32
        %swap3A_236 = arith.index_cast %add3A_235 : i32 to index
        %swap3A_237 = tpu.vector_load %arg12[%swap3A_236] {strides = array<i32>} : memref<16384xi32, #tpu.memory_space<vmem>>, vector<16xi32>,
        %swap3A_238 = vector.shape_cast %swap3A_237 : vector<16xi32> to vector<16xi32>
        %swap3A_239 = vector.shape_cast %add3A_233 : vector<16xi32> to vector<16xi32>
        tpu.vector_store %arg12[%swap3A_236], %swap3A_239 {strides = array<i32>} : memref<16384xi32, #tpu.memory_space<vmem>>, vector<16xi32>,
        %add3A_240 = arith.constant 128 : i32
        %add3A_241 = arith.addi %mul3A_128, %add3A_240 : i32
        %broadcast_in_dim3A_242 = vector.shape_cast %shift_right_logical3A_4 : vector<16xi32> to vector<16x1xi32>
        %gather3A_243 = vector.shape_cast %broadcast_in_dim3A_242 : vector<16x1xi32> to vector<16xi32>
        %gather3A_244 = tpu.dynamic_gather %and3A_111[%gather3A_243] in [0] : vector<16xi32>, vector<16xi32> -> vector<16xi32>
        %broadcast_in_dim3A_245 = vector.shape_cast %add3A_7 : vector<16xi32> to vector<16x1xi32>
        %gather3A_246 = vector.shape_cast %broadcast_in_dim3A_245 : vector<16x1xi32> to vector<16xi32>
        %gather3A_247 = tpu.dynamic_gather %and3A_111[%gather3A_246] in [0] : vector<16xi32>, vector<16xi32> -> vector<16xi32>
        %and3A_248 = arith.constant -128 : i32
        %and3A_249 = vector.broadcast %and3A_248 : i32 to vector<16xi32>
        %and3A_250 = arith.andi %gather3A_244, %and3A_249 : vector<16xi32>
        %add3A_251 = arith.addi %gather3A_244, %and3A_250 : vector<16xi32>
        %add3A_252 = arith.addi %add3A_251, %add3A_45 : vector<16xi32>
        %swap3A_253 = arith.index_cast %add3A_241 : i32 to index
        %swap3A_254 = tpu.vector_load %arg12[%swap3A_253] {strides = array<i32>} : memref<16384xi32, #tpu.memory_space<vmem>>, vector<16xi32>,
        %swap3A_255 = vector.shape_cast %swap3A_254 : vector<16xi32> to vector<16xi32>
        %swap3A_256 = vector.shape_cast %add3A_252 : vector<16xi32> to vector<16xi32>
        tpu.vector_store %arg12[%swap3A_253], %swap3A_256 {strides = array<i32>} : memref<16384xi32, #tpu.memory_space<vmem>>, vector<16xi32>,
        %and3A_257 = arith.constant -128 : i32
        %and3A_258 = vector.broadcast %and3A_257 : i32 to vector<16xi32>
        %and3A_259 = arith.andi %gather3A_247, %and3A_258 : vector<16xi32>
        %add3A_260 = arith.addi %gather3A_247, %and3A_259 : vector<16xi32>
        %add3A_261 = arith.addi %add3A_260, %add3A_45 : vector<16xi32>
        %add3A_262 = arith.constant 16 : i32
        %add3A_263 = arith.addi %add3A_241, %add3A_262 : i32
        %swap3A_264 = arith.index_cast %add3A_263 : i32 to index
        %swap3A_265 = tpu.vector_load %arg12[%swap3A_264] {strides = array<i32>} : memref<16384xi32, #tpu.memory_space<vmem>>, vector<16xi32>,
        %swap3A_266 = vector.shape_cast %swap3A_265 : vector<16xi32> to vector<16xi32>
        %swap3A_267 = vector.shape_cast %add3A_261 : vector<16xi32> to vector<16xi32>
        tpu.vector_store %arg12[%swap3A_264], %swap3A_267 {strides = array<i32>} : memref<16384xi32, #tpu.memory_space<vmem>>, vector<16xi32>,
        %add3A_268 = arith.constant 160 : i32
        %add3A_269 = arith.addi %mul3A_128, %add3A_268 : i32
        %broadcast_in_dim3A_270 = vector.shape_cast %shift_right_logical3A_4 : vector<16xi32> to vector<16x1xi32>
        %gather3A_271 = vector.shape_cast %broadcast_in_dim3A_270 : vector<16x1xi32> to vector<16xi32>
        %gather3A_272 = tpu.dynamic_gather %and3A_115[%gather3A_271] in [0] : vector<16xi32>, vector<16xi32> -> vector<16xi32>
        %broadcast_in_dim3A_273 = vector.shape_cast %add3A_7 : vector<16xi32> to vector<16x1xi32>
        %gather3A_274 = vector.shape_cast %broadcast_in_dim3A_273 : vector<16x1xi32> to vector<16xi32>
        %gather3A_275 = tpu.dynamic_gather %and3A_115[%gather3A_274] in [0] : vector<16xi32>, vector<16xi32> -> vector<16xi32>
        %and3A_276 = arith.constant -128 : i32
        %and3A_277 = vector.broadcast %and3A_276 : i32 to vector<16xi32>
        %and3A_278 = arith.andi %gather3A_272, %and3A_277 : vector<16xi32>
        %add3A_279 = arith.addi %gather3A_272, %and3A_278 : vector<16xi32>
        %add3A_280 = arith.addi %add3A_279, %add3A_45 : vector<16xi32>
        %swap3A_281 = arith.index_cast %add3A_269 : i32 to index
        %swap3A_282 = tpu.vector_load %arg12[%swap3A_281] {strides = array<i32>} : memref<16384xi32, #tpu.memory_space<vmem>>, vector<16xi32>,
        %swap3A_283 = vector.shape_cast %swap3A_282 : vector<16xi32> to vector<16xi32>
        %swap3A_284 = vector.shape_cast %add3A_280 : vector<16xi32> to vector<16xi32>
        tpu.vector_store %arg12[%swap3A_281], %swap3A_284 {strides = array<i32>} : memref<16384xi32, #tpu.memory_space<vmem>>, vector<16xi32>,
        %and3A_285 = arith.constant -128 : i32
        %and3A_286 = vector.broadcast %and3A_285 : i32 to vector<16xi32>
        %and3A_287 = arith.andi %gather3A_275, %and3A_286 : vector<16xi32>
        %add3A_288 = arith.addi %gather3A_275, %and3A_287 : vector<16xi32>
        %add3A_289 = arith.addi %add3A_288, %add3A_45 : vector<16xi32>
        %add3A_290 = arith.constant 16 : i32
        %add3A_291 = arith.addi %add3A_269, %add3A_290 : i32
        %swap3A_292 = arith.index_cast %add3A_291 : i32 to index
        %swap3A_293 = tpu.vector_load %arg12[%swap3A_292] {strides = array<i32>} : memref<16384xi32, #tpu.memory_space<vmem>>, vector<16xi32>,
        %swap3A_294 = vector.shape_cast %swap3A_293 : vector<16xi32> to vector<16xi32>
        %swap3A_295 = vector.shape_cast %add3A_289 : vector<16xi32> to vector<16xi32>
        tpu.vector_store %arg12[%swap3A_292], %swap3A_295 {strides = array<i32>} : memref<16384xi32, #tpu.memory_space<vmem>>, vector<16xi32>,
        %add3A_296 = arith.constant 192 : i32
        %add3A_297 = arith.addi %mul3A_128, %add3A_296 : i32
        %broadcast_in_dim3A_298 = vector.shape_cast %shift_right_logical3A_4 : vector<16xi32> to vector<16x1xi32>
        %gather3A_299 = vector.shape_cast %broadcast_in_dim3A_298 : vector<16x1xi32> to vector<16xi32>
        %gather3A_300 = tpu.dynamic_gather %and3A_119[%gather3A_299] in [0] : vector<16xi32>, vector<16xi32> -> vector<16xi32>
        %broadcast_in_dim3A_301 = vector.shape_cast %add3A_7 : vector<16xi32> to vector<16x1xi32>
        %gather3A_302 = vector.shape_cast %broadcast_in_dim3A_301 : vector<16x1xi32> to vector<16xi32>
        %gather3A_303 = tpu.dynamic_gather %and3A_119[%gather3A_302] in [0] : vector<16xi32>, vector<16xi32> -> vector<16xi32>
        %and3A_304 = arith.constant -128 : i32
        %and3A_305 = vector.broadcast %and3A_304 : i32 to vector<16xi32>
        %and3A_306 = arith.andi %gather3A_300, %and3A_305 : vector<16xi32>
        %add3A_307 = arith.addi %gather3A_300, %and3A_306 : vector<16xi32>
        %add3A_308 = arith.addi %add3A_307, %add3A_45 : vector<16xi32>
        %swap3A_309 = arith.index_cast %add3A_297 : i32 to index
        %swap3A_310 = tpu.vector_load %arg12[%swap3A_309] {strides = array<i32>} : memref<16384xi32, #tpu.memory_space<vmem>>, vector<16xi32>,
        %swap3A_311 = vector.shape_cast %swap3A_310 : vector<16xi32> to vector<16xi32>
        %swap3A_312 = vector.shape_cast %add3A_308 : vector<16xi32> to vector<16xi32>
        tpu.vector_store %arg12[%swap3A_309], %swap3A_312 {strides = array<i32>} : memref<16384xi32, #tpu.memory_space<vmem>>, vector<16xi32>,
        %and3A_313 = arith.constant -128 : i32
        %and3A_314 = vector.broadcast %and3A_313 : i32 to vector<16xi32>
        %and3A_315 = arith.andi %gather3A_303, %and3A_314 : vector<16xi32>
        %add3A_316 = arith.addi %gather3A_303, %and3A_315 : vector<16xi32>
        %add3A_317 = arith.addi %add3A_316, %add3A_45 : vector<16xi32>
        %add3A_318 = arith.constant 16 : i32
        %add3A_319 = arith.addi %add3A_297, %add3A_318 : i32
        %swap3A_320 = arith.index_cast %add3A_319 : i32 to index
        %swap3A_321 = tpu.vector_load %arg12[%swap3A_320] {strides = array<i32>} : memref<16384xi32, #tpu.memory_space<vmem>>, vector<16xi32>,
        %swap3A_322 = vector.shape_cast %swap3A_321 : vector<16xi32> to vector<16xi32>
        %swap3A_323 = vector.shape_cast %add3A_317 : vector<16xi32> to vector<16xi32>
        tpu.vector_store %arg12[%swap3A_320], %swap3A_323 {strides = array<i32>} : memref<16384xi32, #tpu.memory_space<vmem>>, vector<16xi32>,
        %add3A_324 = arith.constant 224 : i32
        %add3A_325 = arith.addi %mul3A_128, %add3A_324 : i32
        %broadcast_in_dim3A_326 = vector.shape_cast %shift_right_logical3A_4 : vector<16xi32> to vector<16x1xi32>
        %gather3A_327 = vector.shape_cast %broadcast_in_dim3A_326 : vector<16x1xi32> to vector<16xi32>
        %gather3A_328 = tpu.dynamic_gather %and3A_123[%gather3A_327] in [0] : vector<16xi32>, vector<16xi32> -> vector<16xi32>
        %broadcast_in_dim3A_329 = vector.shape_cast %add3A_7 : vector<16xi32> to vector<16x1xi32>
        %gather3A_330 = vector.shape_cast %broadcast_in_dim3A_329 : vector<16x1xi32> to vector<16xi32>
        %gather3A_331 = tpu.dynamic_gather %and3A_123[%gather3A_330] in [0] : vector<16xi32>, vector<16xi32> -> vector<16xi32>
        %and3A_332 = arith.constant -128 : i32
        %and3A_333 = vector.broadcast %and3A_332 : i32 to vector<16xi32>
        %and3A_334 = arith.andi %gather3A_328, %and3A_333 : vector<16xi32>
        %add3A_335 = arith.addi %gather3A_328, %and3A_334 : vector<16xi32>
        %add3A_336 = arith.addi %add3A_335, %add3A_45 : vector<16xi32>
        %swap3A_337 = arith.index_cast %add3A_325 : i32 to index
        %swap3A_338 = tpu.vector_load %arg12[%swap3A_337] {strides = array<i32>} : memref<16384xi32, #tpu.memory_space<vmem>>, vector<16xi32>,
        %swap3A_339 = vector.shape_cast %swap3A_338 : vector<16xi32> to vector<16xi32>
        %swap3A_340 = vector.shape_cast %add3A_336 : vector<16xi32> to vector<16xi32>
        tpu.vector_store %arg12[%swap3A_337], %swap3A_340 {strides = array<i32>} : memref<16384xi32, #tpu.memory_space<vmem>>, vector<16xi32>,
        %and3A_341 = arith.constant -128 : i32
        %and3A_342 = vector.broadcast %and3A_341 : i32 to vector<16xi32>
        %and3A_343 = arith.andi %gather3A_331, %and3A_342 : vector<16xi32>
        %add3A_344 = arith.addi %gather3A_331, %and3A_343 : vector<16xi32>
        %add3A_345 = arith.addi %add3A_344, %add3A_45 : vector<16xi32>
        %add3A_346 = arith.constant 16 : i32
        %add3A_347 = arith.addi %add3A_325, %add3A_346 : i32
        %swap3A_348 = arith.index_cast %add3A_347 : i32 to index
        %swap3A_349 = tpu.vector_load %arg12[%swap3A_348] {strides = array<i32>} : memref<16384xi32, #tpu.memory_space<vmem>>, vector<16xi32>,
        %swap3A_350 = vector.shape_cast %swap3A_349 : vector<16xi32> to vector<16xi32>
        %swap3A_351 = vector.shape_cast %add3A_345 : vector<16xi32> to vector<16xi32>
        tpu.vector_store %arg12[%swap3A_348], %swap3A_351 {strides = array<i32>} : memref<16384xi32, #tpu.memory_space<vmem>>, vector<16xi32>,
      }
      %scan3A_50 = arith.constant 4 : i32
    }
    %scan3A_28 = arith.constant 16 : i32
    %dma_start3A = arith.constant 0 : i32
    %dma_start3A_29 = tpu.memref_slice %arg5[%dma_start3A] : memref<16777216xf32, #tpu.memory_space<hbm>> -> memref<16777216xf32, #tpu.memory_space<hbm>>
    tpu.enqueue_indirect_dma source(%dma_start3A_29 : memref<16777216xf32, #tpu.memory_space<hbm>>) target(%arg14 : memref<16384xf32, #tpu.memory_space<vmem>>) offsets(%arg12 : memref<16384xi32, #tpu.memory_space<vmem>>) semaphore(%arg17 : memref<!tpu.dma_semaphore, #tpu.memory_space<semaphore_mem>>)
    %scan3A_30 = arith.constant 0 : i32
    %scan3A_31 = arith.constant 32 : i32
    %scan3A_32 = arith.addi %scan3A_30, %scan3A_31 : i32
    %scan3A_33 = arith.constant 1 : i32
    scf.for %scan3A_35 = %scan3A_30 to %scan3A_32 step %scan3A_33  : i32 {
      %mul3A_36 = arith.constant 2 : i32
      %mul3A_37 = arith.muli %scan3A_35, %mul3A_36 : i32
      %add3A_38 = arith.constant 0 : i32
      %add3A_39 = arith.addi %add3A_38, %mul3A_37 : i32
      %add3A_40 = arith.constant 1 : i32
      %add3A_41 = arith.addi %add3A_39, %add3A_40 : i32
      %mul3A_42 = arith.constant 64 : i32
      %mul3A_43 = arith.muli %add3A_41, %mul3A_42 : i32
      %scan3A_44 = arith.constant 0 : i32
      %scan3A_45 = arith.constant 16 : i32
      %scan3A_46 = arith.addi %scan3A_44, %scan3A_45 : i32
      %scan3A_47 = arith.constant 1 : i32
      scf.for %scan3A_90 = %scan3A_44 to %scan3A_46 step %scan3A_47  : i32 {
        %mul3A_91 = arith.constant 1 : i32
        %mul3A_92 = arith.muli %scan3A_90, %mul3A_91 : i32
        %add3A_93 = arith.constant 0 : i32
        %add3A_94 = arith.addi %add3A_93, %mul3A_92 : i32
        %broadcast_in_dim3A = vector.broadcast %add3A_94 : i32 to vector<16xi32>
        %broadcast_in_dim3A_95 = vector.shape_cast %broadcast_in_dim3A : vector<16xi32> to vector<16x1xi32>
        %gather3A = vector.shape_cast %broadcast_in_dim3A_95 : vector<16x1xi32> to vector<16xi32>
        %gather3A_96 = tpu.dynamic_gather %get3A_24[%gather3A] in [0] : vector<16xf32>, vector<16xi32> -> vector<16xf32>
        %mul3A_97 = arith.constant 1048576 : i32
        %mul3A_98 = arith.muli %add3A_94, %mul3A_97 : i32
        %add3A_99 = vector.broadcast %mul3A_98 : i32 to vector<16xi32>
        %add3A_100 = arith.addi %mul3A_12, %add3A_99 : vector<16xi32>
        %scan3A_101 = arith.constant 0 : i32
        %scan3A_102 = arith.constant 4 : i32
        %scan3A_103 = arith.addi %scan3A_101, %scan3A_102 : i32
        %scan3A_104 = arith.constant 1 : i32
        scf.for %scan3A_106 = %scan3A_101 to %scan3A_103 step %scan3A_104  : i32 {
          %mul3A_107 = arith.constant 1 : i32
          %mul3A_108 = arith.muli %scan3A_106, %mul3A_107 : i32
          %add3A_109 = arith.constant 0 : i32
          %add3A_110 = arith.addi %add3A_109, %mul3A_108 : i32
          %mul3A_111 = arith.constant 16 : i32
          %mul3A_112 = arith.muli %add3A_110, %mul3A_111 : i32
          %add3A_113 = arith.addi %mul3A_43, %mul3A_112 : i32
          %get3A_114 = arith.index_cast %add3A_113 : i32 to index
          %get3A_115 = tpu.vector_load %arg8[%get3A_114] {strides = array<i32>} : memref<4096xf32, #tpu.memory_space<vmem>>, vector<16xf32>,
          %get3A_116 = vector.shape_cast %get3A_115 : vector<16xf32> to vector<16xf32>
          %mul3A_117 = arith.mulf %get3A_116, %gather3A_96 : vector<16xf32>
          %convert_element_type3A_118 = arith.fptosi %mul3A_117 : vector<16xf32> to vector<16xi32>
          %get3A_119 = arith.index_cast %add3A_113 : i32 to index
          %get3A_120 = tpu.vector_load %arg9[%get3A_119] {strides = array<i32>} : memref<4096xf32, #tpu.memory_space<vmem>>, vector<16xf32>,
          %get3A_121 = vector.shape_cast %get3A_120 : vector<16xf32> to vector<16xf32>
          %mul3A_122 = arith.mulf %get3A_121, %gather3A_96 : vector<16xf32>
          %convert_element_type3A_123 = arith.fptosi %mul3A_122 : vector<16xf32> to vector<16xi32>
          %get3A_124 = arith.index_cast %add3A_113 : i32 to index
          %get3A_125 = tpu.vector_load %arg10[%get3A_124] {strides = array<i32>} : memref<4096xf32, #tpu.memory_space<vmem>>, vector<16xf32>,
          %get3A_126 = vector.shape_cast %get3A_125 : vector<16xf32> to vector<16xf32>
          %mul3A_127 = arith.mulf %get3A_126, %gather3A_96 : vector<16xf32>
          %convert_element_type3A_128 = arith.fptosi %mul3A_127 : vector<16xf32> to vector<16xi32>
          %add3A_129 = arith.constant 1 : i32
          %add3A_130 = vector.broadcast %add3A_129 : i32 to vector<16xi32>
          %add3A_131 = arith.addi %convert_element_type3A_118, %add3A_130 : vector<16xi32>
          %mul3A_132 = arith.constant -1640531535 : i32
          %mul3A_133 = vector.broadcast %mul3A_132 : i32 to vector<16xi32>
          %mul3A_134 = arith.muli %convert_element_type3A_123, %mul3A_133 : vector<16xi32>
          %add3A_135 = arith.constant -1640531535 : i32
          %add3A_136 = vector.broadcast %add3A_135 : i32 to vector<16xi32>
          %add3A_137 = arith.addi %mul3A_134, %add3A_136 : vector<16xi32>
          %mul3A_138 = arith.constant 805459861 : i32
          %mul3A_139 = vector.broadcast %mul3A_138 : i32 to vector<16xi32>
          %mul3A_140 = arith.muli %convert_element_type3A_128, %mul3A_139 : vector<16xi32>
          %add3A_141 = arith.constant 805459861 : i32
          %add3A_142 = vector.broadcast %add3A_141 : i32 to vector<16xi32>
          %add3A_143 = arith.addi %mul3A_140, %add3A_142 : vector<16xi32>
          %xor3A = arith.xori %add3A_131, %add3A_137 : vector<16xi32>
          %xor3A_144 = arith.xori %add3A_131, %mul3A_134 : vector<16xi32>
          %xor3A_145 = arith.xori %convert_element_type3A_118, %mul3A_134 : vector<16xi32>
          %xor3A_146 = arith.xori %convert_element_type3A_118, %add3A_137 : vector<16xi32>
          %xor3A_147 = arith.xori %xor3A, %add3A_143 : vector<16xi32>
          %and3A_148 = arith.constant 524287 : i32
          %and3A_149 = vector.broadcast %and3A_148 : i32 to vector<16xi32>
          %and3A_150 = arith.andi %xor3A_147, %and3A_149 : vector<16xi32>
          %xor3A_151 = arith.xori %xor3A_144, %add3A_143 : vector<16xi32>
          %and3A_152 = arith.constant 524287 : i32
          %and3A_153 = vector.broadcast %and3A_152 : i32 to vector<16xi32>
          %and3A_154 = arith.andi %xor3A_151, %and3A_153 : vector<16xi32>
          %xor3A_155 = arith.xori %xor3A_145, %add3A_143 : vector<16xi32>
          %and3A_156 = arith.constant 524287 : i32
          %and3A_157 = vector.broadcast %and3A_156 : i32 to vector<16xi32>
          %and3A_158 = arith.andi %xor3A_155, %and3A_157 : vector<16xi32>
          %xor3A_159 = arith.xori %xor3A_146, %add3A_143 : vector<16xi32>
          %and3A_160 = arith.constant 524287 : i32
          %and3A_161 = vector.broadcast %and3A_160 : i32 to vector<16xi32>
          %and3A_162 = arith.andi %xor3A_159, %and3A_161 : vector<16xi32>
          %xor3A_163 = arith.xori %xor3A, %mul3A_140 : vector<16xi32>
          %and3A_164 = arith.constant 524287 : i32
          %and3A_165 = vector.broadcast %and3A_164 : i32 to vector<16xi32>
          %and3A_166 = arith.andi %xor3A_163, %and3A_165 : vector<16xi32>
          %xor3A_167 = arith.xori %xor3A_144, %mul3A_140 : vector<16xi32>
          %and3A_168 = arith.constant 524287 : i32
          %and3A_169 = vector.broadcast %and3A_168 : i32 to vector<16xi32>
          %and3A_170 = arith.andi %xor3A_167, %and3A_169 : vector<16xi32>
          %xor3A_171 = arith.xori %xor3A_145, %mul3A_140 : vector<16xi32>
          %and3A_172 = arith.constant 524287 : i32
          %and3A_173 = vector.broadcast %and3A_172 : i32 to vector<16xi32>
          %and3A_174 = arith.andi %xor3A_171, %and3A_173 : vector<16xi32>
          %xor3A_175 = arith.xori %xor3A_146, %mul3A_140 : vector<16xi32>
          %and3A_176 = arith.constant 524287 : i32
          %and3A_177 = vector.broadcast %and3A_176 : i32 to vector<16xi32>
          %and3A_178 = arith.andi %xor3A_175, %and3A_177 : vector<16xi32>
          %mul3A_179 = arith.constant 16 : i32
          %mul3A_180 = arith.muli %add3A_110, %mul3A_179 : i32
          %add3A_181 = arith.addi %mul3A_180, %add3A_94 : i32
          %mul3A_182 = arith.constant 256 : i32
          %mul3A_183 = arith.muli %add3A_181, %mul3A_182 : i32
          %add3A_184 = arith.constant 0 : i32
          %add3A_185 = arith.addi %mul3A_183, %add3A_184 : i32
          %broadcast_in_dim3A_186 = vector.shape_cast %shift_right_logical3A_4 : vector<16xi32> to vector<16x1xi32>
          %gather3A_187 = vector.shape_cast %broadcast_in_dim3A_186 : vector<16x1xi32> to vector<16xi32>
          %gather3A_188 = tpu.dynamic_gather %and3A_150[%gather3A_187] in [0] : vector<16xi32>, vector<16xi32> -> vector<16xi32>
          %broadcast_in_dim3A_189 = vector.shape_cast %add3A_7 : vector<16xi32> to vector<16x1xi32>
          %gather3A_190 = vector.shape_cast %broadcast_in_dim3A_189 : vector<16x1xi32> to vector<16xi32>
          %gather3A_191 = tpu.dynamic_gather %and3A_150[%gather3A_190] in [0] : vector<16xi32>, vector<16xi32> -> vector<16xi32>
          %and3A_192 = arith.constant -128 : i32
          %and3A_193 = vector.broadcast %and3A_192 : i32 to vector<16xi32>
          %and3A_194 = arith.andi %gather3A_188, %and3A_193 : vector<16xi32>
          %add3A_195 = arith.addi %gather3A_188, %and3A_194 : vector<16xi32>
          %add3A_196 = arith.addi %add3A_195, %add3A_100 : vector<16xi32>
          %swap3A = arith.index_cast %add3A_185 : i32 to index
          %swap3A_197 = tpu.vector_load %arg13[%swap3A] {strides = array<i32>} : memref<16384xi32, #tpu.memory_space<vmem>>, vector<16xi32>,
          %swap3A_198 = vector.shape_cast %swap3A_197 : vector<16xi32> to vector<16xi32>
          %swap3A_199 = vector.shape_cast %add3A_196 : vector<16xi32> to vector<16xi32>
          tpu.vector_store %arg13[%swap3A], %swap3A_199 {strides = array<i32>} : memref<16384xi32, #tpu.memory_space<vmem>>, vector<16xi32>,
          %and3A_200 = arith.constant -128 : i32
          %and3A_201 = vector.broadcast %and3A_200 : i32 to vector<16xi32>
          %and3A_202 = arith.andi %gather3A_191, %and3A_201 : vector<16xi32>
          %add3A_203 = arith.addi %gather3A_191, %and3A_202 : vector<16xi32>
          %add3A_204 = arith.addi %add3A_203, %add3A_100 : vector<16xi32>
          %add3A_205 = arith.constant 16 : i32
          %add3A_206 = arith.addi %add3A_185, %add3A_205 : i32
          %swap3A_207 = arith.index_cast %add3A_206 : i32 to index
          %swap3A_208 = tpu.vector_load %arg13[%swap3A_207] {strides = array<i32>} : memref<16384xi32, #tpu.memory_space<vmem>>, vector<16xi32>,
          %swap3A_209 = vector.shape_cast %swap3A_208 : vector<16xi32> to vector<16xi32>
          %swap3A_210 = vector.shape_cast %add3A_204 : vector<16xi32> to vector<16xi32>
          tpu.vector_store %arg13[%swap3A_207], %swap3A_210 {strides = array<i32>} : memref<16384xi32, #tpu.memory_space<vmem>>, vector<16xi32>,
          %add3A_211 = arith.constant 32 : i32
          %add3A_212 = arith.addi %mul3A_183, %add3A_211 : i32
          %broadcast_in_dim3A_213 = vector.shape_cast %shift_right_logical3A_4 : vector<16xi32> to vector<16x1xi32>
          %gather3A_214 = vector.shape_cast %broadcast_in_dim3A_213 : vector<16x1xi32> to vector<16xi32>
          %gather3A_215 = tpu.dynamic_gather %and3A_154[%gather3A_214] in [0] : vector<16xi32>, vector<16xi32> -> vector<16xi32>
          %broadcast_in_dim3A_216 = vector.shape_cast %add3A_7 : vector<16xi32> to vector<16x1xi32>
          %gather3A_217 = vector.shape_cast %broadcast_in_dim3A_216 : vector<16x1xi32> to vector<16xi32>
          %gather3A_218 = tpu.dynamic_gather %and3A_154[%gather3A_217] in [0] : vector<16xi32>, vector<16xi32> -> vector<16xi32>
          %and3A_219 = arith.constant -128 : i32
          %and3A_220 = vector.broadcast %and3A_219 : i32 to vector<16xi32>
          %and3A_221 = arith.andi %gather3A_215, %and3A_220 : vector<16xi32>
          %add3A_222 = arith.addi %gather3A_215, %and3A_221 : vector<16xi32>
          %add3A_223 = arith.addi %add3A_222, %add3A_100 : vector<16xi32>
          %swap3A_224 = arith.index_cast %add3A_212 : i32 to index
          %swap3A_225 = tpu.vector_load %arg13[%swap3A_224] {strides = array<i32>} : memref<16384xi32, #tpu.memory_space<vmem>>, vector<16xi32>,
          %swap3A_226 = vector.shape_cast %swap3A_225 : vector<16xi32> to vector<16xi32>
          %swap3A_227 = vector.shape_cast %add3A_223 : vector<16xi32> to vector<16xi32>
          tpu.vector_store %arg13[%swap3A_224], %swap3A_227 {strides = array<i32>} : memref<16384xi32, #tpu.memory_space<vmem>>, vector<16xi32>,
          %and3A_228 = arith.constant -128 : i32
          %and3A_229 = vector.broadcast %and3A_228 : i32 to vector<16xi32>
          %and3A_230 = arith.andi %gather3A_218, %and3A_229 : vector<16xi32>
          %add3A_231 = arith.addi %gather3A_218, %and3A_230 : vector<16xi32>
          %add3A_232 = arith.addi %add3A_231, %add3A_100 : vector<16xi32>
          %add3A_233 = arith.constant 16 : i32
          %add3A_234 = arith.addi %add3A_212, %add3A_233 : i32
          %swap3A_235 = arith.index_cast %add3A_234 : i32 to index
          %swap3A_236 = tpu.vector_load %arg13[%swap3A_235] {strides = array<i32>} : memref<16384xi32, #tpu.memory_space<vmem>>, vector<16xi32>,
          %swap3A_237 = vector.shape_cast %swap3A_236 : vector<16xi32> to vector<16xi32>
          %swap3A_238 = vector.shape_cast %add3A_232 : vector<16xi32> to vector<16xi32>
          tpu.vector_store %arg13[%swap3A_235], %swap3A_238 {strides = array<i32>} : memref<16384xi32, #tpu.memory_space<vmem>>, vector<16xi32>,
          %add3A_239 = arith.constant 64 : i32
          %add3A_240 = arith.addi %mul3A_183, %add3A_239 : i32
          %broadcast_in_dim3A_241 = vector.shape_cast %shift_right_logical3A_4 : vector<16xi32> to vector<16x1xi32>
          %gather3A_242 = vector.shape_cast %broadcast_in_dim3A_241 : vector<16x1xi32> to vector<16xi32>
          %gather3A_243 = tpu.dynamic_gather %and3A_158[%gather3A_242] in [0] : vector<16xi32>, vector<16xi32> -> vector<16xi32>
          %broadcast_in_dim3A_244 = vector.shape_cast %add3A_7 : vector<16xi32> to vector<16x1xi32>
          %gather3A_245 = vector.shape_cast %broadcast_in_dim3A_244 : vector<16x1xi32> to vector<16xi32>
          %gather3A_246 = tpu.dynamic_gather %and3A_158[%gather3A_245] in [0] : vector<16xi32>, vector<16xi32> -> vector<16xi32>
          %and3A_247 = arith.constant -128 : i32
          %and3A_248 = vector.broadcast %and3A_247 : i32 to vector<16xi32>
          %and3A_249 = arith.andi %gather3A_243, %and3A_248 : vector<16xi32>
          %add3A_250 = arith.addi %gather3A_243, %and3A_249 : vector<16xi32>
          %add3A_251 = arith.addi %add3A_250, %add3A_100 : vector<16xi32>
          %swap3A_252 = arith.index_cast %add3A_240 : i32 to index
          %swap3A_253 = tpu.vector_load %arg13[%swap3A_252] {strides = array<i32>} : memref<16384xi32, #tpu.memory_space<vmem>>, vector<16xi32>,
          %swap3A_254 = vector.shape_cast %swap3A_253 : vector<16xi32> to vector<16xi32>
          %swap3A_255 = vector.shape_cast %add3A_251 : vector<16xi32> to vector<16xi32>
          tpu.vector_store %arg13[%swap3A_252], %swap3A_255 {strides = array<i32>} : memref<16384xi32, #tpu.memory_space<vmem>>, vector<16xi32>,
          %and3A_256 = arith.constant -128 : i32
          %and3A_257 = vector.broadcast %and3A_256 : i32 to vector<16xi32>
          %and3A_258 = arith.andi %gather3A_246, %and3A_257 : vector<16xi32>
          %add3A_259 = arith.addi %gather3A_246, %and3A_258 : vector<16xi32>
          %add3A_260 = arith.addi %add3A_259, %add3A_100 : vector<16xi32>
          %add3A_261 = arith.constant 16 : i32
          %add3A_262 = arith.addi %add3A_240, %add3A_261 : i32
          %swap3A_263 = arith.index_cast %add3A_262 : i32 to index
          %swap3A_264 = tpu.vector_load %arg13[%swap3A_263] {strides = array<i32>} : memref<16384xi32, #tpu.memory_space<vmem>>, vector<16xi32>,
          %swap3A_265 = vector.shape_cast %swap3A_264 : vector<16xi32> to vector<16xi32>
          %swap3A_266 = vector.shape_cast %add3A_260 : vector<16xi32> to vector<16xi32>
          tpu.vector_store %arg13[%swap3A_263], %swap3A_266 {strides = array<i32>} : memref<16384xi32, #tpu.memory_space<vmem>>, vector<16xi32>,
          %add3A_267 = arith.constant 96 : i32
          %add3A_268 = arith.addi %mul3A_183, %add3A_267 : i32
          %broadcast_in_dim3A_269 = vector.shape_cast %shift_right_logical3A_4 : vector<16xi32> to vector<16x1xi32>
          %gather3A_270 = vector.shape_cast %broadcast_in_dim3A_269 : vector<16x1xi32> to vector<16xi32>
          %gather3A_271 = tpu.dynamic_gather %and3A_162[%gather3A_270] in [0] : vector<16xi32>, vector<16xi32> -> vector<16xi32>
          %broadcast_in_dim3A_272 = vector.shape_cast %add3A_7 : vector<16xi32> to vector<16x1xi32>
          %gather3A_273 = vector.shape_cast %broadcast_in_dim3A_272 : vector<16x1xi32> to vector<16xi32>
          %gather3A_274 = tpu.dynamic_gather %and3A_162[%gather3A_273] in [0] : vector<16xi32>, vector<16xi32> -> vector<16xi32>
          %and3A_275 = arith.constant -128 : i32
          %and3A_276 = vector.broadcast %and3A_275 : i32 to vector<16xi32>
          %and3A_277 = arith.andi %gather3A_271, %and3A_276 : vector<16xi32>
          %add3A_278 = arith.addi %gather3A_271, %and3A_277 : vector<16xi32>
          %add3A_279 = arith.addi %add3A_278, %add3A_100 : vector<16xi32>
          %swap3A_280 = arith.index_cast %add3A_268 : i32 to index
          %swap3A_281 = tpu.vector_load %arg13[%swap3A_280] {strides = array<i32>} : memref<16384xi32, #tpu.memory_space<vmem>>, vector<16xi32>,
          %swap3A_282 = vector.shape_cast %swap3A_281 : vector<16xi32> to vector<16xi32>
          %swap3A_283 = vector.shape_cast %add3A_279 : vector<16xi32> to vector<16xi32>
          tpu.vector_store %arg13[%swap3A_280], %swap3A_283 {strides = array<i32>} : memref<16384xi32, #tpu.memory_space<vmem>>, vector<16xi32>,
          %and3A_284 = arith.constant -128 : i32
          %and3A_285 = vector.broadcast %and3A_284 : i32 to vector<16xi32>
          %and3A_286 = arith.andi %gather3A_274, %and3A_285 : vector<16xi32>
          %add3A_287 = arith.addi %gather3A_274, %and3A_286 : vector<16xi32>
          %add3A_288 = arith.addi %add3A_287, %add3A_100 : vector<16xi32>
          %add3A_289 = arith.constant 16 : i32
          %add3A_290 = arith.addi %add3A_268, %add3A_289 : i32
          %swap3A_291 = arith.index_cast %add3A_290 : i32 to index
          %swap3A_292 = tpu.vector_load %arg13[%swap3A_291] {strides = array<i32>} : memref<16384xi32, #tpu.memory_space<vmem>>, vector<16xi32>,
          %swap3A_293 = vector.shape_cast %swap3A_292 : vector<16xi32> to vector<16xi32>
          %swap3A_294 = vector.shape_cast %add3A_288 : vector<16xi32> to vector<16xi32>
          tpu.vector_store %arg13[%swap3A_291], %swap3A_294 {strides = array<i32>} : memref<16384xi32, #tpu.memory_space<vmem>>, vector<16xi32>,
          %add3A_295 = arith.constant 128 : i32
          %add3A_296 = arith.addi %mul3A_183, %add3A_295 : i32
          %broadcast_in_dim3A_297 = vector.shape_cast %shift_right_logical3A_4 : vector<16xi32> to vector<16x1xi32>
          %gather3A_298 = vector.shape_cast %broadcast_in_dim3A_297 : vector<16x1xi32> to vector<16xi32>
          %gather3A_299 = tpu.dynamic_gather %and3A_166[%gather3A_298] in [0] : vector<16xi32>, vector<16xi32> -> vector<16xi32>
          %broadcast_in_dim3A_300 = vector.shape_cast %add3A_7 : vector<16xi32> to vector<16x1xi32>
          %gather3A_301 = vector.shape_cast %broadcast_in_dim3A_300 : vector<16x1xi32> to vector<16xi32>
          %gather3A_302 = tpu.dynamic_gather %and3A_166[%gather3A_301] in [0] : vector<16xi32>, vector<16xi32> -> vector<16xi32>
          %and3A_303 = arith.constant -128 : i32
          %and3A_304 = vector.broadcast %and3A_303 : i32 to vector<16xi32>
          %and3A_305 = arith.andi %gather3A_299, %and3A_304 : vector<16xi32>
          %add3A_306 = arith.addi %gather3A_299, %and3A_305 : vector<16xi32>
          %add3A_307 = arith.addi %add3A_306, %add3A_100 : vector<16xi32>
          %swap3A_308 = arith.index_cast %add3A_296 : i32 to index
          %swap3A_309 = tpu.vector_load %arg13[%swap3A_308] {strides = array<i32>} : memref<16384xi32, #tpu.memory_space<vmem>>, vector<16xi32>,
          %swap3A_310 = vector.shape_cast %swap3A_309 : vector<16xi32> to vector<16xi32>
          %swap3A_311 = vector.shape_cast %add3A_307 : vector<16xi32> to vector<16xi32>
          tpu.vector_store %arg13[%swap3A_308], %swap3A_311 {strides = array<i32>} : memref<16384xi32, #tpu.memory_space<vmem>>, vector<16xi32>,
          %and3A_312 = arith.constant -128 : i32
          %and3A_313 = vector.broadcast %and3A_312 : i32 to vector<16xi32>
          %and3A_314 = arith.andi %gather3A_302, %and3A_313 : vector<16xi32>
          %add3A_315 = arith.addi %gather3A_302, %and3A_314 : vector<16xi32>
          %add3A_316 = arith.addi %add3A_315, %add3A_100 : vector<16xi32>
          %add3A_317 = arith.constant 16 : i32
          %add3A_318 = arith.addi %add3A_296, %add3A_317 : i32
          %swap3A_319 = arith.index_cast %add3A_318 : i32 to index
          %swap3A_320 = tpu.vector_load %arg13[%swap3A_319] {strides = array<i32>} : memref<16384xi32, #tpu.memory_space<vmem>>, vector<16xi32>,
          %swap3A_321 = vector.shape_cast %swap3A_320 : vector<16xi32> to vector<16xi32>
          %swap3A_322 = vector.shape_cast %add3A_316 : vector<16xi32> to vector<16xi32>
          tpu.vector_store %arg13[%swap3A_319], %swap3A_322 {strides = array<i32>} : memref<16384xi32, #tpu.memory_space<vmem>>, vector<16xi32>,
          %add3A_323 = arith.constant 160 : i32
          %add3A_324 = arith.addi %mul3A_183, %add3A_323 : i32
          %broadcast_in_dim3A_325 = vector.shape_cast %shift_right_logical3A_4 : vector<16xi32> to vector<16x1xi32>
          %gather3A_326 = vector.shape_cast %broadcast_in_dim3A_325 : vector<16x1xi32> to vector<16xi32>
          %gather3A_327 = tpu.dynamic_gather %and3A_170[%gather3A_326] in [0] : vector<16xi32>, vector<16xi32> -> vector<16xi32>
          %broadcast_in_dim3A_328 = vector.shape_cast %add3A_7 : vector<16xi32> to vector<16x1xi32>
          %gather3A_329 = vector.shape_cast %broadcast_in_dim3A_328 : vector<16x1xi32> to vector<16xi32>
          %gather3A_330 = tpu.dynamic_gather %and3A_170[%gather3A_329] in [0] : vector<16xi32>, vector<16xi32> -> vector<16xi32>
          %and3A_331 = arith.constant -128 : i32
          %and3A_332 = vector.broadcast %and3A_331 : i32 to vector<16xi32>
          %and3A_333 = arith.andi %gather3A_327, %and3A_332 : vector<16xi32>
          %add3A_334 = arith.addi %gather3A_327, %and3A_333 : vector<16xi32>
          %add3A_335 = arith.addi %add3A_334, %add3A_100 : vector<16xi32>
          %swap3A_336 = arith.index_cast %add3A_324 : i32 to index
          %swap3A_337 = tpu.vector_load %arg13[%swap3A_336] {strides = array<i32>} : memref<16384xi32, #tpu.memory_space<vmem>>, vector<16xi32>,
          %swap3A_338 = vector.shape_cast %swap3A_337 : vector<16xi32> to vector<16xi32>
          %swap3A_339 = vector.shape_cast %add3A_335 : vector<16xi32> to vector<16xi32>
          tpu.vector_store %arg13[%swap3A_336], %swap3A_339 {strides = array<i32>} : memref<16384xi32, #tpu.memory_space<vmem>>, vector<16xi32>,
          %and3A_340 = arith.constant -128 : i32
          %and3A_341 = vector.broadcast %and3A_340 : i32 to vector<16xi32>
          %and3A_342 = arith.andi %gather3A_330, %and3A_341 : vector<16xi32>
          %add3A_343 = arith.addi %gather3A_330, %and3A_342 : vector<16xi32>
          %add3A_344 = arith.addi %add3A_343, %add3A_100 : vector<16xi32>
          %add3A_345 = arith.constant 16 : i32
          %add3A_346 = arith.addi %add3A_324, %add3A_345 : i32
          %swap3A_347 = arith.index_cast %add3A_346 : i32 to index
          %swap3A_348 = tpu.vector_load %arg13[%swap3A_347] {strides = array<i32>} : memref<16384xi32, #tpu.memory_space<vmem>>, vector<16xi32>,
          %swap3A_349 = vector.shape_cast %swap3A_348 : vector<16xi32> to vector<16xi32>
          %swap3A_350 = vector.shape_cast %add3A_344 : vector<16xi32> to vector<16xi32>
          tpu.vector_store %arg13[%swap3A_347], %swap3A_350 {strides = array<i32>} : memref<16384xi32, #tpu.memory_space<vmem>>, vector<16xi32>,
          %add3A_351 = arith.constant 192 : i32
          %add3A_352 = arith.addi %mul3A_183, %add3A_351 : i32
          %broadcast_in_dim3A_353 = vector.shape_cast %shift_right_logical3A_4 : vector<16xi32> to vector<16x1xi32>
          %gather3A_354 = vector.shape_cast %broadcast_in_dim3A_353 : vector<16x1xi32> to vector<16xi32>
          %gather3A_355 = tpu.dynamic_gather %and3A_174[%gather3A_354] in [0] : vector<16xi32>, vector<16xi32> -> vector<16xi32>
          %broadcast_in_dim3A_356 = vector.shape_cast %add3A_7 : vector<16xi32> to vector<16x1xi32>
          %gather3A_357 = vector.shape_cast %broadcast_in_dim3A_356 : vector<16x1xi32> to vector<16xi32>
          %gather3A_358 = tpu.dynamic_gather %and3A_174[%gather3A_357] in [0] : vector<16xi32>, vector<16xi32> -> vector<16xi32>
          %and3A_359 = arith.constant -128 : i32
          %and3A_360 = vector.broadcast %and3A_359 : i32 to vector<16xi32>
          %and3A_361 = arith.andi %gather3A_355, %and3A_360 : vector<16xi32>
          %add3A_362 = arith.addi %gather3A_355, %and3A_361 : vector<16xi32>
          %add3A_363 = arith.addi %add3A_362, %add3A_100 : vector<16xi32>
          %swap3A_364 = arith.index_cast %add3A_352 : i32 to index
          %swap3A_365 = tpu.vector_load %arg13[%swap3A_364] {strides = array<i32>} : memref<16384xi32, #tpu.memory_space<vmem>>, vector<16xi32>,
          %swap3A_366 = vector.shape_cast %swap3A_365 : vector<16xi32> to vector<16xi32>
          %swap3A_367 = vector.shape_cast %add3A_363 : vector<16xi32> to vector<16xi32>
          tpu.vector_store %arg13[%swap3A_364], %swap3A_367 {strides = array<i32>} : memref<16384xi32, #tpu.memory_space<vmem>>, vector<16xi32>,
          %and3A_368 = arith.constant -128 : i32
          %and3A_369 = vector.broadcast %and3A_368 : i32 to vector<16xi32>
          %and3A_370 = arith.andi %gather3A_358, %and3A_369 : vector<16xi32>
          %add3A_371 = arith.addi %gather3A_358, %and3A_370 : vector<16xi32>
          %add3A_372 = arith.addi %add3A_371, %add3A_100 : vector<16xi32>
          %add3A_373 = arith.constant 16 : i32
          %add3A_374 = arith.addi %add3A_352, %add3A_373 : i32
          %swap3A_375 = arith.index_cast %add3A_374 : i32 to index
          %swap3A_376 = tpu.vector_load %arg13[%swap3A_375] {strides = array<i32>} : memref<16384xi32, #tpu.memory_space<vmem>>, vector<16xi32>,
          %swap3A_377 = vector.shape_cast %swap3A_376 : vector<16xi32> to vector<16xi32>
          %swap3A_378 = vector.shape_cast %add3A_372 : vector<16xi32> to vector<16xi32>
          tpu.vector_store %arg13[%swap3A_375], %swap3A_378 {strides = array<i32>} : memref<16384xi32, #tpu.memory_space<vmem>>, vector<16xi32>,
          %add3A_379 = arith.constant 224 : i32
          %add3A_380 = arith.addi %mul3A_183, %add3A_379 : i32
          %broadcast_in_dim3A_381 = vector.shape_cast %shift_right_logical3A_4 : vector<16xi32> to vector<16x1xi32>
          %gather3A_382 = vector.shape_cast %broadcast_in_dim3A_381 : vector<16x1xi32> to vector<16xi32>
          %gather3A_383 = tpu.dynamic_gather %and3A_178[%gather3A_382] in [0] : vector<16xi32>, vector<16xi32> -> vector<16xi32>
          %broadcast_in_dim3A_384 = vector.shape_cast %add3A_7 : vector<16xi32> to vector<16x1xi32>
          %gather3A_385 = vector.shape_cast %broadcast_in_dim3A_384 : vector<16x1xi32> to vector<16xi32>
          %gather3A_386 = tpu.dynamic_gather %and3A_178[%gather3A_385] in [0] : vector<16xi32>, vector<16xi32> -> vector<16xi32>
          %and3A_387 = arith.constant -128 : i32
          %and3A_388 = vector.broadcast %and3A_387 : i32 to vector<16xi32>
          %and3A_389 = arith.andi %gather3A_383, %and3A_388 : vector<16xi32>
          %add3A_390 = arith.addi %gather3A_383, %and3A_389 : vector<16xi32>
          %add3A_391 = arith.addi %add3A_390, %add3A_100 : vector<16xi32>
          %swap3A_392 = arith.index_cast %add3A_380 : i32 to index
          %swap3A_393 = tpu.vector_load %arg13[%swap3A_392] {strides = array<i32>} : memref<16384xi32, #tpu.memory_space<vmem>>, vector<16xi32>,
          %swap3A_394 = vector.shape_cast %swap3A_393 : vector<16xi32> to vector<16xi32>
          %swap3A_395 = vector.shape_cast %add3A_391 : vector<16xi32> to vector<16xi32>
          tpu.vector_store %arg13[%swap3A_392], %swap3A_395 {strides = array<i32>} : memref<16384xi32, #tpu.memory_space<vmem>>, vector<16xi32>,
          %and3A_396 = arith.constant -128 : i32
          %and3A_397 = vector.broadcast %and3A_396 : i32 to vector<16xi32>
          %and3A_398 = arith.andi %gather3A_386, %and3A_397 : vector<16xi32>
          %add3A_399 = arith.addi %gather3A_386, %and3A_398 : vector<16xi32>
          %add3A_400 = arith.addi %add3A_399, %add3A_100 : vector<16xi32>
          %add3A_401 = arith.constant 16 : i32
          %add3A_402 = arith.addi %add3A_380, %add3A_401 : i32
          %swap3A_403 = arith.index_cast %add3A_402 : i32 to index
          %swap3A_404 = tpu.vector_load %arg13[%swap3A_403] {strides = array<i32>} : memref<16384xi32, #tpu.memory_space<vmem>>, vector<16xi32>,
          %swap3A_405 = vector.shape_cast %swap3A_404 : vector<16xi32> to vector<16xi32>
          %swap3A_406 = vector.shape_cast %add3A_400 : vector<16xi32> to vector<16xi32>
          tpu.vector_store %arg13[%swap3A_403], %swap3A_406 {strides = array<i32>} : memref<16384xi32, #tpu.memory_space<vmem>>, vector<16xi32>,
        }
        %scan3A_105 = arith.constant 4 : i32
      }
      %scan3A_48 = arith.constant 16 : i32
      %dma_start3A_49 = arith.constant 0 : i32
      %dma_start3A_50 = tpu.memref_slice %arg5[%dma_start3A_49] : memref<16777216xf32, #tpu.memory_space<hbm>> -> memref<16777216xf32, #tpu.memory_space<hbm>>
      tpu.enqueue_indirect_dma source(%dma_start3A_50 : memref<16777216xf32, #tpu.memory_space<hbm>>) target(%arg15 : memref<16384xf32, #tpu.memory_space<vmem>>) offsets(%arg13 : memref<16384xi32, #tpu.memory_space<vmem>>) semaphore(%arg18 : memref<!tpu.dma_semaphore, #tpu.memory_space<semaphore_mem>>)
      %dma_wait3A = arith.constant 0 : i32
      %dma_wait3A_51 = tpu.memref_slice %arg5[%dma_wait3A] : memref<16777216xf32, #tpu.memory_space<hbm>> -> memref<16777216xf32, #tpu.memory_space<hbm>>
      tpu.wait_indirect_dma semaphore(%arg17 : memref<!tpu.dma_semaphore, #tpu.memory_space<semaphore_mem>>) src(%dma_wait3A_51 : memref<16777216xf32, #tpu.memory_space<hbm>>) dst(%arg14 : memref<16384xf32, #tpu.memory_space<vmem>>)
      %mul3A_52 = arith.constant 64 : i32
      %mul3A_53 = arith.muli %add3A_39, %mul3A_52 : i32
      %scan3A_54 = arith.constant 0 : i32
      %scan3A_55 = arith.constant 16 : i32
      %scan3A_56 = arith.addi %scan3A_54, %scan3A_55 : i32
      %scan3A_57 = arith.constant 1 : i32
      scf.for %scan3A_90 = %scan3A_54 to %scan3A_56 step %scan3A_57  : i32 {
        %mul3A_91 = arith.constant 1 : i32
        %mul3A_92 = arith.muli %scan3A_90, %mul3A_91 : i32
        %add3A_93 = arith.constant 0 : i32
        %add3A_94 = arith.addi %add3A_93, %mul3A_92 : i32
        %broadcast_in_dim3A = vector.broadcast %add3A_94 : i32 to vector<16xi32>
        %broadcast_in_dim3A_95 = vector.shape_cast %broadcast_in_dim3A : vector<16xi32> to vector<16x1xi32>
        %gather3A = vector.shape_cast %broadcast_in_dim3A_95 : vector<16x1xi32> to vector<16xi32>
        %gather3A_96 = tpu.dynamic_gather %get3A_24[%gather3A] in [0] : vector<16xf32>, vector<16xi32> -> vector<16xf32>
        %mul3A_97 = arith.constant 2 : i32
        %mul3A_98 = arith.muli %add3A_94, %mul3A_97 : i32
        %scan3A_99 = arith.constant 0 : i32
        %scan3A_100 = arith.constant 4 : i32
        %scan3A_101 = arith.addi %scan3A_99, %scan3A_100 : i32
        %scan3A_102 = arith.constant 1 : i32
        scf.for %scan3A_104 = %scan3A_99 to %scan3A_101 step %scan3A_102  : i32 {
          %mul3A_105 = arith.constant 1 : i32
          %mul3A_106 = arith.muli %scan3A_104, %mul3A_105 : i32
          %add3A_107 = arith.constant 0 : i32
          %add3A_108 = arith.addi %add3A_107, %mul3A_106 : i32
          %mul3A_109 = arith.constant 16 : i32
          %mul3A_110 = arith.muli %add3A_108, %mul3A_109 : i32
          %add3A_111 = arith.addi %mul3A_53, %mul3A_110 : i32
          %get3A_112 = arith.index_cast %add3A_111 : i32 to index
          %get3A_113 = tpu.vector_load %arg8[%get3A_112] {strides = array<i32>} : memref<4096xf32, #tpu.memory_space<vmem>>, vector<16xf32>,
          %get3A_114 = vector.shape_cast %get3A_113 : vector<16xf32> to vector<16xf32>
          %mul3A_115 = arith.mulf %get3A_114, %gather3A_96 : vector<16xf32>
          %get3A_116 = arith.index_cast %add3A_111 : i32 to index
          %get3A_117 = tpu.vector_load %arg9[%get3A_116] {strides = array<i32>} : memref<4096xf32, #tpu.memory_space<vmem>>, vector<16xf32>,
          %get3A_118 = vector.shape_cast %get3A_117 : vector<16xf32> to vector<16xf32>
          %mul3A_119 = arith.mulf %get3A_118, %gather3A_96 : vector<16xf32>
          %get3A_120 = arith.index_cast %add3A_111 : i32 to index
          %get3A_121 = tpu.vector_load %arg10[%get3A_120] {strides = array<i32>} : memref<4096xf32, #tpu.memory_space<vmem>>, vector<16xf32>,
          %get3A_122 = vector.shape_cast %get3A_121 : vector<16xf32> to vector<16xf32>
          %mul3A_123 = arith.mulf %get3A_122, %gather3A_96 : vector<16xf32>
          %convert_element_type3A_124 = arith.fptosi %mul3A_115 : vector<16xf32> to vector<16xi32>
          %convert_element_type3A_125 = arith.sitofp %convert_element_type3A_124 : vector<16xi32> to vector<16xf32>
          %sub3A = arith.subf %mul3A_115, %convert_element_type3A_125 : vector<16xf32>
          %convert_element_type3A_126 = arith.fptosi %mul3A_119 : vector<16xf32> to vector<16xi32>
          %convert_element_type3A_127 = arith.sitofp %convert_element_type3A_126 : vector<16xi32> to vector<16xf32>
          %sub3A_128 = arith.subf %mul3A_119, %convert_element_type3A_127 : vector<16xf32>
          %convert_element_type3A_129 = arith.fptosi %mul3A_123 : vector<16xf32> to vector<16xi32>
          %convert_element_type3A_130 = arith.sitofp %convert_element_type3A_129 : vector<16xi32> to vector<16xf32>
          %sub3A_131 = arith.subf %mul3A_123, %convert_element_type3A_130 : vector<16xf32>
          %mul3A_132 = arith.constant 16 : i32
          %mul3A_133 = arith.muli %add3A_108, %mul3A_132 : i32
          %add3A_134 = arith.addi %mul3A_133, %add3A_94 : i32
          %mul3A_135 = arith.constant 256 : i32
          %mul3A_136 = arith.muli %add3A_134, %mul3A_135 : i32
          %broadcast_in_dim3A_137 = vector.shape_cast %shift_right_logical3A_4 : vector<16xi32> to vector<16x1xi32>
          %gather3A_138 = vector.shape_cast %broadcast_in_dim3A_137 : vector<16x1xi32> to vector<16xi32>
          %gather3A_139 = tpu.dynamic_gather %sub3A[%gather3A_138] in [0] : vector<16xf32>, vector<16xi32> -> vector<16xf32>
          %broadcast_in_dim3A_140 = vector.shape_cast %shift_right_logical3A_4 : vector<16xi32> to vector<16x1xi32>
          %gather3A_141 = vector.shape_cast %broadcast_in_dim3A_140 : vector<16x1xi32> to vector<16xi32>
          %gather3A_142 = tpu.dynamic_gather %sub3A_128[%gather3A_141] in [0] : vector<16xf32>, vector<16xi32> -> vector<16xf32>
          %broadcast_in_dim3A_143 = vector.shape_cast %shift_right_logical3A_4 : vector<16xi32> to vector<16x1xi32>
          %gather3A_144 = vector.shape_cast %broadcast_in_dim3A_143 : vector<16x1xi32> to vector<16xi32>
          %gather3A_145 = tpu.dynamic_gather %sub3A_131[%gather3A_144] in [0] : vector<16xf32>, vector<16xi32> -> vector<16xf32>
          %sub3A_146 = arith.constant 1.000000e+00 : f32
          %sub3A_147 = vector.broadcast %sub3A_146 : f32 to vector<16xf32>
          %sub3A_148 = arith.subf %sub3A_147, %gather3A_139 : vector<16xf32>
          %sub3A_149 = arith.constant 1.000000e+00 : f32
          %sub3A_150 = vector.broadcast %sub3A_149 : f32 to vector<16xf32>
          %sub3A_151 = arith.subf %sub3A_150, %gather3A_142 : vector<16xf32>
          %sub3A_152 = arith.constant 1.000000e+00 : f32
          %sub3A_153 = vector.broadcast %sub3A_152 : f32 to vector<16xf32>
          %sub3A_154 = arith.subf %sub3A_153, %gather3A_145 : vector<16xf32>
          %add3A_155 = arith.constant 0 : i32
          %add3A_156 = arith.addi %mul3A_136, %add3A_155 : i32
          %get3A_157 = arith.index_cast %add3A_156 : i32 to index
          %get3A_158 = tpu.vector_load %arg14[%get3A_157] {strides = array<i32>} : memref<16384xf32, #tpu.memory_space<vmem>>, vector<16xf32>,
          %get3A_159 = vector.shape_cast %get3A_158 : vector<16xf32> to vector<16xf32>
          %add3A_160 = arith.constant 32 : i32
          %add3A_161 = arith.addi %mul3A_136, %add3A_160 : i32
          %get3A_162 = arith.index_cast %add3A_161 : i32 to index
          %get3A_163 = tpu.vector_load %arg14[%get3A_162] {strides = array<i32>} : memref<16384xf32, #tpu.memory_space<vmem>>, vector<16xf32>,
          %get3A_164 = vector.shape_cast %get3A_163 : vector<16xf32> to vector<16xf32>
          %add3A_165 = arith.constant 64 : i32
          %add3A_166 = arith.addi %mul3A_136, %add3A_165 : i32
          %get3A_167 = arith.index_cast %add3A_166 : i32 to index
          %get3A_168 = tpu.vector_load %arg14[%get3A_167] {strides = array<i32>} : memref<16384xf32, #tpu.memory_space<vmem>>, vector<16xf32>,
          %get3A_169 = vector.shape_cast %get3A_168 : vector<16xf32> to vector<16xf32>
          %add3A_170 = arith.constant 96 : i32
          %add3A_171 = arith.addi %mul3A_136, %add3A_170 : i32
          %get3A_172 = arith.index_cast %add3A_171 : i32 to index
          %get3A_173 = tpu.vector_load %arg14[%get3A_172] {strides = array<i32>} : memref<16384xf32, #tpu.memory_space<vmem>>, vector<16xf32>,
          %get3A_174 = vector.shape_cast %get3A_173 : vector<16xf32> to vector<16xf32>
          %add3A_175 = arith.constant 128 : i32
          %add3A_176 = arith.addi %mul3A_136, %add3A_175 : i32
          %get3A_177 = arith.index_cast %add3A_176 : i32 to index
          %get3A_178 = tpu.vector_load %arg14[%get3A_177] {strides = array<i32>} : memref<16384xf32, #tpu.memory_space<vmem>>, vector<16xf32>,
          %get3A_179 = vector.shape_cast %get3A_178 : vector<16xf32> to vector<16xf32>
          %add3A_180 = arith.constant 160 : i32
          %add3A_181 = arith.addi %mul3A_136, %add3A_180 : i32
          %get3A_182 = arith.index_cast %add3A_181 : i32 to index
          %get3A_183 = tpu.vector_load %arg14[%get3A_182] {strides = array<i32>} : memref<16384xf32, #tpu.memory_space<vmem>>, vector<16xf32>,
          %get3A_184 = vector.shape_cast %get3A_183 : vector<16xf32> to vector<16xf32>
          %add3A_185 = arith.constant 192 : i32
          %add3A_186 = arith.addi %mul3A_136, %add3A_185 : i32
          %get3A_187 = arith.index_cast %add3A_186 : i32 to index
          %get3A_188 = tpu.vector_load %arg14[%get3A_187] {strides = array<i32>} : memref<16384xf32, #tpu.memory_space<vmem>>, vector<16xf32>,
          %get3A_189 = vector.shape_cast %get3A_188 : vector<16xf32> to vector<16xf32>
          %add3A_190 = arith.constant 224 : i32
          %add3A_191 = arith.addi %mul3A_136, %add3A_190 : i32
          %get3A_192 = arith.index_cast %add3A_191 : i32 to index
          %get3A_193 = tpu.vector_load %arg14[%get3A_192] {strides = array<i32>} : memref<16384xf32, #tpu.memory_space<vmem>>, vector<16xf32>,
          %get3A_194 = vector.shape_cast %get3A_193 : vector<16xf32> to vector<16xf32>
          %mul3A_195 = arith.mulf %get3A_159, %gather3A_139 : vector<16xf32>
          %mul3A_196 = arith.mulf %get3A_174, %sub3A_148 : vector<16xf32>
          %add3A_197 = arith.addf %mul3A_195, %mul3A_196 : vector<16xf32>
          %mul3A_198 = arith.mulf %get3A_164, %gather3A_139 : vector<16xf32>
          %mul3A_199 = arith.mulf %get3A_169, %sub3A_148 : vector<16xf32>
          %add3A_200 = arith.addf %mul3A_198, %mul3A_199 : vector<16xf32>
          %mul3A_201 = arith.mulf %get3A_184, %gather3A_139 : vector<16xf32>
          %mul3A_202 = arith.mulf %get3A_189, %sub3A_148 : vector<16xf32>
          %add3A_203 = arith.addf %mul3A_201, %mul3A_202 : vector<16xf32>
          %mul3A_204 = arith.mulf %get3A_179, %gather3A_139 : vector<16xf32>
          %mul3A_205 = arith.mulf %get3A_194, %sub3A_148 : vector<16xf32>
          %add3A_206 = arith.addf %mul3A_204, %mul3A_205 : vector<16xf32>
          %mul3A_207 = arith.mulf %add3A_197, %gather3A_142 : vector<16xf32>
          %mul3A_208 = arith.mulf %add3A_200, %sub3A_151 : vector<16xf32>
          %add3A_209 = arith.addf %mul3A_207, %mul3A_208 : vector<16xf32>
          %mul3A_210 = arith.mulf %add3A_206, %gather3A_142 : vector<16xf32>
          %mul3A_211 = arith.mulf %add3A_203, %sub3A_151 : vector<16xf32>
          %add3A_212 = arith.addf %mul3A_210, %mul3A_211 : vector<16xf32>
          %mul3A_213 = arith.mulf %add3A_209, %gather3A_145 : vector<16xf32>
          %mul3A_214 = arith.mulf %add3A_212, %sub3A_154 : vector<16xf32>
          %add3A_215 = arith.addf %mul3A_213, %mul3A_214 : vector<16xf32>
          %broadcast_in_dim3A_216 = vector.shape_cast %add3A_7 : vector<16xi32> to vector<16x1xi32>
          %gather3A_217 = vector.shape_cast %broadcast_in_dim3A_216 : vector<16x1xi32> to vector<16xi32>
          %gather3A_218 = tpu.dynamic_gather %sub3A[%gather3A_217] in [0] : vector<16xf32>, vector<16xi32> -> vector<16xf32>
          %broadcast_in_dim3A_219 = vector.shape_cast %add3A_7 : vector<16xi32> to vector<16x1xi32>
          %gather3A_220 = vector.shape_cast %broadcast_in_dim3A_219 : vector<16x1xi32> to vector<16xi32>
          %gather3A_221 = tpu.dynamic_gather %sub3A_128[%gather3A_220] in [0] : vector<16xf32>, vector<16xi32> -> vector<16xf32>
          %broadcast_in_dim3A_222 = vector.shape_cast %add3A_7 : vector<16xi32> to vector<16x1xi32>
          %gather3A_223 = vector.shape_cast %broadcast_in_dim3A_222 : vector<16x1xi32> to vector<16xi32>
          %gather3A_224 = tpu.dynamic_gather %sub3A_131[%gather3A_223] in [0] : vector<16xf32>, vector<16xi32> -> vector<16xf32>
          %sub3A_225 = arith.constant 1.000000e+00 : f32
          %sub3A_226 = vector.broadcast %sub3A_225 : f32 to vector<16xf32>
          %sub3A_227 = arith.subf %sub3A_226, %gather3A_218 : vector<16xf32>
          %sub3A_228 = arith.constant 1.000000e+00 : f32
          %sub3A_229 = vector.broadcast %sub3A_228 : f32 to vector<16xf32>
          %sub3A_230 = arith.subf %sub3A_229, %gather3A_221 : vector<16xf32>
          %sub3A_231 = arith.constant 1.000000e+00 : f32
          %sub3A_232 = vector.broadcast %sub3A_231 : f32 to vector<16xf32>
          %sub3A_233 = arith.subf %sub3A_232, %gather3A_224 : vector<16xf32>
          %add3A_234 = arith.constant 16 : i32
          %add3A_235 = arith.addi %mul3A_136, %add3A_234 : i32
          %get3A_236 = arith.index_cast %add3A_235 : i32 to index
          %get3A_237 = tpu.vector_load %arg14[%get3A_236] {strides = array<i32>} : memref<16384xf32, #tpu.memory_space<vmem>>, vector<16xf32>,
          %get3A_238 = vector.shape_cast %get3A_237 : vector<16xf32> to vector<16xf32>
          %add3A_239 = arith.constant 48 : i32
          %add3A_240 = arith.addi %mul3A_136, %add3A_239 : i32
          %get3A_241 = arith.index_cast %add3A_240 : i32 to index
          %get3A_242 = tpu.vector_load %arg14[%get3A_241] {strides = array<i32>} : memref<16384xf32, #tpu.memory_space<vmem>>, vector<16xf32>,
          %get3A_243 = vector.shape_cast %get3A_242 : vector<16xf32> to vector<16xf32>
          %add3A_244 = arith.constant 80 : i32
          %add3A_245 = arith.addi %mul3A_136, %add3A_244 : i32
          %get3A_246 = arith.index_cast %add3A_245 : i32 to index
          %get3A_247 = tpu.vector_load %arg14[%get3A_246] {strides = array<i32>} : memref<16384xf32, #tpu.memory_space<vmem>>, vector<16xf32>,
          %get3A_248 = vector.shape_cast %get3A_247 : vector<16xf32> to vector<16xf32>
          %add3A_249 = arith.constant 112 : i32
          %add3A_250 = arith.addi %mul3A_136, %add3A_249 : i32
          %get3A_251 = arith.index_cast %add3A_250 : i32 to index
          %get3A_252 = tpu.vector_load %arg14[%get3A_251] {strides = array<i32>} : memref<16384xf32, #tpu.memory_space<vmem>>, vector<16xf32>,
          %get3A_253 = vector.shape_cast %get3A_252 : vector<16xf32> to vector<16xf32>
          %add3A_254 = arith.constant 144 : i32
          %add3A_255 = arith.addi %mul3A_136, %add3A_254 : i32
          %get3A_256 = arith.index_cast %add3A_255 : i32 to index
          %get3A_257 = tpu.vector_load %arg14[%get3A_256] {strides = array<i32>} : memref<16384xf32, #tpu.memory_space<vmem>>, vector<16xf32>,
          %get3A_258 = vector.shape_cast %get3A_257 : vector<16xf32> to vector<16xf32>
          %add3A_259 = arith.constant 176 : i32
          %add3A_260 = arith.addi %mul3A_136, %add3A_259 : i32
          %get3A_261 = arith.index_cast %add3A_260 : i32 to index
          %get3A_262 = tpu.vector_load %arg14[%get3A_261] {strides = array<i32>} : memref<16384xf32, #tpu.memory_space<vmem>>, vector<16xf32>,
          %get3A_263 = vector.shape_cast %get3A_262 : vector<16xf32> to vector<16xf32>
          %add3A_264 = arith.constant 208 : i32
          %add3A_265 = arith.addi %mul3A_136, %add3A_264 : i32
          %get3A_266 = arith.index_cast %add3A_265 : i32 to index
          %get3A_267 = tpu.vector_load %arg14[%get3A_266] {strides = array<i32>} : memref<16384xf32, #tpu.memory_space<vmem>>, vector<16xf32>,
          %get3A_268 = vector.shape_cast %get3A_267 : vector<16xf32> to vector<16xf32>
          %add3A_269 = arith.constant 240 : i32
          %add3A_270 = arith.addi %mul3A_136, %add3A_269 : i32
          %get3A_271 = arith.index_cast %add3A_270 : i32 to index
          %get3A_272 = tpu.vector_load %arg14[%get3A_271] {strides = array<i32>} : memref<16384xf32, #tpu.memory_space<vmem>>, vector<16xf32>,
          %get3A_273 = vector.shape_cast %get3A_272 : vector<16xf32> to vector<16xf32>
          %mul3A_274 = arith.mulf %get3A_238, %gather3A_218 : vector<16xf32>
          %mul3A_275 = arith.mulf %get3A_253, %sub3A_227 : vector<16xf32>
          %add3A_276 = arith.addf %mul3A_274, %mul3A_275 : vector<16xf32>
          %mul3A_277 = arith.mulf %get3A_243, %gather3A_218 : vector<16xf32>
          %mul3A_278 = arith.mulf %get3A_248, %sub3A_227 : vector<16xf32>
          %add3A_279 = arith.addf %mul3A_277, %mul3A_278 : vector<16xf32>
          %mul3A_280 = arith.mulf %get3A_263, %gather3A_218 : vector<16xf32>
          %mul3A_281 = arith.mulf %get3A_268, %sub3A_227 : vector<16xf32>
          %add3A_282 = arith.addf %mul3A_280, %mul3A_281 : vector<16xf32>
          %mul3A_283 = arith.mulf %get3A_258, %gather3A_218 : vector<16xf32>
          %mul3A_284 = arith.mulf %get3A_273, %sub3A_227 : vector<16xf32>
          %add3A_285 = arith.addf %mul3A_283, %mul3A_284 : vector<16xf32>
          %mul3A_286 = arith.mulf %add3A_276, %gather3A_221 : vector<16xf32>
          %mul3A_287 = arith.mulf %add3A_279, %sub3A_230 : vector<16xf32>
          %add3A_288 = arith.addf %mul3A_286, %mul3A_287 : vector<16xf32>
          %mul3A_289 = arith.mulf %add3A_285, %gather3A_221 : vector<16xf32>
          %mul3A_290 = arith.mulf %add3A_282, %sub3A_230 : vector<16xf32>
          %add3A_291 = arith.addf %mul3A_289, %mul3A_290 : vector<16xf32>
          %mul3A_292 = arith.mulf %add3A_288, %gather3A_224 : vector<16xf32>
          %mul3A_293 = arith.mulf %add3A_291, %sub3A_233 : vector<16xf32>
          %add3A_294 = arith.addf %mul3A_292, %mul3A_293 : vector<16xf32>
          %add3A_295 = arith.constant 0 : i32
          %add3A_296 = arith.addi %mul3A_98, %add3A_295 : i32
          %broadcast_in_dim3A_297 = vector.shape_cast %shift_left3A_17 : vector<16xi32> to vector<16x1xi32>
          %gather3A_298 = vector.shape_cast %broadcast_in_dim3A_297 : vector<16x1xi32> to vector<16xi32>
          %gather3A_299 = tpu.dynamic_gather %add3A_215[%gather3A_298] in [0] : vector<16xf32>, vector<16xi32> -> vector<16xf32>
          %broadcast_in_dim3A_300 = vector.shape_cast %shift_left3A_17 : vector<16xi32> to vector<16x1xi32>
          %gather3A_301 = vector.shape_cast %broadcast_in_dim3A_300 : vector<16x1xi32> to vector<16xi32>
          %gather3A_302 = tpu.dynamic_gather %add3A_294[%gather3A_301] in [0] : vector<16xf32>, vector<16xi32> -> vector<16xf32>
          %select_n3A = arith.select %lt3A_22, %gather3A_299, %gather3A_302 : vector<16xi1>, vector<16xf32>
          %shift_right_arithmetic3A = arith.constant 3 : i32
          %shift_right_arithmetic3A_303 = arith.shrsi %add3A_296, %shift_right_arithmetic3A : i32
          %mul3A_304 = arith.constant 1024 : i32
          %mul3A_305 = arith.muli %shift_right_arithmetic3A_303, %mul3A_304 : i32
          %and3A_306 = arith.constant 7 : i32
          %and3A_307 = arith.andi %add3A_296, %and3A_306 : i32
          %mul3A_308 = arith.constant 128 : i32
          %mul3A_309 = arith.muli %and3A_307, %mul3A_308 : i32
          %add3A_310 = arith.addi %mul3A_305, %mul3A_309 : i32
          %add3A_311 = arith.constant 0 : i32
          %add3A_312 = arith.addi %add3A_310, %add3A_311 : i32
          %mul3A_313 = arith.constant 16 : i32
          %mul3A_314 = arith.muli %add3A_108, %mul3A_313 : i32
          %add3A_315 = arith.addi %add3A_312, %mul3A_314 : i32
          %swap3A = arith.index_cast %add3A_315 : i32 to index
          %swap3A_316 = tpu.vector_load %arg16[%swap3A] {strides = array<i32>} : memref<4096xf32, #tpu.memory_space<vmem>>, vector<16xf32>,
          %swap3A_317 = vector.shape_cast %swap3A_316 : vector<16xf32> to vector<16xf32>
          %swap3A_318 = vector.shape_cast %select_n3A : vector<16xf32> to vector<16xf32>
          tpu.vector_store %arg16[%swap3A], %swap3A_318 {strides = array<i32>} : memref<4096xf32, #tpu.memory_space<vmem>>, vector<16xf32>,
          %add3A_319 = arith.constant 1 : i32
          %add3A_320 = arith.addi %mul3A_98, %add3A_319 : i32
          %broadcast_in_dim3A_321 = vector.shape_cast %add3A_20 : vector<16xi32> to vector<16x1xi32>
          %gather3A_322 = vector.shape_cast %broadcast_in_dim3A_321 : vector<16x1xi32> to vector<16xi32>
          %gather3A_323 = tpu.dynamic_gather %add3A_215[%gather3A_322] in [0] : vector<16xf32>, vector<16xi32> -> vector<16xf32>
          %broadcast_in_dim3A_324 = vector.shape_cast %add3A_20 : vector<16xi32> to vector<16x1xi32>
          %gather3A_325 = vector.shape_cast %broadcast_in_dim3A_324 : vector<16x1xi32> to vector<16xi32>
          %gather3A_326 = tpu.dynamic_gather %add3A_294[%gather3A_325] in [0] : vector<16xf32>, vector<16xi32> -> vector<16xf32>
          %select_n3A_327 = arith.select %lt3A_22, %gather3A_323, %gather3A_326 : vector<16xi1>, vector<16xf32>
          %shift_right_arithmetic3A_328 = arith.constant 3 : i32
          %shift_right_arithmetic3A_329 = arith.shrsi %add3A_320, %shift_right_arithmetic3A_328 : i32
          %mul3A_330 = arith.constant 1024 : i32
          %mul3A_331 = arith.muli %shift_right_arithmetic3A_329, %mul3A_330 : i32
          %and3A_332 = arith.constant 7 : i32
          %and3A_333 = arith.andi %add3A_320, %and3A_332 : i32
          %mul3A_334 = arith.constant 128 : i32
          %mul3A_335 = arith.muli %and3A_333, %mul3A_334 : i32
          %add3A_336 = arith.addi %mul3A_331, %mul3A_335 : i32
          %add3A_337 = arith.constant 0 : i32
          %add3A_338 = arith.addi %add3A_336, %add3A_337 : i32
          %mul3A_339 = arith.constant 16 : i32
          %mul3A_340 = arith.muli %add3A_108, %mul3A_339 : i32
          %add3A_341 = arith.addi %add3A_338, %mul3A_340 : i32
          %swap3A_342 = arith.index_cast %add3A_341 : i32 to index
          %swap3A_343 = tpu.vector_load %arg16[%swap3A_342] {strides = array<i32>} : memref<4096xf32, #tpu.memory_space<vmem>>, vector<16xf32>,
          %swap3A_344 = vector.shape_cast %swap3A_343 : vector<16xf32> to vector<16xf32>
          %swap3A_345 = vector.shape_cast %select_n3A_327 : vector<16xf32> to vector<16xf32>
          tpu.vector_store %arg16[%swap3A_342], %swap3A_345 {strides = array<i32>} : memref<4096xf32, #tpu.memory_space<vmem>>, vector<16xf32>,
        }
        %scan3A_103 = arith.constant 4 : i32
      }
      %scan3A_58 = arith.constant 16 : i32
      %add3A_59 = arith.constant 2 : i32
      %add3A_60 = arith.addi %add3A_39, %add3A_59 : i32
      %lt3A_61 = arith.constant 64 : i32
      %lt3A_62 = arith.cmpi slt, %add3A_60, %lt3A_61 : i32
      %convert_element_type3A = arith.extui %lt3A_62 : i1 to i32
      %cond3A = arith.constant 0 : i32
      %cond3A_63 = arith.cmpi ne, %convert_element_type3A, %cond3A : i32
      scf.if %cond3A_63 {
        %add3A_90 = arith.constant 2 : i32
        %add3A_91 = arith.addi %add3A_39, %add3A_90 : i32
        %mul3A_92 = arith.constant 64 : i32
        %mul3A_93 = arith.muli %add3A_91, %mul3A_92 : i32
        %scan3A_94 = arith.constant 0 : i32
        %scan3A_95 = arith.constant 16 : i32
        %scan3A_96 = arith.addi %scan3A_94, %scan3A_95 : i32
        %scan3A_97 = arith.constant 1 : i32
        scf.for %scan3A_101 = %scan3A_94 to %scan3A_96 step %scan3A_97  : i32 {
          %mul3A_102 = arith.constant 1 : i32
          %mul3A_103 = arith.muli %scan3A_101, %mul3A_102 : i32
          %add3A_104 = arith.constant 0 : i32
          %add3A_105 = arith.addi %add3A_104, %mul3A_103 : i32
          %broadcast_in_dim3A = vector.broadcast %add3A_105 : i32 to vector<16xi32>
          %broadcast_in_dim3A_106 = vector.shape_cast %broadcast_in_dim3A : vector<16xi32> to vector<16x1xi32>
          %gather3A = vector.shape_cast %broadcast_in_dim3A_106 : vector<16x1xi32> to vector<16xi32>
          %gather3A_107 = tpu.dynamic_gather %get3A_24[%gather3A] in [0] : vector<16xf32>, vector<16xi32> -> vector<16xf32>
          %mul3A_108 = arith.constant 1048576 : i32
          %mul3A_109 = arith.muli %add3A_105, %mul3A_108 : i32
          %add3A_110 = vector.broadcast %mul3A_109 : i32 to vector<16xi32>
          %add3A_111 = arith.addi %mul3A_12, %add3A_110 : vector<16xi32>
          %scan3A_112 = arith.constant 0 : i32
          %scan3A_113 = arith.constant 4 : i32
          %scan3A_114 = arith.addi %scan3A_112, %scan3A_113 : i32
          %scan3A_115 = arith.constant 1 : i32
          scf.for %scan3A_117 = %scan3A_112 to %scan3A_114 step %scan3A_115  : i32 {
            %mul3A_118 = arith.constant 1 : i32
            %mul3A_119 = arith.muli %scan3A_117, %mul3A_118 : i32
            %add3A_120 = arith.constant 0 : i32
            %add3A_121 = arith.addi %add3A_120, %mul3A_119 : i32
            %mul3A_122 = arith.constant 16 : i32
            %mul3A_123 = arith.muli %add3A_121, %mul3A_122 : i32
            %add3A_124 = arith.addi %mul3A_93, %mul3A_123 : i32
            %get3A_125 = arith.index_cast %add3A_124 : i32 to index
            %get3A_126 = tpu.vector_load %arg8[%get3A_125] {strides = array<i32>} : memref<4096xf32, #tpu.memory_space<vmem>>, vector<16xf32>,
            %get3A_127 = vector.shape_cast %get3A_126 : vector<16xf32> to vector<16xf32>
            %mul3A_128 = arith.mulf %get3A_127, %gather3A_107 : vector<16xf32>
            %convert_element_type3A_129 = arith.fptosi %mul3A_128 : vector<16xf32> to vector<16xi32>
            %get3A_130 = arith.index_cast %add3A_124 : i32 to index
            %get3A_131 = tpu.vector_load %arg9[%get3A_130] {strides = array<i32>} : memref<4096xf32, #tpu.memory_space<vmem>>, vector<16xf32>,
            %get3A_132 = vector.shape_cast %get3A_131 : vector<16xf32> to vector<16xf32>
            %mul3A_133 = arith.mulf %get3A_132, %gather3A_107 : vector<16xf32>
            %convert_element_type3A_134 = arith.fptosi %mul3A_133 : vector<16xf32> to vector<16xi32>
            %get3A_135 = arith.index_cast %add3A_124 : i32 to index
            %get3A_136 = tpu.vector_load %arg10[%get3A_135] {strides = array<i32>} : memref<4096xf32, #tpu.memory_space<vmem>>, vector<16xf32>,
            %get3A_137 = vector.shape_cast %get3A_136 : vector<16xf32> to vector<16xf32>
            %mul3A_138 = arith.mulf %get3A_137, %gather3A_107 : vector<16xf32>
            %convert_element_type3A_139 = arith.fptosi %mul3A_138 : vector<16xf32> to vector<16xi32>
            %add3A_140 = arith.constant 1 : i32
            %add3A_141 = vector.broadcast %add3A_140 : i32 to vector<16xi32>
            %add3A_142 = arith.addi %convert_element_type3A_129, %add3A_141 : vector<16xi32>
            %mul3A_143 = arith.constant -1640531535 : i32
            %mul3A_144 = vector.broadcast %mul3A_143 : i32 to vector<16xi32>
            %mul3A_145 = arith.muli %convert_element_type3A_134, %mul3A_144 : vector<16xi32>
            %add3A_146 = arith.constant -1640531535 : i32
            %add3A_147 = vector.broadcast %add3A_146 : i32 to vector<16xi32>
            %add3A_148 = arith.addi %mul3A_145, %add3A_147 : vector<16xi32>
            %mul3A_149 = arith.constant 805459861 : i32
            %mul3A_150 = vector.broadcast %mul3A_149 : i32 to vector<16xi32>
            %mul3A_151 = arith.muli %convert_element_type3A_139, %mul3A_150 : vector<16xi32>
            %add3A_152 = arith.constant 805459861 : i32
            %add3A_153 = vector.broadcast %add3A_152 : i32 to vector<16xi32>
            %add3A_154 = arith.addi %mul3A_151, %add3A_153 : vector<16xi32>
            %xor3A = arith.xori %add3A_142, %add3A_148 : vector<16xi32>
            %xor3A_155 = arith.xori %add3A_142, %mul3A_145 : vector<16xi32>
            %xor3A_156 = arith.xori %convert_element_type3A_129, %mul3A_145 : vector<16xi32>
            %xor3A_157 = arith.xori %convert_element_type3A_129, %add3A_148 : vector<16xi32>
            %xor3A_158 = arith.xori %xor3A, %add3A_154 : vector<16xi32>
            %and3A_159 = arith.constant 524287 : i32
            %and3A_160 = vector.broadcast %and3A_159 : i32 to vector<16xi32>
            %and3A_161 = arith.andi %xor3A_158, %and3A_160 : vector<16xi32>
            %xor3A_162 = arith.xori %xor3A_155, %add3A_154 : vector<16xi32>
            %and3A_163 = arith.constant 524287 : i32
            %and3A_164 = vector.broadcast %and3A_163 : i32 to vector<16xi32>
            %and3A_165 = arith.andi %xor3A_162, %and3A_164 : vector<16xi32>
            %xor3A_166 = arith.xori %xor3A_156, %add3A_154 : vector<16xi32>
            %and3A_167 = arith.constant 524287 : i32
            %and3A_168 = vector.broadcast %and3A_167 : i32 to vector<16xi32>
            %and3A_169 = arith.andi %xor3A_166, %and3A_168 : vector<16xi32>
            %xor3A_170 = arith.xori %xor3A_157, %add3A_154 : vector<16xi32>
            %and3A_171 = arith.constant 524287 : i32
            %and3A_172 = vector.broadcast %and3A_171 : i32 to vector<16xi32>
            %and3A_173 = arith.andi %xor3A_170, %and3A_172 : vector<16xi32>
            %xor3A_174 = arith.xori %xor3A, %mul3A_151 : vector<16xi32>
            %and3A_175 = arith.constant 524287 : i32
            %and3A_176 = vector.broadcast %and3A_175 : i32 to vector<16xi32>
            %and3A_177 = arith.andi %xor3A_174, %and3A_176 : vector<16xi32>
            %xor3A_178 = arith.xori %xor3A_155, %mul3A_151 : vector<16xi32>
            %and3A_179 = arith.constant 524287 : i32
            %and3A_180 = vector.broadcast %and3A_179 : i32 to vector<16xi32>
            %and3A_181 = arith.andi %xor3A_178, %and3A_180 : vector<16xi32>
            %xor3A_182 = arith.xori %xor3A_156, %mul3A_151 : vector<16xi32>
            %and3A_183 = arith.constant 524287 : i32
            %and3A_184 = vector.broadcast %and3A_183 : i32 to vector<16xi32>
            %and3A_185 = arith.andi %xor3A_182, %and3A_184 : vector<16xi32>
            %xor3A_186 = arith.xori %xor3A_157, %mul3A_151 : vector<16xi32>
            %and3A_187 = arith.constant 524287 : i32
            %and3A_188 = vector.broadcast %and3A_187 : i32 to vector<16xi32>
            %and3A_189 = arith.andi %xor3A_186, %and3A_188 : vector<16xi32>
            %mul3A_190 = arith.constant 16 : i32
            %mul3A_191 = arith.muli %add3A_121, %mul3A_190 : i32
            %add3A_192 = arith.addi %mul3A_191, %add3A_105 : i32
            %mul3A_193 = arith.constant 256 : i32
            %mul3A_194 = arith.muli %add3A_192, %mul3A_193 : i32
            %add3A_195 = arith.constant 0 : i32
            %add3A_196 = arith.addi %mul3A_194, %add3A_195 : i32
            %broadcast_in_dim3A_197 = vector.shape_cast %shift_right_logical3A_4 : vector<16xi32> to vector<16x1xi32>
            %gather3A_198 = vector.shape_cast %broadcast_in_dim3A_197 : vector<16x1xi32> to vector<16xi32>
            %gather3A_199 = tpu.dynamic_gather %and3A_161[%gather3A_198] in [0] : vector<16xi32>, vector<16xi32> -> vector<16xi32>
            %broadcast_in_dim3A_200 = vector.shape_cast %add3A_7 : vector<16xi32> to vector<16x1xi32>
            %gather3A_201 = vector.shape_cast %broadcast_in_dim3A_200 : vector<16x1xi32> to vector<16xi32>
            %gather3A_202 = tpu.dynamic_gather %and3A_161[%gather3A_201] in [0] : vector<16xi32>, vector<16xi32> -> vector<16xi32>
            %and3A_203 = arith.constant -128 : i32
            %and3A_204 = vector.broadcast %and3A_203 : i32 to vector<16xi32>
            %and3A_205 = arith.andi %gather3A_199, %and3A_204 : vector<16xi32>
            %add3A_206 = arith.addi %gather3A_199, %and3A_205 : vector<16xi32>
            %add3A_207 = arith.addi %add3A_206, %add3A_111 : vector<16xi32>
            %swap3A = arith.index_cast %add3A_196 : i32 to index
            %swap3A_208 = tpu.vector_load %arg12[%swap3A] {strides = array<i32>} : memref<16384xi32, #tpu.memory_space<vmem>>, vector<16xi32>,
            %swap3A_209 = vector.shape_cast %swap3A_208 : vector<16xi32> to vector<16xi32>
            %swap3A_210 = vector.shape_cast %add3A_207 : vector<16xi32> to vector<16xi32>
            tpu.vector_store %arg12[%swap3A], %swap3A_210 {strides = array<i32>} : memref<16384xi32, #tpu.memory_space<vmem>>, vector<16xi32>,
            %and3A_211 = arith.constant -128 : i32
            %and3A_212 = vector.broadcast %and3A_211 : i32 to vector<16xi32>
            %and3A_213 = arith.andi %gather3A_202, %and3A_212 : vector<16xi32>
            %add3A_214 = arith.addi %gather3A_202, %and3A_213 : vector<16xi32>
            %add3A_215 = arith.addi %add3A_214, %add3A_111 : vector<16xi32>
            %add3A_216 = arith.constant 16 : i32
            %add3A_217 = arith.addi %add3A_196, %add3A_216 : i32
            %swap3A_218 = arith.index_cast %add3A_217 : i32 to index
            %swap3A_219 = tpu.vector_load %arg12[%swap3A_218] {strides = array<i32>} : memref<16384xi32, #tpu.memory_space<vmem>>, vector<16xi32>,
            %swap3A_220 = vector.shape_cast %swap3A_219 : vector<16xi32> to vector<16xi32>
            %swap3A_221 = vector.shape_cast %add3A_215 : vector<16xi32> to vector<16xi32>
            tpu.vector_store %arg12[%swap3A_218], %swap3A_221 {strides = array<i32>} : memref<16384xi32, #tpu.memory_space<vmem>>, vector<16xi32>,
            %add3A_222 = arith.constant 32 : i32
            %add3A_223 = arith.addi %mul3A_194, %add3A_222 : i32
            %broadcast_in_dim3A_224 = vector.shape_cast %shift_right_logical3A_4 : vector<16xi32> to vector<16x1xi32>
            %gather3A_225 = vector.shape_cast %broadcast_in_dim3A_224 : vector<16x1xi32> to vector<16xi32>
            %gather3A_226 = tpu.dynamic_gather %and3A_165[%gather3A_225] in [0] : vector<16xi32>, vector<16xi32> -> vector<16xi32>
            %broadcast_in_dim3A_227 = vector.shape_cast %add3A_7 : vector<16xi32> to vector<16x1xi32>
            %gather3A_228 = vector.shape_cast %broadcast_in_dim3A_227 : vector<16x1xi32> to vector<16xi32>
            %gather3A_229 = tpu.dynamic_gather %and3A_165[%gather3A_228] in [0] : vector<16xi32>, vector<16xi32> -> vector<16xi32>
            %and3A_230 = arith.constant -128 : i32
            %and3A_231 = vector.broadcast %and3A_230 : i32 to vector<16xi32>
            %and3A_232 = arith.andi %gather3A_226, %and3A_231 : vector<16xi32>
            %add3A_233 = arith.addi %gather3A_226, %and3A_232 : vector<16xi32>
            %add3A_234 = arith.addi %add3A_233, %add3A_111 : vector<16xi32>
            %swap3A_235 = arith.index_cast %add3A_223 : i32 to index
            %swap3A_236 = tpu.vector_load %arg12[%swap3A_235] {strides = array<i32>} : memref<16384xi32, #tpu.memory_space<vmem>>, vector<16xi32>,
            %swap3A_237 = vector.shape_cast %swap3A_236 : vector<16xi32> to vector<16xi32>
            %swap3A_238 = vector.shape_cast %add3A_234 : vector<16xi32> to vector<16xi32>
            tpu.vector_store %arg12[%swap3A_235], %swap3A_238 {strides = array<i32>} : memref<16384xi32, #tpu.memory_space<vmem>>, vector<16xi32>,
            %and3A_239 = arith.constant -128 : i32
            %and3A_240 = vector.broadcast %and3A_239 : i32 to vector<16xi32>
            %and3A_241 = arith.andi %gather3A_229, %and3A_240 : vector<16xi32>
            %add3A_242 = arith.addi %gather3A_229, %and3A_241 : vector<16xi32>
            %add3A_243 = arith.addi %add3A_242, %add3A_111 : vector<16xi32>
            %add3A_244 = arith.constant 16 : i32
            %add3A_245 = arith.addi %add3A_223, %add3A_244 : i32
            %swap3A_246 = arith.index_cast %add3A_245 : i32 to index
            %swap3A_247 = tpu.vector_load %arg12[%swap3A_246] {strides = array<i32>} : memref<16384xi32, #tpu.memory_space<vmem>>, vector<16xi32>,
            %swap3A_248 = vector.shape_cast %swap3A_247 : vector<16xi32> to vector<16xi32>
            %swap3A_249 = vector.shape_cast %add3A_243 : vector<16xi32> to vector<16xi32>
            tpu.vector_store %arg12[%swap3A_246], %swap3A_249 {strides = array<i32>} : memref<16384xi32, #tpu.memory_space<vmem>>, vector<16xi32>,
            %add3A_250 = arith.constant 64 : i32
            %add3A_251 = arith.addi %mul3A_194, %add3A_250 : i32
            %broadcast_in_dim3A_252 = vector.shape_cast %shift_right_logical3A_4 : vector<16xi32> to vector<16x1xi32>
            %gather3A_253 = vector.shape_cast %broadcast_in_dim3A_252 : vector<16x1xi32> to vector<16xi32>
            %gather3A_254 = tpu.dynamic_gather %and3A_169[%gather3A_253] in [0] : vector<16xi32>, vector<16xi32> -> vector<16xi32>
            %broadcast_in_dim3A_255 = vector.shape_cast %add3A_7 : vector<16xi32> to vector<16x1xi32>
            %gather3A_256 = vector.shape_cast %broadcast_in_dim3A_255 : vector<16x1xi32> to vector<16xi32>
            %gather3A_257 = tpu.dynamic_gather %and3A_169[%gather3A_256] in [0] : vector<16xi32>, vector<16xi32> -> vector<16xi32>
            %and3A_258 = arith.constant -128 : i32
            %and3A_259 = vector.broadcast %and3A_258 : i32 to vector<16xi32>
            %and3A_260 = arith.andi %gather3A_254, %and3A_259 : vector<16xi32>
            %add3A_261 = arith.addi %gather3A_254, %and3A_260 : vector<16xi32>
            %add3A_262 = arith.addi %add3A_261, %add3A_111 : vector<16xi32>
            %swap3A_263 = arith.index_cast %add3A_251 : i32 to index
            %swap3A_264 = tpu.vector_load %arg12[%swap3A_263] {strides = array<i32>} : memref<16384xi32, #tpu.memory_space<vmem>>, vector<16xi32>,
            %swap3A_265 = vector.shape_cast %swap3A_264 : vector<16xi32> to vector<16xi32>
            %swap3A_266 = vector.shape_cast %add3A_262 : vector<16xi32> to vector<16xi32>
            tpu.vector_store %arg12[%swap3A_263], %swap3A_266 {strides = array<i32>} : memref<16384xi32, #tpu.memory_space<vmem>>, vector<16xi32>,
            %and3A_267 = arith.constant -128 : i32
            %and3A_268 = vector.broadcast %and3A_267 : i32 to vector<16xi32>
            %and3A_269 = arith.andi %gather3A_257, %and3A_268 : vector<16xi32>
            %add3A_270 = arith.addi %gather3A_257, %and3A_269 : vector<16xi32>
            %add3A_271 = arith.addi %add3A_270, %add3A_111 : vector<16xi32>
            %add3A_272 = arith.constant 16 : i32
            %add3A_273 = arith.addi %add3A_251, %add3A_272 : i32
            %swap3A_274 = arith.index_cast %add3A_273 : i32 to index
            %swap3A_275 = tpu.vector_load %arg12[%swap3A_274] {strides = array<i32>} : memref<16384xi32, #tpu.memory_space<vmem>>, vector<16xi32>,
            %swap3A_276 = vector.shape_cast %swap3A_275 : vector<16xi32> to vector<16xi32>
            %swap3A_277 = vector.shape_cast %add3A_271 : vector<16xi32> to vector<16xi32>
            tpu.vector_store %arg12[%swap3A_274], %swap3A_277 {strides = array<i32>} : memref<16384xi32, #tpu.memory_space<vmem>>, vector<16xi32>,
            %add3A_278 = arith.constant 96 : i32
            %add3A_279 = arith.addi %mul3A_194, %add3A_278 : i32
            %broadcast_in_dim3A_280 = vector.shape_cast %shift_right_logical3A_4 : vector<16xi32> to vector<16x1xi32>
            %gather3A_281 = vector.shape_cast %broadcast_in_dim3A_280 : vector<16x1xi32> to vector<16xi32>
            %gather3A_282 = tpu.dynamic_gather %and3A_173[%gather3A_281] in [0] : vector<16xi32>, vector<16xi32> -> vector<16xi32>
            %broadcast_in_dim3A_283 = vector.shape_cast %add3A_7 : vector<16xi32> to vector<16x1xi32>
            %gather3A_284 = vector.shape_cast %broadcast_in_dim3A_283 : vector<16x1xi32> to vector<16xi32>
            %gather3A_285 = tpu.dynamic_gather %and3A_173[%gather3A_284] in [0] : vector<16xi32>, vector<16xi32> -> vector<16xi32>
            %and3A_286 = arith.constant -128 : i32
            %and3A_287 = vector.broadcast %and3A_286 : i32 to vector<16xi32>
            %and3A_288 = arith.andi %gather3A_282, %and3A_287 : vector<16xi32>
            %add3A_289 = arith.addi %gather3A_282, %and3A_288 : vector<16xi32>
            %add3A_290 = arith.addi %add3A_289, %add3A_111 : vector<16xi32>
            %swap3A_291 = arith.index_cast %add3A_279 : i32 to index
            %swap3A_292 = tpu.vector_load %arg12[%swap3A_291] {strides = array<i32>} : memref<16384xi32, #tpu.memory_space<vmem>>, vector<16xi32>,
            %swap3A_293 = vector.shape_cast %swap3A_292 : vector<16xi32> to vector<16xi32>
            %swap3A_294 = vector.shape_cast %add3A_290 : vector<16xi32> to vector<16xi32>
            tpu.vector_store %arg12[%swap3A_291], %swap3A_294 {strides = array<i32>} : memref<16384xi32, #tpu.memory_space<vmem>>, vector<16xi32>,
            %and3A_295 = arith.constant -128 : i32
            %and3A_296 = vector.broadcast %and3A_295 : i32 to vector<16xi32>
            %and3A_297 = arith.andi %gather3A_285, %and3A_296 : vector<16xi32>
            %add3A_298 = arith.addi %gather3A_285, %and3A_297 : vector<16xi32>
            %add3A_299 = arith.addi %add3A_298, %add3A_111 : vector<16xi32>
            %add3A_300 = arith.constant 16 : i32
            %add3A_301 = arith.addi %add3A_279, %add3A_300 : i32
            %swap3A_302 = arith.index_cast %add3A_301 : i32 to index
            %swap3A_303 = tpu.vector_load %arg12[%swap3A_302] {strides = array<i32>} : memref<16384xi32, #tpu.memory_space<vmem>>, vector<16xi32>,
            %swap3A_304 = vector.shape_cast %swap3A_303 : vector<16xi32> to vector<16xi32>
            %swap3A_305 = vector.shape_cast %add3A_299 : vector<16xi32> to vector<16xi32>
            tpu.vector_store %arg12[%swap3A_302], %swap3A_305 {strides = array<i32>} : memref<16384xi32, #tpu.memory_space<vmem>>, vector<16xi32>,
            %add3A_306 = arith.constant 128 : i32
            %add3A_307 = arith.addi %mul3A_194, %add3A_306 : i32
            %broadcast_in_dim3A_308 = vector.shape_cast %shift_right_logical3A_4 : vector<16xi32> to vector<16x1xi32>
            %gather3A_309 = vector.shape_cast %broadcast_in_dim3A_308 : vector<16x1xi32> to vector<16xi32>
            %gather3A_310 = tpu.dynamic_gather %and3A_177[%gather3A_309] in [0] : vector<16xi32>, vector<16xi32> -> vector<16xi32>
            %broadcast_in_dim3A_311 = vector.shape_cast %add3A_7 : vector<16xi32> to vector<16x1xi32>
            %gather3A_312 = vector.shape_cast %broadcast_in_dim3A_311 : vector<16x1xi32> to vector<16xi32>
            %gather3A_313 = tpu.dynamic_gather %and3A_177[%gather3A_312] in [0] : vector<16xi32>, vector<16xi32> -> vector<16xi32>
            %and3A_314 = arith.constant -128 : i32
            %and3A_315 = vector.broadcast %and3A_314 : i32 to vector<16xi32>
            %and3A_316 = arith.andi %gather3A_310, %and3A_315 : vector<16xi32>
            %add3A_317 = arith.addi %gather3A_310, %and3A_316 : vector<16xi32>
            %add3A_318 = arith.addi %add3A_317, %add3A_111 : vector<16xi32>
            %swap3A_319 = arith.index_cast %add3A_307 : i32 to index
            %swap3A_320 = tpu.vector_load %arg12[%swap3A_319] {strides = array<i32>} : memref<16384xi32, #tpu.memory_space<vmem>>, vector<16xi32>,
            %swap3A_321 = vector.shape_cast %swap3A_320 : vector<16xi32> to vector<16xi32>
            %swap3A_322 = vector.shape_cast %add3A_318 : vector<16xi32> to vector<16xi32>
            tpu.vector_store %arg12[%swap3A_319], %swap3A_322 {strides = array<i32>} : memref<16384xi32, #tpu.memory_space<vmem>>, vector<16xi32>,
            %and3A_323 = arith.constant -128 : i32
            %and3A_324 = vector.broadcast %and3A_323 : i32 to vector<16xi32>
            %and3A_325 = arith.andi %gather3A_313, %and3A_324 : vector<16xi32>
            %add3A_326 = arith.addi %gather3A_313, %and3A_325 : vector<16xi32>
            %add3A_327 = arith.addi %add3A_326, %add3A_111 : vector<16xi32>
            %add3A_328 = arith.constant 16 : i32
            %add3A_329 = arith.addi %add3A_307, %add3A_328 : i32
            %swap3A_330 = arith.index_cast %add3A_329 : i32 to index
            %swap3A_331 = tpu.vector_load %arg12[%swap3A_330] {strides = array<i32>} : memref<16384xi32, #tpu.memory_space<vmem>>, vector<16xi32>,
            %swap3A_332 = vector.shape_cast %swap3A_331 : vector<16xi32> to vector<16xi32>
            %swap3A_333 = vector.shape_cast %add3A_327 : vector<16xi32> to vector<16xi32>
            tpu.vector_store %arg12[%swap3A_330], %swap3A_333 {strides = array<i32>} : memref<16384xi32, #tpu.memory_space<vmem>>, vector<16xi32>,
            %add3A_334 = arith.constant 160 : i32
            %add3A_335 = arith.addi %mul3A_194, %add3A_334 : i32
            %broadcast_in_dim3A_336 = vector.shape_cast %shift_right_logical3A_4 : vector<16xi32> to vector<16x1xi32>
            %gather3A_337 = vector.shape_cast %broadcast_in_dim3A_336 : vector<16x1xi32> to vector<16xi32>
            %gather3A_338 = tpu.dynamic_gather %and3A_181[%gather3A_337] in [0] : vector<16xi32>, vector<16xi32> -> vector<16xi32>
            %broadcast_in_dim3A_339 = vector.shape_cast %add3A_7 : vector<16xi32> to vector<16x1xi32>
            %gather3A_340 = vector.shape_cast %broadcast_in_dim3A_339 : vector<16x1xi32> to vector<16xi32>
            %gather3A_341 = tpu.dynamic_gather %and3A_181[%gather3A_340] in [0] : vector<16xi32>, vector<16xi32> -> vector<16xi32>
            %and3A_342 = arith.constant -128 : i32
            %and3A_343 = vector.broadcast %and3A_342 : i32 to vector<16xi32>
            %and3A_344 = arith.andi %gather3A_338, %and3A_343 : vector<16xi32>
            %add3A_345 = arith.addi %gather3A_338, %and3A_344 : vector<16xi32>
            %add3A_346 = arith.addi %add3A_345, %add3A_111 : vector<16xi32>
            %swap3A_347 = arith.index_cast %add3A_335 : i32 to index
            %swap3A_348 = tpu.vector_load %arg12[%swap3A_347] {strides = array<i32>} : memref<16384xi32, #tpu.memory_space<vmem>>, vector<16xi32>,
            %swap3A_349 = vector.shape_cast %swap3A_348 : vector<16xi32> to vector<16xi32>
            %swap3A_350 = vector.shape_cast %add3A_346 : vector<16xi32> to vector<16xi32>
            tpu.vector_store %arg12[%swap3A_347], %swap3A_350 {strides = array<i32>} : memref<16384xi32, #tpu.memory_space<vmem>>, vector<16xi32>,
            %and3A_351 = arith.constant -128 : i32
            %and3A_352 = vector.broadcast %and3A_351 : i32 to vector<16xi32>
            %and3A_353 = arith.andi %gather3A_341, %and3A_352 : vector<16xi32>
            %add3A_354 = arith.addi %gather3A_341, %and3A_353 : vector<16xi32>
            %add3A_355 = arith.addi %add3A_354, %add3A_111 : vector<16xi32>
            %add3A_356 = arith.constant 16 : i32
            %add3A_357 = arith.addi %add3A_335, %add3A_356 : i32
            %swap3A_358 = arith.index_cast %add3A_357 : i32 to index
            %swap3A_359 = tpu.vector_load %arg12[%swap3A_358] {strides = array<i32>} : memref<16384xi32, #tpu.memory_space<vmem>>, vector<16xi32>,
            %swap3A_360 = vector.shape_cast %swap3A_359 : vector<16xi32> to vector<16xi32>
            %swap3A_361 = vector.shape_cast %add3A_355 : vector<16xi32> to vector<16xi32>
            tpu.vector_store %arg12[%swap3A_358], %swap3A_361 {strides = array<i32>} : memref<16384xi32, #tpu.memory_space<vmem>>, vector<16xi32>,
            %add3A_362 = arith.constant 192 : i32
            %add3A_363 = arith.addi %mul3A_194, %add3A_362 : i32
            %broadcast_in_dim3A_364 = vector.shape_cast %shift_right_logical3A_4 : vector<16xi32> to vector<16x1xi32>
            %gather3A_365 = vector.shape_cast %broadcast_in_dim3A_364 : vector<16x1xi32> to vector<16xi32>
            %gather3A_366 = tpu.dynamic_gather %and3A_185[%gather3A_365] in [0] : vector<16xi32>, vector<16xi32> -> vector<16xi32>
            %broadcast_in_dim3A_367 = vector.shape_cast %add3A_7 : vector<16xi32> to vector<16x1xi32>
            %gather3A_368 = vector.shape_cast %broadcast_in_dim3A_367 : vector<16x1xi32> to vector<16xi32>
            %gather3A_369 = tpu.dynamic_gather %and3A_185[%gather3A_368] in [0] : vector<16xi32>, vector<16xi32> -> vector<16xi32>
            %and3A_370 = arith.constant -128 : i32
            %and3A_371 = vector.broadcast %and3A_370 : i32 to vector<16xi32>
            %and3A_372 = arith.andi %gather3A_366, %and3A_371 : vector<16xi32>
            %add3A_373 = arith.addi %gather3A_366, %and3A_372 : vector<16xi32>
            %add3A_374 = arith.addi %add3A_373, %add3A_111 : vector<16xi32>
            %swap3A_375 = arith.index_cast %add3A_363 : i32 to index
            %swap3A_376 = tpu.vector_load %arg12[%swap3A_375] {strides = array<i32>} : memref<16384xi32, #tpu.memory_space<vmem>>, vector<16xi32>,
            %swap3A_377 = vector.shape_cast %swap3A_376 : vector<16xi32> to vector<16xi32>
            %swap3A_378 = vector.shape_cast %add3A_374 : vector<16xi32> to vector<16xi32>
            tpu.vector_store %arg12[%swap3A_375], %swap3A_378 {strides = array<i32>} : memref<16384xi32, #tpu.memory_space<vmem>>, vector<16xi32>,
            %and3A_379 = arith.constant -128 : i32
            %and3A_380 = vector.broadcast %and3A_379 : i32 to vector<16xi32>
            %and3A_381 = arith.andi %gather3A_369, %and3A_380 : vector<16xi32>
            %add3A_382 = arith.addi %gather3A_369, %and3A_381 : vector<16xi32>
            %add3A_383 = arith.addi %add3A_382, %add3A_111 : vector<16xi32>
            %add3A_384 = arith.constant 16 : i32
            %add3A_385 = arith.addi %add3A_363, %add3A_384 : i32
            %swap3A_386 = arith.index_cast %add3A_385 : i32 to index
            %swap3A_387 = tpu.vector_load %arg12[%swap3A_386] {strides = array<i32>} : memref<16384xi32, #tpu.memory_space<vmem>>, vector<16xi32>,
            %swap3A_388 = vector.shape_cast %swap3A_387 : vector<16xi32> to vector<16xi32>
            %swap3A_389 = vector.shape_cast %add3A_383 : vector<16xi32> to vector<16xi32>
            tpu.vector_store %arg12[%swap3A_386], %swap3A_389 {strides = array<i32>} : memref<16384xi32, #tpu.memory_space<vmem>>, vector<16xi32>,
            %add3A_390 = arith.constant 224 : i32
            %add3A_391 = arith.addi %mul3A_194, %add3A_390 : i32
            %broadcast_in_dim3A_392 = vector.shape_cast %shift_right_logical3A_4 : vector<16xi32> to vector<16x1xi32>
            %gather3A_393 = vector.shape_cast %broadcast_in_dim3A_392 : vector<16x1xi32> to vector<16xi32>
            %gather3A_394 = tpu.dynamic_gather %and3A_189[%gather3A_393] in [0] : vector<16xi32>, vector<16xi32> -> vector<16xi32>
            %broadcast_in_dim3A_395 = vector.shape_cast %add3A_7 : vector<16xi32> to vector<16x1xi32>
            %gather3A_396 = vector.shape_cast %broadcast_in_dim3A_395 : vector<16x1xi32> to vector<16xi32>
            %gather3A_397 = tpu.dynamic_gather %and3A_189[%gather3A_396] in [0] : vector<16xi32>, vector<16xi32> -> vector<16xi32>
            %and3A_398 = arith.constant -128 : i32
            %and3A_399 = vector.broadcast %and3A_398 : i32 to vector<16xi32>
            %and3A_400 = arith.andi %gather3A_394, %and3A_399 : vector<16xi32>
            %add3A_401 = arith.addi %gather3A_394, %and3A_400 : vector<16xi32>
            %add3A_402 = arith.addi %add3A_401, %add3A_111 : vector<16xi32>
            %swap3A_403 = arith.index_cast %add3A_391 : i32 to index
            %swap3A_404 = tpu.vector_load %arg12[%swap3A_403] {strides = array<i32>} : memref<16384xi32, #tpu.memory_space<vmem>>, vector<16xi32>,
            %swap3A_405 = vector.shape_cast %swap3A_404 : vector<16xi32> to vector<16xi32>
            %swap3A_406 = vector.shape_cast %add3A_402 : vector<16xi32> to vector<16xi32>
            tpu.vector_store %arg12[%swap3A_403], %swap3A_406 {strides = array<i32>} : memref<16384xi32, #tpu.memory_space<vmem>>, vector<16xi32>,
            %and3A_407 = arith.constant -128 : i32
            %and3A_408 = vector.broadcast %and3A_407 : i32 to vector<16xi32>
            %and3A_409 = arith.andi %gather3A_397, %and3A_408 : vector<16xi32>
            %add3A_410 = arith.addi %gather3A_397, %and3A_409 : vector<16xi32>
            %add3A_411 = arith.addi %add3A_410, %add3A_111 : vector<16xi32>
            %add3A_412 = arith.constant 16 : i32
            %add3A_413 = arith.addi %add3A_391, %add3A_412 : i32
            %swap3A_414 = arith.index_cast %add3A_413 : i32 to index
            %swap3A_415 = tpu.vector_load %arg12[%swap3A_414] {strides = array<i32>} : memref<16384xi32, #tpu.memory_space<vmem>>, vector<16xi32>,
            %swap3A_416 = vector.shape_cast %swap3A_415 : vector<16xi32> to vector<16xi32>
            %swap3A_417 = vector.shape_cast %add3A_411 : vector<16xi32> to vector<16xi32>
            tpu.vector_store %arg12[%swap3A_414], %swap3A_417 {strides = array<i32>} : memref<16384xi32, #tpu.memory_space<vmem>>, vector<16xi32>,
          }
          %scan3A_116 = arith.constant 4 : i32
        }
        %scan3A_98 = arith.constant 16 : i32
        %dma_start3A_99 = arith.constant 0 : i32
        %dma_start3A_100 = tpu.memref_slice %arg5[%dma_start3A_99] : memref<16777216xf32, #tpu.memory_space<hbm>> -> memref<16777216xf32, #tpu.memory_space<hbm>>
        tpu.enqueue_indirect_dma source(%dma_start3A_100 : memref<16777216xf32, #tpu.memory_space<hbm>>) target(%arg14 : memref<16384xf32, #tpu.memory_space<vmem>>) offsets(%arg12 : memref<16384xi32, #tpu.memory_space<vmem>>) semaphore(%arg17 : memref<!tpu.dma_semaphore, #tpu.memory_space<semaphore_mem>>)
      } else {
      }
      %dma_wait3A_64 = arith.constant 0 : i32
      %dma_wait3A_65 = tpu.memref_slice %arg5[%dma_wait3A_64] : memref<16777216xf32, #tpu.memory_space<hbm>> -> memref<16777216xf32, #tpu.memory_space<hbm>>
      tpu.wait_indirect_dma semaphore(%arg18 : memref<!tpu.dma_semaphore, #tpu.memory_space<semaphore_mem>>) src(%dma_wait3A_65 : memref<16777216xf32, #tpu.memory_space<hbm>>) dst(%arg15 : memref<16384xf32, #tpu.memory_space<vmem>>)
      %add3A_66 = arith.constant 1 : i32
      %add3A_67 = arith.addi %add3A_39, %add3A_66 : i32
      %mul3A_68 = arith.constant 64 : i32
      %mul3A_69 = arith.muli %add3A_67, %mul3A_68 : i32
      %scan3A_70 = arith.constant 0 : i32
      %scan3A_71 = arith.constant 16 : i32
      %scan3A_72 = arith.addi %scan3A_70, %scan3A_71 : i32
      %scan3A_73 = arith.constant 1 : i32
      scf.for %scan3A_90 = %scan3A_70 to %scan3A_72 step %scan3A_73  : i32 {
        %mul3A_91 = arith.constant 1 : i32
        %mul3A_92 = arith.muli %scan3A_90, %mul3A_91 : i32
        %add3A_93 = arith.constant 0 : i32
        %add3A_94 = arith.addi %add3A_93, %mul3A_92 : i32
        %broadcast_in_dim3A = vector.broadcast %add3A_94 : i32 to vector<16xi32>
        %broadcast_in_dim3A_95 = vector.shape_cast %broadcast_in_dim3A : vector<16xi32> to vector<16x1xi32>
        %gather3A = vector.shape_cast %broadcast_in_dim3A_95 : vector<16x1xi32> to vector<16xi32>
        %gather3A_96 = tpu.dynamic_gather %get3A_24[%gather3A] in [0] : vector<16xf32>, vector<16xi32> -> vector<16xf32>
        %mul3A_97 = arith.constant 2 : i32
        %mul3A_98 = arith.muli %add3A_94, %mul3A_97 : i32
        %scan3A_99 = arith.constant 0 : i32
        %scan3A_100 = arith.constant 4 : i32
        %scan3A_101 = arith.addi %scan3A_99, %scan3A_100 : i32
        %scan3A_102 = arith.constant 1 : i32
        scf.for %scan3A_104 = %scan3A_99 to %scan3A_101 step %scan3A_102  : i32 {
          %mul3A_105 = arith.constant 1 : i32
          %mul3A_106 = arith.muli %scan3A_104, %mul3A_105 : i32
          %add3A_107 = arith.constant 0 : i32
          %add3A_108 = arith.addi %add3A_107, %mul3A_106 : i32
          %mul3A_109 = arith.constant 16 : i32
          %mul3A_110 = arith.muli %add3A_108, %mul3A_109 : i32
          %add3A_111 = arith.addi %mul3A_69, %mul3A_110 : i32
          %get3A_112 = arith.index_cast %add3A_111 : i32 to index
          %get3A_113 = tpu.vector_load %arg8[%get3A_112] {strides = array<i32>} : memref<4096xf32, #tpu.memory_space<vmem>>, vector<16xf32>,
          %get3A_114 = vector.shape_cast %get3A_113 : vector<16xf32> to vector<16xf32>
          %mul3A_115 = arith.mulf %get3A_114, %gather3A_96 : vector<16xf32>
          %get3A_116 = arith.index_cast %add3A_111 : i32 to index
          %get3A_117 = tpu.vector_load %arg9[%get3A_116] {strides = array<i32>} : memref<4096xf32, #tpu.memory_space<vmem>>, vector<16xf32>,
          %get3A_118 = vector.shape_cast %get3A_117 : vector<16xf32> to vector<16xf32>
          %mul3A_119 = arith.mulf %get3A_118, %gather3A_96 : vector<16xf32>
          %get3A_120 = arith.index_cast %add3A_111 : i32 to index
          %get3A_121 = tpu.vector_load %arg10[%get3A_120] {strides = array<i32>} : memref<4096xf32, #tpu.memory_space<vmem>>, vector<16xf32>,
          %get3A_122 = vector.shape_cast %get3A_121 : vector<16xf32> to vector<16xf32>
          %mul3A_123 = arith.mulf %get3A_122, %gather3A_96 : vector<16xf32>
          %convert_element_type3A_124 = arith.fptosi %mul3A_115 : vector<16xf32> to vector<16xi32>
          %convert_element_type3A_125 = arith.sitofp %convert_element_type3A_124 : vector<16xi32> to vector<16xf32>
          %sub3A = arith.subf %mul3A_115, %convert_element_type3A_125 : vector<16xf32>
          %convert_element_type3A_126 = arith.fptosi %mul3A_119 : vector<16xf32> to vector<16xi32>
          %convert_element_type3A_127 = arith.sitofp %convert_element_type3A_126 : vector<16xi32> to vector<16xf32>
          %sub3A_128 = arith.subf %mul3A_119, %convert_element_type3A_127 : vector<16xf32>
          %convert_element_type3A_129 = arith.fptosi %mul3A_123 : vector<16xf32> to vector<16xi32>
          %convert_element_type3A_130 = arith.sitofp %convert_element_type3A_129 : vector<16xi32> to vector<16xf32>
          %sub3A_131 = arith.subf %mul3A_123, %convert_element_type3A_130 : vector<16xf32>
          %mul3A_132 = arith.constant 16 : i32
          %mul3A_133 = arith.muli %add3A_108, %mul3A_132 : i32
          %add3A_134 = arith.addi %mul3A_133, %add3A_94 : i32
          %mul3A_135 = arith.constant 256 : i32
          %mul3A_136 = arith.muli %add3A_134, %mul3A_135 : i32
          %broadcast_in_dim3A_137 = vector.shape_cast %shift_right_logical3A_4 : vector<16xi32> to vector<16x1xi32>
          %gather3A_138 = vector.shape_cast %broadcast_in_dim3A_137 : vector<16x1xi32> to vector<16xi32>
          %gather3A_139 = tpu.dynamic_gather %sub3A[%gather3A_138] in [0] : vector<16xf32>, vector<16xi32> -> vector<16xf32>
          %broadcast_in_dim3A_140 = vector.shape_cast %shift_right_logical3A_4 : vector<16xi32> to vector<16x1xi32>
          %gather3A_141 = vector.shape_cast %broadcast_in_dim3A_140 : vector<16x1xi32> to vector<16xi32>
          %gather3A_142 = tpu.dynamic_gather %sub3A_128[%gather3A_141] in [0] : vector<16xf32>, vector<16xi32> -> vector<16xf32>
          %broadcast_in_dim3A_143 = vector.shape_cast %shift_right_logical3A_4 : vector<16xi32> to vector<16x1xi32>
          %gather3A_144 = vector.shape_cast %broadcast_in_dim3A_143 : vector<16x1xi32> to vector<16xi32>
          %gather3A_145 = tpu.dynamic_gather %sub3A_131[%gather3A_144] in [0] : vector<16xf32>, vector<16xi32> -> vector<16xf32>
          %sub3A_146 = arith.constant 1.000000e+00 : f32
          %sub3A_147 = vector.broadcast %sub3A_146 : f32 to vector<16xf32>
          %sub3A_148 = arith.subf %sub3A_147, %gather3A_139 : vector<16xf32>
          %sub3A_149 = arith.constant 1.000000e+00 : f32
          %sub3A_150 = vector.broadcast %sub3A_149 : f32 to vector<16xf32>
          %sub3A_151 = arith.subf %sub3A_150, %gather3A_142 : vector<16xf32>
          %sub3A_152 = arith.constant 1.000000e+00 : f32
          %sub3A_153 = vector.broadcast %sub3A_152 : f32 to vector<16xf32>
          %sub3A_154 = arith.subf %sub3A_153, %gather3A_145 : vector<16xf32>
          %add3A_155 = arith.constant 0 : i32
          %add3A_156 = arith.addi %mul3A_136, %add3A_155 : i32
          %get3A_157 = arith.index_cast %add3A_156 : i32 to index
          %get3A_158 = tpu.vector_load %arg15[%get3A_157] {strides = array<i32>} : memref<16384xf32, #tpu.memory_space<vmem>>, vector<16xf32>,
          %get3A_159 = vector.shape_cast %get3A_158 : vector<16xf32> to vector<16xf32>
          %add3A_160 = arith.constant 32 : i32
          %add3A_161 = arith.addi %mul3A_136, %add3A_160 : i32
          %get3A_162 = arith.index_cast %add3A_161 : i32 to index
          %get3A_163 = tpu.vector_load %arg15[%get3A_162] {strides = array<i32>} : memref<16384xf32, #tpu.memory_space<vmem>>, vector<16xf32>,
          %get3A_164 = vector.shape_cast %get3A_163 : vector<16xf32> to vector<16xf32>
          %add3A_165 = arith.constant 64 : i32
          %add3A_166 = arith.addi %mul3A_136, %add3A_165 : i32
          %get3A_167 = arith.index_cast %add3A_166 : i32 to index
          %get3A_168 = tpu.vector_load %arg15[%get3A_167] {strides = array<i32>} : memref<16384xf32, #tpu.memory_space<vmem>>, vector<16xf32>,
          %get3A_169 = vector.shape_cast %get3A_168 : vector<16xf32> to vector<16xf32>
          %add3A_170 = arith.constant 96 : i32
          %add3A_171 = arith.addi %mul3A_136, %add3A_170 : i32
          %get3A_172 = arith.index_cast %add3A_171 : i32 to index
          %get3A_173 = tpu.vector_load %arg15[%get3A_172] {strides = array<i32>} : memref<16384xf32, #tpu.memory_space<vmem>>, vector<16xf32>,
          %get3A_174 = vector.shape_cast %get3A_173 : vector<16xf32> to vector<16xf32>
          %add3A_175 = arith.constant 128 : i32
          %add3A_176 = arith.addi %mul3A_136, %add3A_175 : i32
          %get3A_177 = arith.index_cast %add3A_176 : i32 to index
          %get3A_178 = tpu.vector_load %arg15[%get3A_177] {strides = array<i32>} : memref<16384xf32, #tpu.memory_space<vmem>>, vector<16xf32>,
          %get3A_179 = vector.shape_cast %get3A_178 : vector<16xf32> to vector<16xf32>
          %add3A_180 = arith.constant 160 : i32
          %add3A_181 = arith.addi %mul3A_136, %add3A_180 : i32
          %get3A_182 = arith.index_cast %add3A_181 : i32 to index
          %get3A_183 = tpu.vector_load %arg15[%get3A_182] {strides = array<i32>} : memref<16384xf32, #tpu.memory_space<vmem>>, vector<16xf32>,
          %get3A_184 = vector.shape_cast %get3A_183 : vector<16xf32> to vector<16xf32>
          %add3A_185 = arith.constant 192 : i32
          %add3A_186 = arith.addi %mul3A_136, %add3A_185 : i32
          %get3A_187 = arith.index_cast %add3A_186 : i32 to index
          %get3A_188 = tpu.vector_load %arg15[%get3A_187] {strides = array<i32>} : memref<16384xf32, #tpu.memory_space<vmem>>, vector<16xf32>,
          %get3A_189 = vector.shape_cast %get3A_188 : vector<16xf32> to vector<16xf32>
          %add3A_190 = arith.constant 224 : i32
          %add3A_191 = arith.addi %mul3A_136, %add3A_190 : i32
          %get3A_192 = arith.index_cast %add3A_191 : i32 to index
          %get3A_193 = tpu.vector_load %arg15[%get3A_192] {strides = array<i32>} : memref<16384xf32, #tpu.memory_space<vmem>>, vector<16xf32>,
          %get3A_194 = vector.shape_cast %get3A_193 : vector<16xf32> to vector<16xf32>
          %mul3A_195 = arith.mulf %get3A_159, %gather3A_139 : vector<16xf32>
          %mul3A_196 = arith.mulf %get3A_174, %sub3A_148 : vector<16xf32>
          %add3A_197 = arith.addf %mul3A_195, %mul3A_196 : vector<16xf32>
          %mul3A_198 = arith.mulf %get3A_164, %gather3A_139 : vector<16xf32>
          %mul3A_199 = arith.mulf %get3A_169, %sub3A_148 : vector<16xf32>
          %add3A_200 = arith.addf %mul3A_198, %mul3A_199 : vector<16xf32>
          %mul3A_201 = arith.mulf %get3A_184, %gather3A_139 : vector<16xf32>
          %mul3A_202 = arith.mulf %get3A_189, %sub3A_148 : vector<16xf32>
          %add3A_203 = arith.addf %mul3A_201, %mul3A_202 : vector<16xf32>
          %mul3A_204 = arith.mulf %get3A_179, %gather3A_139 : vector<16xf32>
          %mul3A_205 = arith.mulf %get3A_194, %sub3A_148 : vector<16xf32>
          %add3A_206 = arith.addf %mul3A_204, %mul3A_205 : vector<16xf32>
          %mul3A_207 = arith.mulf %add3A_197, %gather3A_142 : vector<16xf32>
          %mul3A_208 = arith.mulf %add3A_200, %sub3A_151 : vector<16xf32>
          %add3A_209 = arith.addf %mul3A_207, %mul3A_208 : vector<16xf32>
          %mul3A_210 = arith.mulf %add3A_206, %gather3A_142 : vector<16xf32>
          %mul3A_211 = arith.mulf %add3A_203, %sub3A_151 : vector<16xf32>
          %add3A_212 = arith.addf %mul3A_210, %mul3A_211 : vector<16xf32>
          %mul3A_213 = arith.mulf %add3A_209, %gather3A_145 : vector<16xf32>
          %mul3A_214 = arith.mulf %add3A_212, %sub3A_154 : vector<16xf32>
          %add3A_215 = arith.addf %mul3A_213, %mul3A_214 : vector<16xf32>
          %broadcast_in_dim3A_216 = vector.shape_cast %add3A_7 : vector<16xi32> to vector<16x1xi32>
          %gather3A_217 = vector.shape_cast %broadcast_in_dim3A_216 : vector<16x1xi32> to vector<16xi32>
          %gather3A_218 = tpu.dynamic_gather %sub3A[%gather3A_217] in [0] : vector<16xf32>, vector<16xi32> -> vector<16xf32>
          %broadcast_in_dim3A_219 = vector.shape_cast %add3A_7 : vector<16xi32> to vector<16x1xi32>
          %gather3A_220 = vector.shape_cast %broadcast_in_dim3A_219 : vector<16x1xi32> to vector<16xi32>
          %gather3A_221 = tpu.dynamic_gather %sub3A_128[%gather3A_220] in [0] : vector<16xf32>, vector<16xi32> -> vector<16xf32>
          %broadcast_in_dim3A_222 = vector.shape_cast %add3A_7 : vector<16xi32> to vector<16x1xi32>
          %gather3A_223 = vector.shape_cast %broadcast_in_dim3A_222 : vector<16x1xi32> to vector<16xi32>
          %gather3A_224 = tpu.dynamic_gather %sub3A_131[%gather3A_223] in [0] : vector<16xf32>, vector<16xi32> -> vector<16xf32>
          %sub3A_225 = arith.constant 1.000000e+00 : f32
          %sub3A_226 = vector.broadcast %sub3A_225 : f32 to vector<16xf32>
          %sub3A_227 = arith.subf %sub3A_226, %gather3A_218 : vector<16xf32>
          %sub3A_228 = arith.constant 1.000000e+00 : f32
          %sub3A_229 = vector.broadcast %sub3A_228 : f32 to vector<16xf32>
          %sub3A_230 = arith.subf %sub3A_229, %gather3A_221 : vector<16xf32>
          %sub3A_231 = arith.constant 1.000000e+00 : f32
          %sub3A_232 = vector.broadcast %sub3A_231 : f32 to vector<16xf32>
          %sub3A_233 = arith.subf %sub3A_232, %gather3A_224 : vector<16xf32>
          %add3A_234 = arith.constant 16 : i32
          %add3A_235 = arith.addi %mul3A_136, %add3A_234 : i32
          %get3A_236 = arith.index_cast %add3A_235 : i32 to index
          %get3A_237 = tpu.vector_load %arg15[%get3A_236] {strides = array<i32>} : memref<16384xf32, #tpu.memory_space<vmem>>, vector<16xf32>,
          %get3A_238 = vector.shape_cast %get3A_237 : vector<16xf32> to vector<16xf32>
          %add3A_239 = arith.constant 48 : i32
          %add3A_240 = arith.addi %mul3A_136, %add3A_239 : i32
          %get3A_241 = arith.index_cast %add3A_240 : i32 to index
          %get3A_242 = tpu.vector_load %arg15[%get3A_241] {strides = array<i32>} : memref<16384xf32, #tpu.memory_space<vmem>>, vector<16xf32>,
          %get3A_243 = vector.shape_cast %get3A_242 : vector<16xf32> to vector<16xf32>
          %add3A_244 = arith.constant 80 : i32
          %add3A_245 = arith.addi %mul3A_136, %add3A_244 : i32
          %get3A_246 = arith.index_cast %add3A_245 : i32 to index
          %get3A_247 = tpu.vector_load %arg15[%get3A_246] {strides = array<i32>} : memref<16384xf32, #tpu.memory_space<vmem>>, vector<16xf32>,
          %get3A_248 = vector.shape_cast %get3A_247 : vector<16xf32> to vector<16xf32>
          %add3A_249 = arith.constant 112 : i32
          %add3A_250 = arith.addi %mul3A_136, %add3A_249 : i32
          %get3A_251 = arith.index_cast %add3A_250 : i32 to index
          %get3A_252 = tpu.vector_load %arg15[%get3A_251] {strides = array<i32>} : memref<16384xf32, #tpu.memory_space<vmem>>, vector<16xf32>,
          %get3A_253 = vector.shape_cast %get3A_252 : vector<16xf32> to vector<16xf32>
          %add3A_254 = arith.constant 144 : i32
          %add3A_255 = arith.addi %mul3A_136, %add3A_254 : i32
          %get3A_256 = arith.index_cast %add3A_255 : i32 to index
          %get3A_257 = tpu.vector_load %arg15[%get3A_256] {strides = array<i32>} : memref<16384xf32, #tpu.memory_space<vmem>>, vector<16xf32>,
          %get3A_258 = vector.shape_cast %get3A_257 : vector<16xf32> to vector<16xf32>
          %add3A_259 = arith.constant 176 : i32
          %add3A_260 = arith.addi %mul3A_136, %add3A_259 : i32
          %get3A_261 = arith.index_cast %add3A_260 : i32 to index
          %get3A_262 = tpu.vector_load %arg15[%get3A_261] {strides = array<i32>} : memref<16384xf32, #tpu.memory_space<vmem>>, vector<16xf32>,
          %get3A_263 = vector.shape_cast %get3A_262 : vector<16xf32> to vector<16xf32>
          %add3A_264 = arith.constant 208 : i32
          %add3A_265 = arith.addi %mul3A_136, %add3A_264 : i32
          %get3A_266 = arith.index_cast %add3A_265 : i32 to index
          %get3A_267 = tpu.vector_load %arg15[%get3A_266] {strides = array<i32>} : memref<16384xf32, #tpu.memory_space<vmem>>, vector<16xf32>,
          %get3A_268 = vector.shape_cast %get3A_267 : vector<16xf32> to vector<16xf32>
          %add3A_269 = arith.constant 240 : i32
          %add3A_270 = arith.addi %mul3A_136, %add3A_269 : i32
          %get3A_271 = arith.index_cast %add3A_270 : i32 to index
          %get3A_272 = tpu.vector_load %arg15[%get3A_271] {strides = array<i32>} : memref<16384xf32, #tpu.memory_space<vmem>>, vector<16xf32>,
          %get3A_273 = vector.shape_cast %get3A_272 : vector<16xf32> to vector<16xf32>
          %mul3A_274 = arith.mulf %get3A_238, %gather3A_218 : vector<16xf32>
          %mul3A_275 = arith.mulf %get3A_253, %sub3A_227 : vector<16xf32>
          %add3A_276 = arith.addf %mul3A_274, %mul3A_275 : vector<16xf32>
          %mul3A_277 = arith.mulf %get3A_243, %gather3A_218 : vector<16xf32>
          %mul3A_278 = arith.mulf %get3A_248, %sub3A_227 : vector<16xf32>
          %add3A_279 = arith.addf %mul3A_277, %mul3A_278 : vector<16xf32>
          %mul3A_280 = arith.mulf %get3A_263, %gather3A_218 : vector<16xf32>
          %mul3A_281 = arith.mulf %get3A_268, %sub3A_227 : vector<16xf32>
          %add3A_282 = arith.addf %mul3A_280, %mul3A_281 : vector<16xf32>
          %mul3A_283 = arith.mulf %get3A_258, %gather3A_218 : vector<16xf32>
          %mul3A_284 = arith.mulf %get3A_273, %sub3A_227 : vector<16xf32>
          %add3A_285 = arith.addf %mul3A_283, %mul3A_284 : vector<16xf32>
          %mul3A_286 = arith.mulf %add3A_276, %gather3A_221 : vector<16xf32>
          %mul3A_287 = arith.mulf %add3A_279, %sub3A_230 : vector<16xf32>
          %add3A_288 = arith.addf %mul3A_286, %mul3A_287 : vector<16xf32>
          %mul3A_289 = arith.mulf %add3A_285, %gather3A_221 : vector<16xf32>
          %mul3A_290 = arith.mulf %add3A_282, %sub3A_230 : vector<16xf32>
          %add3A_291 = arith.addf %mul3A_289, %mul3A_290 : vector<16xf32>
          %mul3A_292 = arith.mulf %add3A_288, %gather3A_224 : vector<16xf32>
          %mul3A_293 = arith.mulf %add3A_291, %sub3A_233 : vector<16xf32>
          %add3A_294 = arith.addf %mul3A_292, %mul3A_293 : vector<16xf32>
          %add3A_295 = arith.constant 0 : i32
          %add3A_296 = arith.addi %mul3A_98, %add3A_295 : i32
          %broadcast_in_dim3A_297 = vector.shape_cast %shift_left3A_17 : vector<16xi32> to vector<16x1xi32>
          %gather3A_298 = vector.shape_cast %broadcast_in_dim3A_297 : vector<16x1xi32> to vector<16xi32>
          %gather3A_299 = tpu.dynamic_gather %add3A_215[%gather3A_298] in [0] : vector<16xf32>, vector<16xi32> -> vector<16xf32>
          %broadcast_in_dim3A_300 = vector.shape_cast %shift_left3A_17 : vector<16xi32> to vector<16x1xi32>
          %gather3A_301 = vector.shape_cast %broadcast_in_dim3A_300 : vector<16x1xi32> to vector<16xi32>
          %gather3A_302 = tpu.dynamic_gather %add3A_294[%gather3A_301] in [0] : vector<16xf32>, vector<16xi32> -> vector<16xf32>
          %select_n3A = arith.select %lt3A_22, %gather3A_299, %gather3A_302 : vector<16xi1>, vector<16xf32>
          %shift_right_arithmetic3A = arith.constant 3 : i32
          %shift_right_arithmetic3A_303 = arith.shrsi %add3A_296, %shift_right_arithmetic3A : i32
          %mul3A_304 = arith.constant 1024 : i32
          %mul3A_305 = arith.muli %shift_right_arithmetic3A_303, %mul3A_304 : i32
          %and3A_306 = arith.constant 7 : i32
          %and3A_307 = arith.andi %add3A_296, %and3A_306 : i32
          %mul3A_308 = arith.constant 128 : i32
          %mul3A_309 = arith.muli %and3A_307, %mul3A_308 : i32
          %add3A_310 = arith.addi %mul3A_305, %mul3A_309 : i32
          %add3A_311 = arith.constant 64 : i32
          %add3A_312 = arith.addi %add3A_310, %add3A_311 : i32
          %mul3A_313 = arith.constant 16 : i32
          %mul3A_314 = arith.muli %add3A_108, %mul3A_313 : i32
          %add3A_315 = arith.addi %add3A_312, %mul3A_314 : i32
          %swap3A = arith.index_cast %add3A_315 : i32 to index
          %swap3A_316 = tpu.vector_load %arg16[%swap3A] {strides = array<i32>} : memref<4096xf32, #tpu.memory_space<vmem>>, vector<16xf32>,
          %swap3A_317 = vector.shape_cast %swap3A_316 : vector<16xf32> to vector<16xf32>
          %swap3A_318 = vector.shape_cast %select_n3A : vector<16xf32> to vector<16xf32>
          tpu.vector_store %arg16[%swap3A], %swap3A_318 {strides = array<i32>} : memref<4096xf32, #tpu.memory_space<vmem>>, vector<16xf32>,
          %add3A_319 = arith.constant 1 : i32
          %add3A_320 = arith.addi %mul3A_98, %add3A_319 : i32
          %broadcast_in_dim3A_321 = vector.shape_cast %add3A_20 : vector<16xi32> to vector<16x1xi32>
          %gather3A_322 = vector.shape_cast %broadcast_in_dim3A_321 : vector<16x1xi32> to vector<16xi32>
          %gather3A_323 = tpu.dynamic_gather %add3A_215[%gather3A_322] in [0] : vector<16xf32>, vector<16xi32> -> vector<16xf32>
          %broadcast_in_dim3A_324 = vector.shape_cast %add3A_20 : vector<16xi32> to vector<16x1xi32>
          %gather3A_325 = vector.shape_cast %broadcast_in_dim3A_324 : vector<16x1xi32> to vector<16xi32>
          %gather3A_326 = tpu.dynamic_gather %add3A_294[%gather3A_325] in [0] : vector<16xf32>, vector<16xi32> -> vector<16xf32>
          %select_n3A_327 = arith.select %lt3A_22, %gather3A_323, %gather3A_326 : vector<16xi1>, vector<16xf32>
          %shift_right_arithmetic3A_328 = arith.constant 3 : i32
          %shift_right_arithmetic3A_329 = arith.shrsi %add3A_320, %shift_right_arithmetic3A_328 : i32
          %mul3A_330 = arith.constant 1024 : i32
          %mul3A_331 = arith.muli %shift_right_arithmetic3A_329, %mul3A_330 : i32
          %and3A_332 = arith.constant 7 : i32
          %and3A_333 = arith.andi %add3A_320, %and3A_332 : i32
          %mul3A_334 = arith.constant 128 : i32
          %mul3A_335 = arith.muli %and3A_333, %mul3A_334 : i32
          %add3A_336 = arith.addi %mul3A_331, %mul3A_335 : i32
          %add3A_337 = arith.constant 64 : i32
          %add3A_338 = arith.addi %add3A_336, %add3A_337 : i32
          %mul3A_339 = arith.constant 16 : i32
          %mul3A_340 = arith.muli %add3A_108, %mul3A_339 : i32
          %add3A_341 = arith.addi %add3A_338, %mul3A_340 : i32
          %swap3A_342 = arith.index_cast %add3A_341 : i32 to index
          %swap3A_343 = tpu.vector_load %arg16[%swap3A_342] {strides = array<i32>} : memref<4096xf32, #tpu.memory_space<vmem>>, vector<16xf32>,
          %swap3A_344 = vector.shape_cast %swap3A_343 : vector<16xf32> to vector<16xf32>
          %swap3A_345 = vector.shape_cast %select_n3A_327 : vector<16xf32> to vector<16xf32>
          tpu.vector_store %arg16[%swap3A_342], %swap3A_345 {strides = array<i32>} : memref<4096xf32, #tpu.memory_space<vmem>>, vector<16xf32>,
        }
        %scan3A_103 = arith.constant 4 : i32
      }
      %scan3A_74 = arith.constant 16 : i32
      %mul3A_75 = arith.constant 32 : i32
      %mul3A_76 = arith.muli %add3A, %mul3A_75 : i32
      %shift_right_logical3A_77 = arith.constant 1 : i32
      %shift_right_logical3A_78 = arith.shrui %add3A_39, %shift_right_logical3A_77 : i32
      %add3A_79 = arith.addi %mul3A_76, %shift_right_logical3A_78 : i32
      %mul3A_80 = arith.constant 1024 : i32
      %mul3A_81 = arith.muli %add3A_79, %mul3A_80 : i32
      %add3A_82 = arith.constant 0 : i32
      %add3A_83 = arith.addi %add3A_82, %mul3A_81 : i32
      "tpu.region"() ({
        %run_scoped3A = tpu.sem_alloc : memref<!tpu.dma_semaphore, #tpu.memory_space<semaphore_mem>>
        %dma_start3A_90 = arith.constant 0 : i32
        %dma_start3A_91 = tpu.memref_slice %arg16[%dma_start3A_90] : memref<4096xf32, #tpu.memory_space<vmem>> -> memref<1024xf32, #tpu.memory_space<vmem>>
        %dma_start3A_92 = tpu.memref_slice %arg7[%add3A_83] : memref<4194304xf32, #tpu.memory_space<hbm>> -> memref<1024xf32, #tpu.memory_space<hbm>>
        %dma_start3A_93 = tpu.memref_slice %arg7[%add3A_83] : memref<4194304xf32, #tpu.memory_space<hbm>> -> memref<1024xf32, #tpu.memory_space<hbm>>
        %dma_start3A_94 = arith.constant 0 : i32
        %dma_start3A_95 = tpu.memref_slice %arg16[%dma_start3A_94] : memref<4096xf32, #tpu.memory_space<vmem>> -> memref<1024xf32, #tpu.memory_space<vmem>>
        tpu.enqueue_dma source(%dma_start3A_95 : memref<1024xf32, #tpu.memory_space<vmem>>) target(%dma_start3A_93 : memref<1024xf32, #tpu.memory_space<hbm>>) target_semaphore(%run_scoped3A : memref<!tpu.dma_semaphore, #tpu.memory_space<semaphore_mem>>)
        %dma_wait3A_96 = arith.constant 0 : i32
        %dma_wait3A_97 = tpu.memref_slice %arg16[%dma_wait3A_96] : memref<4096xf32, #tpu.memory_space<vmem>> -> memref<1024xf32, #tpu.memory_space<vmem>>
        %dma_wait3A_98 = tpu.memref_slice %arg7[%add3A_83] : memref<4194304xf32, #tpu.memory_space<hbm>> -> memref<1024xf32, #tpu.memory_space<hbm>>
        %dma_wait3A_99 = tpu.memref_slice %arg7[%add3A_83] : memref<4194304xf32, #tpu.memory_space<hbm>> -> memref<1024xf32, #tpu.memory_space<hbm>>
        %dma_wait3A_100 = arith.constant 0 : i32
        %dma_wait3A_101 = tpu.memref_slice %arg16[%dma_wait3A_100] : memref<4096xf32, #tpu.memory_space<vmem>> -> memref<1024xf32, #tpu.memory_space<vmem>>
        tpu.wait_dma2 semaphore(%run_scoped3A : memref<!tpu.dma_semaphore, #tpu.memory_space<semaphore_mem>>) src(%dma_wait3A_101 : memref<1024xf32, #tpu.memory_space<vmem>>) dst(%dma_wait3A_99 : memref<1024xf32, #tpu.memory_space<hbm>>)
        tpu.yield
      }) : () -> ()
      %add3A_84 = arith.constant 1048576 : i32
      %add3A_85 = arith.addi %add3A_84, %mul3A_81 : i32
      "tpu.region"() ({
        %run_scoped3A = tpu.sem_alloc : memref<!tpu.dma_semaphore, #tpu.memory_space<semaphore_mem>>
        %dma_start3A_90 = arith.constant 1024 : i32
        %dma_start3A_91 = tpu.memref_slice %arg16[%dma_start3A_90] : memref<4096xf32, #tpu.memory_space<vmem>> -> memref<1024xf32, #tpu.memory_space<vmem>>
        %dma_start3A_92 = tpu.memref_slice %arg7[%add3A_85] : memref<4194304xf32, #tpu.memory_space<hbm>> -> memref<1024xf32, #tpu.memory_space<hbm>>
        %dma_start3A_93 = tpu.memref_slice %arg7[%add3A_85] : memref<4194304xf32, #tpu.memory_space<hbm>> -> memref<1024xf32, #tpu.memory_space<hbm>>
        %dma_start3A_94 = arith.constant 1024 : i32
        %dma_start3A_95 = tpu.memref_slice %arg16[%dma_start3A_94] : memref<4096xf32, #tpu.memory_space<vmem>> -> memref<1024xf32, #tpu.memory_space<vmem>>
        tpu.enqueue_dma source(%dma_start3A_95 : memref<1024xf32, #tpu.memory_space<vmem>>) target(%dma_start3A_93 : memref<1024xf32, #tpu.memory_space<hbm>>) target_semaphore(%run_scoped3A : memref<!tpu.dma_semaphore, #tpu.memory_space<semaphore_mem>>)
        %dma_wait3A_96 = arith.constant 1024 : i32
        %dma_wait3A_97 = tpu.memref_slice %arg16[%dma_wait3A_96] : memref<4096xf32, #tpu.memory_space<vmem>> -> memref<1024xf32, #tpu.memory_space<vmem>>
        %dma_wait3A_98 = tpu.memref_slice %arg7[%add3A_85] : memref<4194304xf32, #tpu.memory_space<hbm>> -> memref<1024xf32, #tpu.memory_space<hbm>>
        %dma_wait3A_99 = tpu.memref_slice %arg7[%add3A_85] : memref<4194304xf32, #tpu.memory_space<hbm>> -> memref<1024xf32, #tpu.memory_space<hbm>>
        %dma_wait3A_100 = arith.constant 1024 : i32
        %dma_wait3A_101 = tpu.memref_slice %arg16[%dma_wait3A_100] : memref<4096xf32, #tpu.memory_space<vmem>> -> memref<1024xf32, #tpu.memory_space<vmem>>
        tpu.wait_dma2 semaphore(%run_scoped3A : memref<!tpu.dma_semaphore, #tpu.memory_space<semaphore_mem>>) src(%dma_wait3A_101 : memref<1024xf32, #tpu.memory_space<vmem>>) dst(%dma_wait3A_99 : memref<1024xf32, #tpu.memory_space<hbm>>)
        tpu.yield
      }) : () -> ()
      %add3A_86 = arith.constant 2097152 : i32
      %add3A_87 = arith.addi %add3A_86, %mul3A_81 : i32
      "tpu.region"() ({
        %run_scoped3A = tpu.sem_alloc : memref<!tpu.dma_semaphore, #tpu.memory_space<semaphore_mem>>
        %dma_start3A_90 = arith.constant 2048 : i32
        %dma_start3A_91 = tpu.memref_slice %arg16[%dma_start3A_90] : memref<4096xf32, #tpu.memory_space<vmem>> -> memref<1024xf32, #tpu.memory_space<vmem>>
        %dma_start3A_92 = tpu.memref_slice %arg7[%add3A_87] : memref<4194304xf32, #tpu.memory_space<hbm>> -> memref<1024xf32, #tpu.memory_space<hbm>>
        %dma_start3A_93 = tpu.memref_slice %arg7[%add3A_87] : memref<4194304xf32, #tpu.memory_space<hbm>> -> memref<1024xf32, #tpu.memory_space<hbm>>
        %dma_start3A_94 = arith.constant 2048 : i32
        %dma_start3A_95 = tpu.memref_slice %arg16[%dma_start3A_94] : memref<4096xf32, #tpu.memory_space<vmem>> -> memref<1024xf32, #tpu.memory_space<vmem>>
        tpu.enqueue_dma source(%dma_start3A_95 : memref<1024xf32, #tpu.memory_space<vmem>>) target(%dma_start3A_93 : memref<1024xf32, #tpu.memory_space<hbm>>) target_semaphore(%run_scoped3A : memref<!tpu.dma_semaphore, #tpu.memory_space<semaphore_mem>>)
        %dma_wait3A_96 = arith.constant 2048 : i32
        %dma_wait3A_97 = tpu.memref_slice %arg16[%dma_wait3A_96] : memref<4096xf32, #tpu.memory_space<vmem>> -> memref<1024xf32, #tpu.memory_space<vmem>>
        %dma_wait3A_98 = tpu.memref_slice %arg7[%add3A_87] : memref<4194304xf32, #tpu.memory_space<hbm>> -> memref<1024xf32, #tpu.memory_space<hbm>>
        %dma_wait3A_99 = tpu.memref_slice %arg7[%add3A_87] : memref<4194304xf32, #tpu.memory_space<hbm>> -> memref<1024xf32, #tpu.memory_space<hbm>>
        %dma_wait3A_100 = arith.constant 2048 : i32
        %dma_wait3A_101 = tpu.memref_slice %arg16[%dma_wait3A_100] : memref<4096xf32, #tpu.memory_space<vmem>> -> memref<1024xf32, #tpu.memory_space<vmem>>
        tpu.wait_dma2 semaphore(%run_scoped3A : memref<!tpu.dma_semaphore, #tpu.memory_space<semaphore_mem>>) src(%dma_wait3A_101 : memref<1024xf32, #tpu.memory_space<vmem>>) dst(%dma_wait3A_99 : memref<1024xf32, #tpu.memory_space<hbm>>)
        tpu.yield
      }) : () -> ()
      %add3A_88 = arith.constant 3145728 : i32
      %add3A_89 = arith.addi %add3A_88, %mul3A_81 : i32
      "tpu.region"() ({
        %run_scoped3A = tpu.sem_alloc : memref<!tpu.dma_semaphore, #tpu.memory_space<semaphore_mem>>
        %dma_start3A_90 = arith.constant 3072 : i32
        %dma_start3A_91 = tpu.memref_slice %arg16[%dma_start3A_90] : memref<4096xf32, #tpu.memory_space<vmem>> -> memref<1024xf32, #tpu.memory_space<vmem>>
        %dma_start3A_92 = tpu.memref_slice %arg7[%add3A_89] : memref<4194304xf32, #tpu.memory_space<hbm>> -> memref<1024xf32, #tpu.memory_space<hbm>>
        %dma_start3A_93 = tpu.memref_slice %arg7[%add3A_89] : memref<4194304xf32, #tpu.memory_space<hbm>> -> memref<1024xf32, #tpu.memory_space<hbm>>
        %dma_start3A_94 = arith.constant 3072 : i32
        %dma_start3A_95 = tpu.memref_slice %arg16[%dma_start3A_94] : memref<4096xf32, #tpu.memory_space<vmem>> -> memref<1024xf32, #tpu.memory_space<vmem>>
        tpu.enqueue_dma source(%dma_start3A_95 : memref<1024xf32, #tpu.memory_space<vmem>>) target(%dma_start3A_93 : memref<1024xf32, #tpu.memory_space<hbm>>) target_semaphore(%run_scoped3A : memref<!tpu.dma_semaphore, #tpu.memory_space<semaphore_mem>>)
        %dma_wait3A_96 = arith.constant 3072 : i32
        %dma_wait3A_97 = tpu.memref_slice %arg16[%dma_wait3A_96] : memref<4096xf32, #tpu.memory_space<vmem>> -> memref<1024xf32, #tpu.memory_space<vmem>>
        %dma_wait3A_98 = tpu.memref_slice %arg7[%add3A_89] : memref<4194304xf32, #tpu.memory_space<hbm>> -> memref<1024xf32, #tpu.memory_space<hbm>>
        %dma_wait3A_99 = tpu.memref_slice %arg7[%add3A_89] : memref<4194304xf32, #tpu.memory_space<hbm>> -> memref<1024xf32, #tpu.memory_space<hbm>>
        %dma_wait3A_100 = arith.constant 3072 : i32
        %dma_wait3A_101 = tpu.memref_slice %arg16[%dma_wait3A_100] : memref<4096xf32, #tpu.memory_space<vmem>> -> memref<1024xf32, #tpu.memory_space<vmem>>
        tpu.wait_dma2 semaphore(%run_scoped3A : memref<!tpu.dma_semaphore, #tpu.memory_space<semaphore_mem>>) src(%dma_wait3A_101 : memref<1024xf32, #tpu.memory_space<vmem>>) dst(%dma_wait3A_99 : memref<1024xf32, #tpu.memory_space<hbm>>)
        tpu.yield
      }) : () -> ()
    }
    %scan3A_34 = arith.constant 32 : i32
    return
  }
}

</mosaic_0001>

<sc_bundles>
// kernel: _encode.3.cloned.1.call-start
scs
__scs_entry_jumppad:
0x0: {  	(pc) =	sbr.rel $0x88, $3  }
0x1: {  	(tag) =	ssettag $0x0;
	lr =	simm.s32 $0x1  }
0x2: {  	[smem:$0x3F9C] =	sst lr;
	_ =	strace $0xD0000000  }
0x3: {  	_ = 	snop  }
0x4: {  	_ = 	snop  }
0x5: {  	_ = 	snop  }
0x6: {  	_ = 	snop  }
0x7: {  	_ = 	snop  }
__scs_overlays_trampoline_lowered:
0x8: {  	[smem:$0x3FAB] =	sst s0  }
0x9: {  	[smem:$0x3FAC] =	sst s1  }
0xa: {  	[smem:$0x3FAD] =	sst s2  }
0xb: {  	[smem:$0x3FAE] =	sst s3  }
0xc: {  	[smem:$0x3FAF] =	sst s4  }
0xd: {  	[smem:$0x3FB0] =	sst s5  }
0xe: {  	[smem:$0x3FB1] =	sst s6  }
0xf: {  	[smem:$0x3FB2] =	sst s7  }
0x10: {  	[smem:$0x3FB3] =	sst s8  }
0x11: {  	[smem:$0x3FB4] =	sst s9;
	s0 =	simm.s32 @!p0 $0x0  }
0x12: {  	s1 =	sld [smem:$0x3F9A];
	s0 =	simm.s32 @p0 $0x1  }
0x13: {  	[smem:$0x3FB5] =	sst s0;
	s0 =	simm.s32 @!p1 $0x0  }
0x14: {  	s2 =	sld [smem:$0x3F99];
	s0 =	simm.s32 @p1 $0x1  }
0x15: {  	[smem:$0x3FB6] =	sst s0;
	s0 =	simm.s32 @!p2 $0x0  }
0x16: {  	s3 =	sld [smem:$0x3FDB];
	s0 =	simm.s32 @p2 $0x1  }
0x17: {  	s4 =	simm.s32 $0x1BF5;
	[smem:$0x3FB8] =	sst s0  }
0x18: {  	s0 =	sld [smem:$0x3F9B];
	_ =	swait.ge [sflag:s4], $0x0  }
0x19: {  	s7 =	sld [smem:$0x3F9C]  }
0x1a: {  	s8 =	sadd.s32 $0xFFFFE003, lr  }
0x1b: {  	s9 =	sadd.s32 $0xFFFFFEF7, lr;
	s5 =	simm.s32 $0xFFFFFFFF;
	p2 =	slt.u32 s8, $0xFFFFF086  }
0x1c: {  	p1 =	slt.u32 s9, $0xF7A;
	s5 =	simm.s32 @!p2 $0x0  }
0x1d: {  	s5 =	simm.s32 @p1 $0x1;
	p0 =	seq.s32 s7, s2  }
0x1e: {  	s7 =	smul.u32 @!p0 $0xF7A, s2;
	p2 =	seq.s32 @!p0 s5, $0x0  }
0x1f: {  	s9 =	smul.u32 $0xF7A, s1;
	s8 =	simm.s32 @!p0 $0x1BF5;
	p2 =	por !p2, p0  }
0x20: {  	[sflag:s8] =	ssyncset.s32 @!p0 $0xFFFFF086;
	s6 =	sadd.s32 @!p0 s3, s7;
	s7 =	simm.s32 @!p0 $0x108  }
0x21: {  	s3 =	sadd.s32 s3, s9;
	s6 =	sadd.s32 @!p0 $0x88, s6;
	s7 =	simm.s32 @p2 $0x1082  }
0x22: {  	[simem:s7], [sflag:s8] =	dma.local @!p0 [hbm:s6], $0xF7A  }
0x23: {  	s9 =	sor.u32 $0xD0000000, s2;
	s6 =	simm.s32 $0x108;
	_ =	swait.ge @!p0 [sflag:s8], $0x0  }
0x24: {  	s3 =	sadd.s32 $0x88, s3;
	s6 =	simm.s32 @!p1 $0x1082;
	[sflag:s4] =	ssyncset.s32 $0xFFFFF086  }
0x25: {  	[simem:s6], [sflag:s4] =	dma.local [hbm:s3], $0xF7A  }
0x26: {  	[smem:$0x3F9C] =	sst s1;
	(tag) =	ssettag s2;
	_ =	strace s9  }
0x27: {  	s1 =	sld [smem:$0x3FAC]  }
0x28: {  	s2 =	sld [smem:$0x3FAD]  }
0x29: {  	s4 =	sld [smem:$0x3FAF]  }
0x2a: {  	p0 =	seq.s32 s5, $0x0;
	s5 =	sld [smem:$0x3FB0]  }
0x2b: {  	s6 =	sld [smem:$0x3FB1]  }
0x2c: {  	s7 =	sld [smem:$0x3FB2]  }
0x2d: {  	s3 =	simm.s32 $0x108;
	s8 =	sld [smem:$0x3FB3]  }
0x2e: {  	s3 =	simm.s32 @!p0 $0x1082;
	s9 =	sld [smem:$0x3FB4]  }
0x2f: {  	lr =	sadd.s32 s0, s3;
	s0 =	sld [smem:$0x3FAB]  }
0x30: {  	s3 =	sld [smem:$0x3FAE]  }
0x31: {  	[smem:$0x3FB7] =	sst s10  }
0x32: {  	s10 =	sld [smem:$0x3FB5];
	_ =	sdelay $0x3  }
0x33: {  	p0 =	seq.s32 s10, $0x1;
	s10 =	sld [smem:$0x3FB7];
	_ =	sdelay $0x3  }
0x34: {  	[smem:$0x3FB7] =	sst s10  }
0x35: {  	s10 =	sld [smem:$0x3FB6];
	_ =	sdelay $0x3  }
0x36: {  	p1 =	seq.s32 s10, $0x1;
	s10 =	sld [smem:$0x3FB7];
	_ =	sdelay $0x3  }
0x37: {  	[smem:$0x3FB7] =	sst s10  }
0x38: {  	s10 =	sld [smem:$0x3FB8]  }
0x39: {  	_ = 	snop;
	(pc) =	sbr.ind lr, $3  }
0x3a: {  	_ = 	snop  }
0x3b: {  	_ = 	snop  }
0x3c: {  	p2 =	seq.s32 s10, $0x1;
	s10 =	sld [smem:$0x3FB7]  }
0x3d: {  	_ =	shalt  }
0x3e: {  	_ =	shalt  }
0x3f: {  	_ =	shalt  }
0x40: {  	_ =	shalt  }
0x41: {  	_ =	shalt  }
0x42: {  	_ =	shalt  }
0x43: {  	_ =	shalt  }
0x44: {  	_ =	shalt  }
0x45: {  	_ =	shalt  }
0x46: {  	_ =	shalt  }
0x47: {  	_ =	shalt  }
0x48: {  	_ =	shalt  }
0x49: {  	_ =	shalt  }
0x4a: {  	_ =	shalt  }
0x4b: {  	_ =	shalt  }
0x4c: {  	_ =	shalt  }
0x4d: {  	_ =	shalt  }
0x4e: {  	_ =	shalt  }
0x4f: {  	_ =	shalt  }
0x50: {  	_ =	shalt  }
0x51: {  	_ =	shalt  }
0x52: {  	_ =	shalt  }
0x53: {  	_ =	shalt  }
0x54: {  	_ =	shalt  }
0x55: {  	_ =	shalt  }
0x56: {  	_ =	shalt  }
0x57: {  	_ =	shalt  }
0x58: {  	_ =	shalt  }
0x59: {  	_ =	shalt  }
0x5a: {  	_ =	shalt  }
0x5b: {  	_ =	shalt  }
0x5c: {  	_ =	shalt  }
0x5d: {  	_ =	shalt  }
0x5e: {  	_ =	shalt  }
0x5f: {  	_ =	shalt  }
0x60: {  	_ =	shalt  }
0x61: {  	_ =	shalt  }
0x62: {  	_ =	shalt  }
0x63: {  	_ =	shalt  }
0x64: {  	_ =	shalt  }
0x65: {  	_ =	shalt  }
0x66: {  	_ =	shalt  }
0x67: {  	_ =	shalt  }
0x68: {  	_ =	shalt  }
0x69: {  	_ =	shalt  }
0x6a: {  	_ =	shalt  }
0x6b: {  	_ =	shalt  }
0x6c: {  	_ =	shalt  }
0x6d: {  	_ =	shalt  }
0x6e: {  	_ =	shalt  }
0x6f: {  	_ =	shalt  }
0x70: {  	_ =	shalt  }
0x71: {  	_ =	shalt  }
0x72: {  	_ =	shalt  }
0x73: {  	_ =	shalt  }
0x74: {  	_ =	shalt  }
0x75: {  	_ =	shalt  }
0x76: {  	_ =	shalt  }
0x77: {  	_ =	shalt  }
0x78: {  	_ =	shalt  }
0x79: {  	_ =	shalt  }
0x7a: {  	_ =	shalt  }
0x7b: {  	_ =	shalt  }
0x7c: {  	_ =	shalt  }
0x7d: {  	_ =	shalt  }
0x7e: {  	_ =	shalt  }
0x7f: {  	_ =	shalt  }
0x80: {  	_ =	shalt  }
0x81: {  	_ =	shalt  }
0x82: {  	_ =	shalt  }
0x83: {  	_ =	shalt  }
0x84: {  	_ =	shalt  }
0x85: {  	_ =	shalt  }
0x86: {  	_ =	shalt  }
0x87: {  	_ =	shalt  }
.Lfunc_end0:
.L_simem_size_0:
called_computation_lowered:
.L_overlay_start_0:
0x88: {  	s2 =	sld [smem:$0x3FD9]  }
0x89: {  	s3 =	sld [smem:$0x3FFE];
	_ =	sdelay $0x1  }
0x8a: {  	s1 =	srdreg.scid  }
0x8b: {  	s0 =	sand.u32 $0x1, s1  }
0x8c: {  	s18 =	sshll.u32 s0, $0xA;
	s2 =	sadd.s32 s3, s2  }
0x8d: {  	s2 =	sadd.s32 s2, s18  }
0x8e: {  	[smem:$0x3FC3] =	sst s2  }
0x8f: {  	_ = 	snop  }
0x90: {  	s2 =	sld [smem:$0x3FC9]  }
0x91: {  	s19 =	sld [smem:$0x3FC8]  }
0x92: {  	s4 =	sld [smem:$0x3FC7]  }
0x93: {  	s5 =	sld [smem:$0x3FC6]  }
0x94: {  	s6 =	sld [smem:$0x3FC5]  }
0x95: {  	s7 =	sld [smem:$0x3FD0];
	(tm) =	ssettm $0x1  }
0x96: {  	s8 =	sld [smem:$0x3FFB];
	_ =	sdelay $0x3  }
0x97: {  	_ =	strace s8  }
0x98: {  	s8 =	sld [smem:$0x3FFC];
	_ =	sdelay $0x3  }
0x99: {  	_ =	strace s8  }
0x9a: {  	s8 =	sld [smem:$0x3FFD];
	_ =	sdelay $0x3  }
0x9b: {  	_ =	strace s8  }
0x9c: {  	_ =	strace $0x8FFFFFFF  }
0x9d: {  	s20 =	sld [smem:$0x3FDB];
	_ =	sdelay $0x1  }
0x9e: {  	s9 =	simm.s32 $_scs_section_size  }
0x9f: {  	s10 =	simm.s32 $_size__tile_overlayer_lowered;
	s11 =	simm.s32 $_tile_overlayer_lowered  }
0xa0: {  	s23 =	simm.s32 $0x1BFF;
	s22 =	sshll.u32 s11, $0x1;
	s8 =	sadd.s32 s9, s20  }
0xa1: {  	s12 =	simm.s32 $0x0;
	s21 =	sshll.u32 s10, $0x1;
	s10 =	sadd.s32 s22, s8  }
0xa2: {  	[timem:s12], [sflag:s23] =	dma.local [hbm:s10], s21  }
0xa3: {  	_ =	swait.ge [sflag:s23], s21  }
0xa4: {  	s9 =	ssub.s32 $0x0, s21;
	[sflag:s23] =	ssyncset.done $0x0  }
0xa5: {  	[sflag:s23] =	ssyncadd.s32 s9;
	_ =	sdelay $0x1  }
0xa6: {  	s24 =	simm.s32 $0x1B8B  }
0xa7: {  	_ =	swait.ge [sflag:s24], $0x1  }
0xa8: {  	[sflag:s24] =	ssyncset.done $0x0  }
0xa9: {  	s25 =	simm.s32 $0x1B8E;
	[sflag:s24] =	ssyncadd.s32 $0xFFFFFFFF  }
0xaa: {  	s26 =	simm.s32 $execute0_lowered;
	[smem:$0x3FD2] =	sst s25  }
0xab: {  	s9 =	sshll.u32 s26, $0x1;
	_ =	strace $0x80000046;
	[dreg:$0x1] =	wrdreg $0xFFFFFFFF  }
0xac: {  	s28 =	simm.s32 $_size_execute0_lowered;
	s8 =	sadd.s32 s8, s9;
	[dreg:$0x0] =	wrdreg $0x0  }
0xad: {  	s9 =	sshll.u32 s28, $0x1;
	[dreg:$0x2] =	wrdreg s8  }
0xae: {  	[dreg:$0x3] =	wrdreg s9  }
0xaf: {  	[dreg:$0x4] =	wrdreg $0xC0  }
0xb0: {  	_ =	task [dreg:s12], $0x5FFFF  }
0xb1: {  	[dreg:$0x1] =	wrdreg $0xFFFFFFFF  }
0xb2: {  	[dreg:$0x0] =	wrdreg $0x60  }
0xb3: {  	[dreg:$0x2] =	wrdreg s2  }
0xb4: {  	[dreg:$0x3] =	wrdreg s19  }
0xb5: {  	[dreg:$0x4] =	wrdreg s4  }
0xb6: {  	[dreg:$0x5] =	wrdreg s5  }
0xb7: {  	[dreg:$0x6] =	wrdreg s6  }
0xb8: {  	[dreg:$0x7] =	wrdreg s7  }
0xb9: {  	[dreg:$0x8] =	wrdreg $0x9  }
0xba: {  	_ =	task.clear_ibuf [dreg:s12], $0x9FFFF;
	_ =	strace $0x90000046  }
0xbb: {  	s29 =	simm.s32 $0x9;
	_ =	strace $0x80000048  }
0xbc: {  	_ =	swait.ge [sflag:s29], $0x1  }
0xbd: {  	[sflag:s29] =	ssyncadd.s32 $0xFFFFFFFF  }
0xbe: {  	_ =	strace $0x90000048  }
0xbf: {  	_ =	sfence  }
0xc0: {  	s30 =	sld [smem:$0x0];
	_ =	sdelay $0x2  }
0xc1: {  	s31 =	sshll.u32 s1, $0xD;
	s1 =	sshrl.u32 s1, $0x2  }
0xc2: {  	s3 =	sand.u32 $0x4000, s31;
	s1 =	sadd.s32 s1, s30  }
0xc3: {  	s0 =	sor.u32 s3, s0;
	s1 =	sshll.u32 s1, $0x11  }
0xc4: {  	s0 =	sor.u32 s1, s0  }
0xc5: {  	s0 =	sadd.s32 $0x8F2B, s0  }
0xc6: {  	[sflag:s0] =	ssyncadd.remote.s32 $0x1  }
0xc7: {  	_ =	sfence.sel $0xFFFF  }
0xc8: {  	[dreg:$0x0] =	wrdreg $0xFFFFFFFF;
	(pc) =	sbr.abs _section_cstart, $3  }
0xc9: {  	[dreg:$0x1] =	wrdreg $0xFFFFFFFF  }
0xca: {  	_ =	task.clear_ibuf [dreg:s12], $0x2FFFF;
	_ =	strace $0x9FFFFFFF  }
0xcb: {  	(tm) =	ssettm $0x7FFFFFFF  }
tec
execute0_lowered:
.L_overlay_start_1:
0x0: {  	(tag) =	ssettag $0x1  }
0x1: {  	s0 =	rddreg [dreg:$0x0]  }
0x2: {  	s2 =	rddreg [dreg:$0x1]  }
0x3: {  	s3 =	rddreg [dreg:$0x2]  }
0x4: {  	s1 =	rddreg [dreg:$0x3]  }
0x5: {  	s12 =	rddreg [dreg:$0x5];
	s4 =	srdreg.scid  }
0x6: {  	s7 =	stileid.u32;
	s5 =	simm.s32 $0x0;
	s14 =	simm.s32 $0x3  }
0x7: {  	s18 =	simm.s32 $0x4000;
	s23 =	simm.s32 $0x1;
	s24 =	simm.s32 $0x2  }
0x8: {  	s28 =	simm.s32 $0x13880;
	s4 =	sand.u32 $0x1, s4;
	s7 =	sshll.u32 s7, $0x1  }
0x9: {  	s29 =	simm.s32 $0x13C80;
	s6 =	ssub.s32 $0x2, s4;
	s4 =	sor.u32 s4, s7  }
0xa: {  	[smem:$0x7FF] =	sst s5;
	s10 =	sadd.s32 $0x20000, s12;
	s7 =	sshll.u32 s4, $0x9  }
0xb: {  	s11 =	sadd.s32 $0x40000, s12;
	_ =	strace $0x80000047;
	s0 =	sadd.s32 s0, s7  }
0xc: {  	s8 =	sshrl.u32 s6, $0x1;
	s26 =	sadd.s32 s2, s7;
	[dreg:$0x7] =	wrdreg s0  }
0xd: {  	v0 =	vlaneseq.u32;
	s6 =	ssub.s32 s6, s8;
	s30 =	sadd.s32 s3, s7;
	[dreg:$0x8] =	wrdreg s26  }
0xe: {  	s12 =	sadd.s32 $0x60000, s12;
	v2 =	vand.u32 $0x1, v0;
	v1 =	vshrl.u32 v0, $0x1;
	[dreg:$0x9] =	wrdreg s30;
	s31 =	smax.u32 s6, $0x1  }
0xf: {  	vm0 =	vmmov $0xff;
	v2 =	vmul.u32 $0x80, v2;
	v3 =	vor.u32 $0x8, v1;
	s9 =	sshll.u32 s4, $0xC;
	s2 =	simm.s32 $0x0;
	[dreg:$0xa] =	wrdreg s31  }
.LBB2_1:
0x10: {  	[dreg:$0xb] =	wrdreg s2  }
0x11: {  	s0 =	rddreg [dreg:$0x7]  }
0x12: {  	[tilespmem:s5], [sflag:$0x3] =	stream.linear.gather [hbm4b:s0+s5], $0x1000, $0x38;
	[tilespmem:$0x14080] =	vst v63  }
0x13: {  	_ =	swait.ge [sflag:s14], $0x1000  }
0x14: {  	[sflag:s14] =	ssyncset.done $0x0  }
0x15: {  	s22 =	simm.s32 $0x1000;
	s21 =	rddreg [dreg:$0x8];
	[sflag:s14] =	ssyncadd.s32 $0xFFFFF000  }
0x16: {  	[tilespmem:s22], [sflag:$0x3] =	stream.linear.gather [hbm4b:s21+s5], $0x1000, $0x38;
	[tilespmem:$0x14080] =	vst v63  }
0x17: {  	_ =	swait.ge [sflag:s14], $0x1000  }
0x18: {  	[sflag:s14] =	ssyncset.done $0x0  }
0x19: {  	s26 =	simm.s32 $0x2000;
	s25 =	rddreg [dreg:$0x9];
	[sflag:s14] =	ssyncadd.s32 $0xFFFFF000  }
0x1a: {  	[tilespmem:s26], [sflag:$0x3] =	stream.linear.gather [hbm4b:s25+s5], $0x1000, $0x38;
	[tilespmem:$0x14080] =	vst v63  }
0x1b: {  	_ =	swait.ge [sflag:s14], $0x1000  }
0x1c: {  	[sflag:s14] =	ssyncset.done $0x0  }
0x1d: {  	[sflag:s14] =	ssyncadd.s32 $0xFFFFF000  }
0x1e: {  	s31 =	simm.s32 $0x3000;
	s30 =	rddreg [dreg:$0x4]  }
0x1f: {  	[tilespmem:s31], [sflag:$0x3] =	stream.linear.gather [hbm4b:s30+s5], $0x80, $0x38;
	[tilespmem:$0x14080] =	vst v63  }
0x20: {  	_ =	swait.ge [sflag:s14], $0x80  }
0x21: {  	[sflag:s14] =	ssyncset.done $0x0  }
0x22: {  	[sflag:s14] =	ssyncadd.s32 $0xFFFFFF80  }
0x23: {  	s2 =	simm.s32 $0x0;
	s0 =	simm.s32 $0x3100;
	v4 =	vld [tilespmem:$0x3000]  }
.LBB2_2:
0x24: {  	s3 =	simm.s32 $0x0  }
0x25: {  	v5 =	vld [tilespmem:s3+$0x2000]  }
0x26: {  	v7 =	vld [tilespmem:s3+$0x1000]  }
0x27: {  	v8 =	vld [tilespmem:s3+$0x0]  }
0x28: {  	v6 =	vmov s2  }
0x29: {  	v6 =	vperm.xlane v4, v6;
	_ =	sdelay $0x1  }
0x2a: {  	v7 =	vmul.f32 v7, v6;
	v5 =	vmul.f32 v5, v6  }
0x2b: {  	v8 =	vmul.f32 v8, v6  }
0x2c: {  	v7 =	vtrunc.f32 v7;
	v5 =	vtrunc.f32 v5  }
0x2d: {  	v7 =	vcvt.f32.s32 v7;
	v5 =	vcvt.f32.s32 v5  }
0x2e: {  	v8 =	vtrunc.f32 v8  }
0x2f: {  	s31 =	sshll.u32 s2, $0x14;
	v8 =	vcvt.f32.s32 v8;
	v10 =	vmul.u32 $0x9E3779B1, v7;
	v9 =	vmul.u32 $0x30025795, v5  }
0x30: {  	v5 =	vor.u32 s31, v2  }
0x31: {  	v11 =	vadd.s32 $0x1, v8;
	v13 =	vadd.s32 $0x9E3779B1, v10;
	v7 =	vadd.s32 $0x30025795, v9  }
0x32: {  	v14 =	vxor.u32 v11, v10;
	v15 =	vxor.u32 v8, v10;
	v12 =	vxor.u32 v11, v13  }
0x33: {  	v16 =	vxor.u32 v9, v14;
	v17 =	vxor.u32 v9, v15;
	v10 =	vxor.u32 v7, v12  }
0x34: {  	v11 =	vxor.u32 v8, v13;
	v13 =	vxor.u32 v14, v7;
	v8 =	vand.u32 $0x7FFFF, v10  }
0x35: {  	v19 =	vxor.u32 v15, v7;
	v21 =	vand.u32 $0x7FFFF, v16;
	v18 =	vperm.xlane v8, v1  }
0x36: {  	v20 =	vxor.u32 v9, v11;
	v10 =	vand.u32 $0x7FFFF, v17;
	v16 =	vperm.xlane v21, v1  }
0x37: {  	s4 =	simm.s32 $0x40;
	s6 =	smov.u32 s0;
	s3 =	smov.u32 s0;
	v17 =	vperm.xlane v21, v3;
	v14 =	vperm.xlane v10, v3;
	v15 =	vand.u32 $0xFFFFFF80, v18  }
.LBB2_3:
0x38: {  	p0 =	sne.s32 s4, $0xC0  }
0x39: {  	v20 =	vand.u32 $0x7FFFF, v20;
	v18 =	vadd.s32 v5, v18;
	v21 =	vand.u32 $0xFFFFFF80, v14;
	s6 =	sadd.s32 $0x1000, s6;
	s7 =	smov.u32 s4;
	s4 =	sadd.s32 $0x40, s4  }
0x3a: {  	v19 =	vand.u32 $0x7FFFF, v19;
	v22 =	vand.u32 $0xFFFFFF80, v16;
	v23 =	vadd.s32 v5, v17  }
0x3b: {  	v9 =	vxor.u32 v9, v12;
	v12 =	vadd.s32 v5, v16;
	v16 =	vand.u32 $0xFFFFFF80, v17  }
0x3c: {  	v9 =	vand.u32 $0x7FFFF, v9;
	v12 =	vadd.s32 v22, v12;
	v16 =	vadd.s32 v16, v23  }
0x3d: {  	v13 =	vand.u32 $0x7FFFF, v13;
	v14 =	vadd.s32 v5, v14;
	v15 =	vadd.s32 v15, v18;
	[tilespmem:s3+$0x30] =	vst v16  }
0x3e: {  	v7 =	vxor.u32 v7, v11;
	v11 =	vperm.xlane v13, v1;
	[tilespmem:s3+$0x20] =	vst v12;
	v12 =	vperm.xlane v20, v3  }
0x3f: {  	v8 =	vperm.xlane v8, v3;
	v10 =	vperm.xlane v10, v1;
	v7 =	vand.u32 $0x7FFFF, v7;
	[tilespmem:s3+$0xFFFFFF80] =	vst v15  }
0x40: {  	v13 =	vperm.xlane v13, v3;
	v15 =	vperm.xlane v20, v1;
	v16 =	vadd.s32 v5, v12  }
0x41: {  	v17 =	vperm.xlane v19, v1;
	v18 =	vperm.xlane v7, v1;
	v12 =	vand.u32 $0xFFFFFF80, v12  }
0x42: {  	v20 =	vadd.s32 v5, v13;
	v22 =	vadd.s32 v5, v15;
	v12 =	vadd.s32 v12, v16  }
0x43: {  	v16 =	vperm.xlane v19, v3;
	v19 =	vperm.xlane v9, v3;
	v15 =	vand.u32 $0xFFFFFF80, v15;
	[tilespmem:s3+$0x70] =	vst v12  }
0x44: {  	v23 =	vand.u32 $0xFFFFFF80, v11;
	v15 =	vadd.s32 v15, v22;
	v12 =	vadd.s32 v5, v8  }
0x45: {  	v14 =	vadd.s32 v21, v14;
	v22 =	vand.u32 $0xFFFFFF80, v18;
	v18 =	vadd.s32 v5, v18  }
0x46: {  	v8 =	vand.u32 $0xFFFFFF80, v8;
	v21 =	vand.u32 $0xFFFFFF80, v16;
	v18 =	vadd.s32 v22, v18;
	[tilespmem:s3+$0x50] =	vst v14  }
0x47: {  	v7 =	vperm.xlane v7, v3;
	v9 =	vperm.xlane v9, v1;
	v14 =	vadd.s32 v5, v16;
	[tilespmem:s3+$0xFFFFFFE0] =	vst v18  }
0x48: {  	v13 =	vand.u32 $0xFFFFFF80, v13;
	v16 =	vand.u32 $0xFFFFFF80, v19;
	v18 =	vadd.s32 v5, v19;
	[tilespmem:s3+$0x60] =	vst v15  }
0x49: {  	v19 =	vadd.s32 v5, v9;
	v15 =	vand.u32 $0xFFFFFF80, v7;
	v7 =	vadd.s32 v5, v7  }
0x4a: {  	v13 =	vadd.s32 v13, v20;
	v7 =	vadd.s32 v15, v7;
	v15 =	vadd.s32 v16, v18  }
0x4b: {  	v11 =	vadd.s32 v5, v11;
	v9 =	vand.u32 $0xFFFFFF80, v9;
	[tilespmem:s3+$0xFFFFFFB0] =	vst v13;
	v13 =	vand.u32 $0xFFFFFF80, v10  }
0x4c: {  	v11 =	vadd.s32 v23, v11;
	v9 =	vadd.s32 v9, v19;
	v10 =	vadd.s32 v5, v10;
	[tilespmem:s3+$0x10] =	vst v15  }
0x4d: {  	v8 =	vadd.s32 v8, v12;
	v12 =	vadd.s32 v21, v14;
	[tilespmem:s3+$0x0] =	vst v9;
	v9 =	vadd.s32 v13, v10  }
0x4e: {  	v10 =	vand.u32 $0xFFFFFF80, v17;
	v13 =	vadd.s32 v5, v17;
	[tilespmem:s3+$0xFFFFFFD0] =	vst v12  }
0x4f: {  	[tilespmem:s3+$0xFFFFFF90] =	vst v8;
	v8 =	vadd.s32 v10, v13  }
0x50: {  	[tilespmem:s3+$0xFFFFFFC0] =	vst v8  }
0x51: {  	[tilespmem:s3+$0x40] =	vst v9  }
0x52: {  	[tilespmem:s3+$0xFFFFFFA0] =	vst v11  }
0x53: {  	s7 =	sshra.s32 s7, $0x2;
	[tilespmem:s3+$0xFFFFFFF0] =	vst v7;
	s3 =	smov.u32 s6  }
0x54: {  	v7 =	vld [tilespmem:s7+$0x2000]  }
0x55: {  	v8 =	vld [tilespmem:s7+$0x1000]  }
0x56: {  	v9 =	vld [tilespmem:s7+$0x0];
	_ =	sdelay $0x3  }
0x57: {  	v7 =	vmul.f32 v7, v6;
	v8 =	vmul.f32 v8, v6  }
0x58: {  	v9 =	vmul.f32 v9, v6  }
0x59: {  	v7 =	vtrunc.f32 v7;
	v8 =	vtrunc.f32 v8  }
0x5a: {  	v7 =	vcvt.f32.s32 v7;
	v8 =	vcvt.f32.s32 v8  }
0x5b: {  	v9 =	vtrunc.f32 v9  }
0x5c: {  	v10 =	vcvt.f32.s32 v9;
	v9 =	vmul.u32 $0x30025795, v7;
	v8 =	vmul.u32 $0x9E3779B1, v8;
	_ =	sdelay $0x1  }
0x5d: {  	v11 =	vadd.s32 $0x1, v10;
	v7 =	vadd.s32 $0x30025795, v9;
	v13 =	vadd.s32 $0x9E3779B1, v8  }
0x5e: {  	v14 =	vxor.u32 v11, v8;
	v15 =	vxor.u32 v10, v8;
	v12 =	vxor.u32 v11, v13  }
.Ltmp0:
0x5f: {  	v16 =	vxor.u32 v9, v14;
	v17 =	vxor.u32 v9, v15;
	v8 =	vxor.u32 v7, v12;
	(pc) =	sbr.rel @p0 .LBB2_3-.Ltmp0, $4  }
0x60: {  	v11 =	vxor.u32 v10, v13;
	v21 =	vand.u32 $0x7FFFF, v16;
	v8 =	vand.u32 $0x7FFFF, v8  }
0x61: {  	v13 =	vxor.u32 v14, v7;
	v10 =	vand.u32 $0x7FFFF, v17;
	v18 =	vperm.xlane v8, v1  }
0x62: {  	v20 =	vxor.u32 v9, v11;
	v16 =	vperm.xlane v21, v1;
	v14 =	vperm.xlane v10, v3  }
0x63: {  	v19 =	vxor.u32 v15, v7;
	v17 =	vperm.xlane v21, v3;
	v15 =	vand.u32 $0xFFFFFF80, v18  }
0x64: {  	v6 =	vand.u32 $0x7FFFF, v20;
	v18 =	vadd.s32 v5, v18  }
0x65: {  	v37 =	vand.u32 $0xFFFFFF80, v14;
	v19 =	vand.u32 $0x7FFFF, v19;
	v21 =	vand.u32 $0xFFFFFF80, v16  }
0x66: {  	v9 =	vxor.u32 v9, v12;
	v38 =	vadd.s32 v5, v16;
	v13 =	vand.u32 $0x7FFFF, v13  }
0x67: {  	v40 =	vadd.s32 v5, v14;
	v7 =	vxor.u32 v7, v11;
	v8 =	vperm.xlane v8, v3  }
0x68: {  	v10 =	vperm.xlane v10, v1;
	v22 =	vadd.s32 v5, v17;
	v39 =	vand.u32 $0xFFFFFF80, v17  }
0x69: {  	v9 =	vand.u32 $0x7FFFF, v9;
	v12 =	vadd.s32 v21, v38;
	v41 =	vperm.xlane v13, v1  }
0x6a: {  	v15 =	vadd.s32 v15, v18;
	v42 =	vperm.xlane v6, v3;
	v43 =	vperm.xlane v13, v3  }
0x6b: {  	v7 =	vand.u32 $0x7FFFF, v7;
	v6 =	vperm.xlane v6, v1;
	v45 =	vperm.xlane v19, v1  }
0x6c: {  	v50 =	vperm.xlane v19, v3;
	v14 =	vadd.s32 v37, v40;
	v16 =	vadd.s32 v39, v22;
	[tilespmem:s3+$0x20] =	vst v12  }
0x6d: {  	v46 =	vperm.xlane v7, v1;
	[tilespmem:s3+$0xFFFFFF80] =	vst v15;
	v51 =	vperm.xlane v9, v3;
	v54 =	vadd.s32 v5, v8  }
0x6e: {  	[tilespmem:s3+$0x50] =	vst v14;
	v9 =	vperm.xlane v9, v1;
	v44 =	vadd.s32 v5, v42;
	v47 =	vand.u32 $0xFFFFFF80, v42  }
0x6f: {  	[tilespmem:s3+$0x30] =	vst v16;
	v49 =	vadd.s32 v5, v6;
	v6 =	vand.u32 $0xFFFFFF80, v6;
	v12 =	vadd.s32 v47, v44  }
0x70: {  	v52 =	vand.u32 $0xFFFFFF80, v46;
	v53 =	vadd.s32 v5, v46;
	v6 =	vadd.s32 v6, v49;
	[tilespmem:s3+$0x70] =	vst v12  }
0x71: {  	v48 =	vadd.s32 v5, v43;
	v11 =	vand.u32 $0xFFFFFF80, v43;
	v12 =	vadd.s32 v52, v53;
	[tilespmem:s3+$0x60] =	vst v6  }
0x72: {  	v55 =	vand.u32 $0xFFFFFF80, v51;
	v56 =	vadd.s32 v5, v51;
	v6 =	vadd.s32 v11, v48;
	[tilespmem:s3+$0xFFFFFFE0] =	vst v12  }
0x73: {  	v58 =	vand.u32 $0xFFFFFF80, v50;
	v13 =	vadd.s32 v5, v50;
	v12 =	vadd.s32 v55, v56;
	[tilespmem:s3+$0xFFFFFFB0] =	vst v6  }
0x74: {  	v57 =	vadd.s32 v5, v9;
	v6 =	vand.u32 $0xFFFFFF80, v9;
	v9 =	vadd.s32 v58, v13;
	[tilespmem:s3+$0x10] =	vst v12  }
0x75: {  	s2 =	sadd.s32 $0x1, s2;
	v61 =	vand.u32 $0xFFFFFF80, v10;
	v10 =	vadd.s32 v5, v10;
	v6 =	vadd.s32 v6, v57;
	[tilespmem:s3+$0xFFFFFFD0] =	vst v9  }
0x76: {  	p0 =	sne.s32 s2, $0x10;
	v8 =	vand.u32 $0xFFFFFF80, v8;
	v7 =	vperm.xlane v7, v3;
	v9 =	vadd.s32 v61, v10;
	[tilespmem:s3+$0x0] =	vst v6  }
.Ltmp1:
0x77: {  	v59 =	vand.u32 $0xFFFFFF80, v45;
	v60 =	vadd.s32 v5, v45;
	v6 =	vadd.s32 v8, v54;
	[tilespmem:s3+$0x40] =	vst v9;
	(pc) =	sbr.rel @p0 .LBB2_2-.Ltmp1, $4  }
0x78: {  	v62 =	vand.u32 $0xFFFFFF80, v41;
	v63 =	vadd.s32 v5, v41;
	[tilespmem:s3+$0xFFFFFF90] =	vst v6;
	v6 =	vadd.s32 v59, v60  }
0x79: {  	v5 =	vadd.s32 v5, v7;
	[tilespmem:s3+$0xFFFFFFC0] =	vst v6;
	v6 =	vand.u32 $0xFFFFFF80, v7;
	v7 =	vadd.s32 v62, v63  }
0x7a: {  	v5 =	vadd.s32 v6, v5;
	[tilespmem:s3+$0xFFFFFFA0] =	vst v7  }
0x7b: {  	s0 =	sadd.s32 $0x100, s0;
	[tilespmem:s3+$0xFFFFFFF0] =	vst v5  }
0x7c: {  	s0 =	simm.s32 $0x3080;
	s2 =	simm.s32 $0xB080;
	s31 =	simm.s32 $0x0  }
0x7d: {  	s3 =	simm.s32 $0x2040;
	s15 =	simm.s32 $0x2000;
	s16 =	simm.s32 $0x1000  }
0x7e: {  	s17 =	simm.s32 $0x80;
	s6 =	simm.s32 $0x1080;
	s7 =	simm.s32 $0x2080  }
0x7f: {  	[tilespmem:s2], [sflag:$0x1] =	stream.indirect.gather [hbm4b:s1+s18], $0x1, s0, s18, $0xb8;
	[tilespmem:$0x14080] =	vst v63  }
0x80: {  	s8 =	simm.s32 $0x0;
	s0 =	simm.s32 $0x40;
	s2 =	simm.s32 $0x1040  }
.LBB2_6:
0x81: {  	s13 =	sshll.u32 s8, $0x7;
	s19 =	simm.s32 $0x7100;
	v5 =	vmov s0;
	v6 =	vmov s2;
	v7 =	vmov s3;
	s30 =	simm.s32 $0x0  }
.LBB2_7:
0x82: {  	_ =	sdelay $0x2  }
0x83: {  	s4 =	simm.s32 $0x0  }
0x84: {  	v8 =	vld.idx.msk [tilespmem:v6+s4+$0x0 ss:$0x1], $0xffff  }
0x85: {  	v10 =	vld.idx.msk [tilespmem:v7+s4+$0x0 ss:$0x1], $0xffff  }
0x86: {  	v9 =	vmov s30;
	v11 =	vld.idx.msk [tilespmem:v5+s4+$0x0 ss:$0x1], $0xffff  }
0x87: {  	v9 =	vperm.xlane v4, v9;
	_ =	sdelay $0x1  }
0x88: {  	v8 =	vmul.f32 v8, v9  }
0x89: {  	v10 =	vmul.f32 v10, v9  }
0x8a: {  	v11 =	vmul.f32 v11, v9;
	v8 =	vtrunc.f32 v8  }
0x8b: {  	v10 =	vtrunc.f32 v10;
	v8 =	vcvt.f32.s32 v8  }
0x8c: {  	v11 =	vtrunc.f32 v11;
	v10 =	vcvt.f32.s32 v10  }
0x8d: {  	s26 =	sshll.u32 s30, $0x14;
	v11 =	vcvt.f32.s32 v11;
	v12 =	vmul.u32 $0x9E3779B1, v8  }
0x8e: {  	v8 =	vor.u32 s26, v2;
	v13 =	vmul.u32 $0x30025795, v10  }
0x8f: {  	v10 =	vadd.s32 $0x1, v11;
	v14 =	vadd.s32 $0x9E3779B1, v12;
	v15 =	vxor.u32 v11, v12  }
0x90: {  	v16 =	vxor.u32 v10, v14;
	v10 =	vxor.u32 v10, v12;
	v11 =	vxor.u32 v11, v14  }
0x91: {  	v12 =	vadd.s32 $0x30025795, v13;
	v14 =	vxor.u32 v13, v16;
	v17 =	vxor.u32 v13, v10  }
0x92: {  	v16 =	vxor.u32 v12, v16;
	v18 =	vxor.u32 v15, v12;
	v19 =	vxor.u32 v13, v11  }
0x93: {  	v10 =	vxor.u32 v10, v12;
	v12 =	vxor.u32 v12, v11;
	v13 =	vxor.u32 v13, v15  }
0x94: {  	v18 =	vand.u32 $0x7FFFF, v18;
	v14 =	vand.u32 $0x7FFFF, v14;
	v19 =	vand.u32 $0x7FFFF, v19  }
0x95: {  	v10 =	vand.u32 $0x7FFFF, v10;
	v20 =	vperm.xlane v14, v3;
	v21 =	vperm.xlane v19, v1  }
0x96: {  	v17 =	vand.u32 $0x7FFFF, v17;
	v22 =	vperm.xlane v18, v1;
	v14 =	vperm.xlane v14, v1  }
0x97: {  	v11 =	vand.u32 $0x7FFFF, v16;
	v23 =	vperm.xlane v10, v1;
	v57 =	vperm.xlane v10, v3  }
0x98: {  	v19 =	vperm.xlane v19, v3;
	v24 =	vand.u32 $0xFFFFFF80, v21;
	v21 =	vadd.s32 v8, v21  }
0x99: {  	v25 =	vadd.s32 v8, v14;
	v10 =	vand.u32 $0xFFFFFF80, v14;
	v14 =	vperm.xlane v17, v1  }
0x9a: {  	v17 =	vperm.xlane v17, v3;
	v26 =	vand.u32 $0xFFFFFF80, v23;
	v23 =	vadd.s32 v8, v23  }
0x9b: {  	v16 =	vand.u32 $0xFFFFFF80, v22;
	v22 =	vadd.s32 v8, v22;
	v61 =	vand.u32 $0xFFFFFF80, v19  }
0x9c: {  	v19 =	vadd.s32 v8, v19;
	v21 =	vadd.s32 v24, v21;
	v25 =	vadd.s32 v10, v25  }
0x9d: {  	v10 =	vand.u32 $0xFFFFFF80, v20;
	v20 =	vadd.s32 v8, v20;
	v23 =	vadd.s32 v26, v23  }
0x9e: {  	v19 =	vadd.s32 v61, v19;
	v63 =	vadd.s32 v16, v22;
	v20 =	vadd.s32 v10, v20  }
0x9f: {  	v10 =	vadd.s32 v8, v14;
	v14 =	vand.u32 $0xFFFFFF80, v14;
	[tilespmem:s19+$0x60] =	vst v21;
	v59 =	vadd.s32 v8, v17  }
0xa0: {  	[tilespmem:s19+$0x0] =	vst v25;
	v17 =	vand.u32 $0xFFFFFF80, v17;
	v14 =	vadd.s32 v14, v10;
	v10 =	vand.u32 $0x7FFFF, v12  }
0xa1: {  	[tilespmem:s19+$0x70] =	vst v19;
	v19 =	vadd.s32 v8, v57;
	v17 =	vadd.s32 v17, v59;
	v58 =	vperm.xlane v10, v3  }
0xa2: {  	v12 =	vperm.xlane v18, v3;
	v18 =	vperm.xlane v10, v1;
	[tilespmem:s19+$0x30] =	vst v17;
	v17 =	vand.u32 $0xFFFFFF80, v57  }
0xa3: {  	[tilespmem:s19+$0xFFFFFFA0] =	vst v23;
	v10 =	vperm.xlane v11, v1;
	v17 =	vadd.s32 v17, v19;
	v60 =	vand.u32 $0xFFFFFF80, v58  }
0xa4: {  	[tilespmem:s19+$0x10] =	vst v20;
	v20 =	vadd.s32 v8, v58;
	v62 =	vadd.s32 v8, v18;
	v15 =	vand.u32 $0xFFFFFF80, v18  }
0xa5: {  	s21 =	sadd.s32 $0x1000, s19;
	s22 =	simm.s32 $0x80;
	[tilespmem:s19+$0xFFFFFFC0] =	vst v63;
	v18 =	vand.u32 $0x7FFFF, v13;
	v13 =	vand.u32 $0xFFFFFF80, v10;
	v16 =	vadd.s32 v15, v62  }
0xa6: {  	s25 =	simm.s32 $0x10;
	s4 =	smov.u32 s19;
	s20 =	smov.u32 s21;
	[tilespmem:s19+$0x20] =	vst v14;
	v15 =	vadd.s32 v60, v20;
	v14 =	vperm.xlane v18, v3;
	v18 =	vperm.xlane v18, v1  }
.LBB2_8:
0xa7: {  	p0 =	sne.s32 s22, $0xC0  }
0xa8: {  	s21 =	sadd.s32 $0x1000, s21;
	v11 =	vperm.xlane v11, v3;
	v19 =	vand.u32 $0xFFFFFF80, v12;
	v12 =	vadd.s32 v8, v12;
	[tilespmem:s4+$0xFFFFFFE0] =	vst v16;
	s26 =	smov.u32 s22;
	s22 =	sadd.s32 $0x40, s22  }
0xa9: {  	v12 =	vadd.s32 v19, v12;
	[tilespmem:s4+$0xFFFFFFF0] =	vst v15  }
0xaa: {  	v16 =	vadd.s32 v8, v18;
	v15 =	vand.u32 $0xFFFFFF80, v11;
	[tilespmem:s4+$0xFFFFFFD0] =	vst v12;
	v12 =	vand.u32 $0xFFFFFF80, v18  }
0xab: {  	[tilespmem:s4+$0xFFFFFFB0] =	vst v17;
	v12 =	vadd.s32 v12, v16;
	v16 =	vand.u32 $0xFFFFFF80, v14;
	v14 =	vadd.s32 v8, v14  }
0xac: {  	v11 =	vadd.s32 v8, v11;
	[tilespmem:s4+$0x40] =	vst v12;
	v12 =	vadd.s32 v16, v14  }
0xad: {  	v10 =	vadd.s32 v8, v10;
	v11 =	vadd.s32 v15, v11;
	[tilespmem:s4+$0x50] =	vst v12  }
0xae: {  	v10 =	vadd.s32 v13, v10;
	[tilespmem:s4+$0xFFFFFF90] =	vst v11  }
0xaf: {  	[tilespmem:s4+$0xFFFFFF80] =	vst v10;
	s4 =	smov.u32 s20;
	s20 =	smov.u32 s21  }
0xb0: {  	v10 =	vld.idx.msk [tilespmem:v6+s25+$0x0 ss:$0x1], $0xffff  }
0xb1: {  	v11 =	vld.idx.msk [tilespmem:v7+s25+$0x0 ss:$0x1], $0xffff  }
0xb2: {  	v12 =	vld.idx.msk [tilespmem:v5+s25+$0x0 ss:$0x1], $0xffff;
	_ =	sdelay $0x3  }
0xb3: {  	v10 =	vmul.f32 v10, v9  }
0xb4: {  	v11 =	vmul.f32 v11, v9  }
0xb5: {  	v12 =	vmul.f32 v12, v9;
	v10 =	vtrunc.f32 v10  }
0xb6: {  	v10 =	vcvt.f32.s32 v10;
	v11 =	vtrunc.f32 v11  }
0xb7: {  	v12 =	vtrunc.f32 v12;
	v11 =	vcvt.f32.s32 v11  }
0xb8: {  	v12 =	vcvt.f32.s32 v12;
	v10 =	vmul.u32 $0x9E3779B1, v10  }
0xb9: {  	v13 =	vmul.u32 $0x30025795, v11  }
0xba: {  	v11 =	vadd.s32 $0x1, v12;
	v14 =	vadd.s32 $0x9E3779B1, v10;
	v15 =	vxor.u32 v12, v10  }
0xbb: {  	v16 =	vxor.u32 v11, v14;
	v10 =	vxor.u32 v11, v10;
	v11 =	vxor.u32 v12, v14  }
0xbc: {  	s25 =	sshra.s32 s26, $0x2;
	v12 =	vadd.s32 $0x30025795, v13;
	v14 =	vxor.u32 v13, v16;
	v17 =	vxor.u32 v13, v10  }
0xbd: {  	v16 =	vxor.u32 v12, v16;
	v18 =	vxor.u32 v15, v12;
	v19 =	vxor.u32 v13, v11  }
0xbe: {  	v18 =	vand.u32 $0x7FFFF, v18;
	v14 =	vand.u32 $0x7FFFF, v14;
	v19 =	vand.u32 $0x7FFFF, v19  }
0xbf: {  	v10 =	vxor.u32 v10, v12;
	v20 =	vperm.xlane v14, v3;
	v21 =	vperm.xlane v19, v1  }
0xc0: {  	v10 =	vand.u32 $0x7FFFF, v10;
	v22 =	vperm.xlane v18, v1;
	v14 =	vperm.xlane v14, v1  }
0xc1: {  	v23 =	vperm.xlane v10, v1;
	v24 =	vand.u32 $0xFFFFFF80, v21;
	v21 =	vadd.s32 v8, v21  }
0xc2: {  	v17 =	vand.u32 $0x7FFFF, v17;
	v25 =	vadd.s32 v8, v14;
	v21 =	vadd.s32 v24, v21  }
0xc3: {  	v24 =	vperm.xlane v10, v3;
	v10 =	vand.u32 $0xFFFFFF80, v14;
	v14 =	vperm.xlane v17, v1;
	[tilespmem:s4+$0x60] =	vst v21  }
0xc4: {  	v10 =	vadd.s32 v10, v25;
	v21 =	vand.u32 $0xFFFFFF80, v20;
	v20 =	vadd.s32 v8, v20  }
0xc5: {  	v17 =	vperm.xlane v17, v3;
	[tilespmem:s4+$0x0] =	vst v10;
	v10 =	vadd.s32 v21, v20;
	v20 =	vadd.s32 v8, v14  }
0xc6: {  	v21 =	vand.u32 $0xFFFFFF80, v23;
	v23 =	vadd.s32 v8, v23;
	[tilespmem:s4+$0x10] =	vst v10;
	v10 =	vand.u32 $0xFFFFFF80, v14  }
0xc7: {  	v12 =	vxor.u32 v12, v11;
	v14 =	vadd.s32 v21, v23;
	v20 =	vadd.s32 v10, v20  }
0xc8: {  	v11 =	vand.u32 $0x7FFFF, v16;
	v10 =	vand.u32 $0x7FFFF, v12;
	v12 =	vperm.xlane v18, v3;
	[tilespmem:s4+$0xFFFFFFA0] =	vst v14  }
0xc9: {  	v14 =	vand.u32 $0xFFFFFF80, v22;
	v16 =	vperm.xlane v10, v1;
	v18 =	vperm.xlane v10, v3  }
0xca: {  	v19 =	vperm.xlane v19, v3;
	v21 =	vadd.s32 v8, v17;
	v10 =	vperm.xlane v11, v1  }
0xcb: {  	v17 =	vand.u32 $0xFFFFFF80, v17;
	v22 =	vadd.s32 v8, v22;
	v23 =	vand.u32 $0xFFFFFF80, v18  }
0xcc: {  	v25 =	vand.u32 $0xFFFFFF80, v19;
	v19 =	vadd.s32 v8, v19;
	v18 =	vadd.s32 v8, v18  }
.Ltmp2:
0xcd: {  	v19 =	vadd.s32 v25, v19;
	v17 =	vadd.s32 v17, v21;
	v26 =	vadd.s32 v8, v16;
	(pc) =	sbr.rel @p0 .LBB2_8-.Ltmp2, $4  }
0xce: {  	v13 =	vxor.u32 v13, v15;
	v21 =	vadd.s32 v14, v22;
	v14 =	vand.u32 $0xFFFFFF80, v16;
	[tilespmem:s4+$0x70] =	vst v19  }
0xcf: {  	v16 =	vadd.s32 v14, v26;
	v15 =	vadd.s32 v23, v18;
	v19 =	vand.u32 $0x7FFFF, v13;
	[tilespmem:s4+$0x30] =	vst v17  }
0xd0: {  	v18 =	vadd.s32 v8, v24;
	v17 =	vand.u32 $0xFFFFFF80, v24;
	v14 =	vperm.xlane v19, v3;
	[tilespmem:s4+$0x20] =	vst v20  }
0xd1: {  	v13 =	vand.u32 $0xFFFFFF80, v10;
	v17 =	vadd.s32 v17, v18;
	v18 =	vperm.xlane v19, v1;
	[tilespmem:s4+$0xFFFFFFC0] =	vst v21  }
0xd2: {  	[tilespmem:s4+$0xFFFFFFE0] =	vst v16  }
0xd3: {  	v19 =	vand.u32 $0xFFFFFF80, v12;
	v20 =	vadd.s32 v8, v12;
	[tilespmem:s4+$0xFFFFFFF0] =	vst v15  }
0xd4: {  	[tilespmem:s4+$0xFFFFFFB0] =	vst v17;
	v23 =	vand.u32 $0xFFFFFF80, v14;
	v24 =	vadd.s32 v8, v14;
	v12 =	vadd.s32 v19, v20  }
0xd5: {  	v11 =	vperm.xlane v11, v3;
	v10 =	vadd.s32 v8, v10;
	v26 =	vadd.s32 v23, v24;
	[tilespmem:s4+$0xFFFFFFD0] =	vst v12  }
0xd6: {  	v21 =	vand.u32 $0xFFFFFF80, v18;
	v22 =	vadd.s32 v8, v18;
	v10 =	vadd.s32 v13, v10;
	[tilespmem:s4+$0x50] =	vst v26  }
0xd7: {  	v12 =	vadd.s32 v21, v22;
	v25 =	vand.u32 $0xFFFFFF80, v11;
	v11 =	vadd.s32 v8, v11;
	[tilespmem:s4+$0xFFFFFF80] =	vst v10  }
0xd8: {  	[tilespmem:s4+$0x40] =	vst v12;
	v11 =	vadd.s32 v25, v11  }
0xd9: {  	[tilespmem:s4+$0xFFFFFF90] =	vst v11  }
0xda: {  	v10 =	vld.idx.msk [tilespmem:v6+s25+$0x0 ss:$0x1], $0xffff  }
0xdb: {  	v11 =	vld.idx.msk [tilespmem:v7+s25+$0x0 ss:$0x1], $0xffff  }
0xdc: {  	v12 =	vld.idx.msk [tilespmem:v5+s25+$0x0 ss:$0x1], $0xffff;
	_ =	sdelay $0x2  }
0xdd: {  	v10 =	vmul.f32 v10, v9  }
0xde: {  	v11 =	vmul.f32 v11, v9  }
0xdf: {  	v27 =	vmul.f32 v12, v9;
	v10 =	vtrunc.f32 v10  }
0xe0: {  	v11 =	vtrunc.f32 v11;
	v10 =	vcvt.f32.s32 v10  }
0xe1: {  	v9 =	vtrunc.f32 v27;
	v11 =	vcvt.f32.s32 v11  }
0xe2: {  	v9 =	vcvt.f32.s32 v9;
	v10 =	vmul.u32 $0x9E3779B1, v10  }
0xe3: {  	v11 =	vmul.u32 $0x30025795, v11  }
0xe4: {  	v28 =	vadd.s32 $0x1, v9;
	v29 =	vadd.s32 $0x9E3779B1, v10;
	v30 =	vxor.u32 v9, v10  }
0xe5: {  	v10 =	vxor.u32 v28, v10;
	v32 =	vadd.s32 $0x30025795, v11;
	v31 =	vxor.u32 v28, v29  }
0xe6: {  	v9 =	vxor.u32 v9, v29;
	v34 =	vxor.u32 v11, v10;
	v35 =	vxor.u32 v30, v32  }
0xe7: {  	v10 =	vxor.u32 v10, v32;
	v33 =	vxor.u32 v11, v31;
	v36 =	vxor.u32 v11, v9  }
0xe8: {  	v15 =	vxor.u32 v32, v31;
	v17 =	vand.u32 $0x7FFFF, v35;
	v10 =	vand.u32 $0x7FFFF, v10  }
0xe9: {  	v16 =	vand.u32 $0x7FFFF, v34;
	v9 =	vxor.u32 v32, v9;
	v21 =	vperm.xlane v17, v1  }
0xea: {  	v11 =	vxor.u32 v11, v30;
	v22 =	vperm.xlane v10, v1;
	v10 =	vperm.xlane v10, v3  }
0xeb: {  	v18 =	vand.u32 $0x7FFFF, v36;
	v38 =	vperm.xlane v16, v1;
	v16 =	vperm.xlane v16, v3  }
0xec: {  	v13 =	vand.u32 $0x7FFFF, v33;
	v17 =	vperm.xlane v17, v3;
	v37 =	vperm.xlane v18, v1  }
0xed: {  	v9 =	vand.u32 $0x7FFFF, v9;
	v20 =	vperm.xlane v13, v3;
	v13 =	vperm.xlane v13, v1  }
0xee: {  	v15 =	vand.u32 $0x7FFFF, v15;
	v43 =	vperm.xlane v9, v1;
	v18 =	vperm.xlane v18, v3  }
0xef: {  	v11 =	vand.u32 $0x7FFFF, v11;
	v9 =	vperm.xlane v9, v3;
	v45 =	vperm.xlane v15, v1  }
0xf0: {  	v54 =	vperm.xlane v11, v1;
	v11 =	vperm.xlane v11, v3  }
0xf1: {  	v57 =	vperm.xlane v15, v3;
	v40 =	vand.u32 $0xFFFFFF80, v22;
	v22 =	vadd.s32 v8, v22  }
0xf2: {  	v46 =	vadd.s32 v8, v16;
	v16 =	vand.u32 $0xFFFFFF80, v16;
	v41 =	vadd.s32 v40, v22  }
0xf3: {  	v44 =	vand.u32 $0xFFFFFF80, v21;
	v48 =	vadd.s32 v8, v21;
	v16 =	vadd.s32 v16, v46;
	[tilespmem:s20+$0xFFFFFFA0] =	vst v41  }
0xf4: {  	v55 =	vand.u32 $0xFFFFFF80, v17;
	v17 =	vadd.s32 v8, v17;
	v12 =	vadd.s32 v44, v48;
	[tilespmem:s20+$0x30] =	vst v16  }
0xf5: {  	v53 =	vand.u32 $0xFFFFFF80, v10;
	v10 =	vadd.s32 v8, v10;
	v56 =	vadd.s32 v55, v17;
	[tilespmem:s20+$0xFFFFFFC0] =	vst v12  }
0xf6: {  	v23 =	vand.u32 $0xFFFFFF80, v37;
	v19 =	vadd.s32 v8, v37;
	v10 =	vadd.s32 v53, v10;
	[tilespmem:s20+$0xFFFFFFD0] =	vst v56  }
0xf7: {  	v24 =	vadd.s32 v8, v13;
	v13 =	vand.u32 $0xFFFFFF80, v13;
	v19 =	vadd.s32 v23, v19;
	[tilespmem:s20+$0xFFFFFFB0] =	vst v10  }
0xf8: {  	v25 =	vand.u32 $0xFFFFFF80, v20;
	v20 =	vadd.s32 v8, v20;
	v13 =	vadd.s32 v13, v24;
	[tilespmem:s20+$0x60] =	vst v19  }
0xf9: {  	v47 =	vand.u32 $0xFFFFFF80, v18;
	v18 =	vadd.s32 v8, v18;
	v20 =	vadd.s32 v25, v20;
	[tilespmem:s20+$0x0] =	vst v13  }
0xfa: {  	v50 =	vadd.s32 v8, v43;
	v51 =	vand.u32 $0xFFFFFF80, v43;
	v18 =	vadd.s32 v47, v18;
	[tilespmem:s20+$0x10] =	vst v20  }
0xfb: {  	v49 =	vand.u32 $0xFFFFFF80, v9;
	v9 =	vadd.s32 v8, v9;
	v52 =	vadd.s32 v51, v50;
	[tilespmem:s20+$0x70] =	vst v18  }
0xfc: {  	s30 =	sadd.s32 $0x1, s30;
	v60 =	vand.u32 $0xFFFFFF80, v11;
	v11 =	vadd.s32 v8, v11;
	v9 =	vadd.s32 v49, v9;
	[tilespmem:s20+$0xFFFFFFE0] =	vst v52  }
0xfd: {  	p0 =	sne.s32 s30, $0x10;
	v39 =	vadd.s32 v8, v38;
	v23 =	vand.u32 $0xFFFFFF80, v38;
	v62 =	vadd.s32 v60, v11;
	[tilespmem:s20+$0xFFFFFFF0] =	vst v9  }
.Ltmp3:
0xfe: {  	v58 =	vand.u32 $0xFFFFFF80, v54;
	v12 =	vadd.s32 v8, v54;
	v42 =	vadd.s32 v23, v39;
	[tilespmem:s20+$0x50] =	vst v62;
	(pc) =	sbr.rel @p0 .LBB2_7-.Ltmp3, $4  }
0xff: {  	v61 =	vand.u32 $0xFFFFFF80, v57;
	v59 =	vadd.s32 v58, v12;
	v9 =	vadd.s32 v8, v57;
	[tilespmem:s20+$0x20] =	vst v42  }
0x100: {  	v63 =	vand.u32 $0xFFFFFF80, v45;
	v8 =	vadd.s32 v8, v45;
	[tilespmem:s20+$0x40] =	vst v59;
	v9 =	vadd.s32 v61, v9  }
0x101: {  	v8 =	vadd.s32 v63, v8;
	[tilespmem:s20+$0xFFFFFF90] =	vst v9  }
0x102: {  	s19 =	sadd.s32 $0x100, s19;
	[tilespmem:s20+$0xFFFFFF80] =	vst v8  }
0x103: {  	s4 =	simm.s32 $0x7080;
	s19 =	simm.s32 $0xF080  }
0x104: {  	[tilespmem:s19], [sflag:$0x2] =	stream.indirect.gather [hbm4b:s1+s18], $0x1, s4, s18, $0xb8;
	[tilespmem:$0x14080] =	vst v63  }
0x105: {  	_ =	swait.ge [sflag:s23], $0x4000  }
0x106: {  	s22 =	simm.s32 $0xB100;
	s30 =	simm.s32 $0x0;
	[sflag:s23] =	ssyncset.done $0x0  }
0x107: {  	v10 =	vmov s31;
	v11 =	vmov s16;
	v12 =	vmov s15;
	s19 =	simm.s32 $0x0;
	s4 =	simm.s32 $0x0;
	[sflag:s23] =	ssyncadd.s32 $0xFFFFC000  }
.LBB2_11:
0x108: {  	_ =	sdelay $0x2  }
0x109: {  	s21 =	simm.s32 $0x0  }
0x10a: {  	v8 =	vld.idx.msk [tilespmem:v12+s21+$0x0 ss:$0x1], $0xffff  }
0x10b: {  	v9 =	vld.idx.msk [tilespmem:v10+s21+$0x0 ss:$0x1], $0xffff  }
0x10c: {  	s20 =	sshll.u32 s30, $0x2;
	s25 =	sand.u32 $0x3, s19;
	v13 =	vmov s4;
	v16 =	vld.idx.msk [tilespmem:v11+s21+$0x0 ss:$0x1], $0xffff  }
0x10d: {  	s20 =	sand.u32 $0xFFFFF000, s20;
	s25 =	sshll.u32 s25, $0xA;
	v14 =	vperm.xlane v4, v13  }
0x10e: {  	s20 =	sor.u32 s25, s20  }
0x10f: {  	s20 =	sshrl.u32 s20, $0x2;
	v18 =	vmul.f32 v8, v14  }
0x110: {  	v15 =	vld [tilespmem:s22+$0x40];
	s20 =	sadd.s32 $0x13100, s20;
	v17 =	vmul.f32 v9, v14  }
0x111: {  	s25 =	simm.s32 $0x40;
	v13 =	vmov s20;
	s20 =	smov.u32 s22;
	v19 =	vmul.f32 v16, v14;
	v16 =	vld [tilespmem:s22+$0x20];
	v20 =	vtrunc.f32 v18  }
.LBB2_12:
0x112: {  	p0 =	sne.s32 s25, $0xC0;
	v8 =	vtrunc.f32 v17;
	v9 =	vcvt.f32.s32 v20;
	v20 =	vld [tilespmem:s20+$0x60]  }
0x113: {  	v8 =	vcvt.f32.s32 v8;
	v21 =	vtrunc.f32 v19;
	v22 =	vld [tilespmem:s20+$0x0]  }
0x114: {  	v21 =	vcvt.f32.s32 v21;
	v9 =	vcvt.s32.f32 v9;
	v23 =	vld [tilespmem:s20+$0xFFFFFFA0]  }
0x115: {  	v8 =	vcvt.s32.f32 v8;
	v24 =	vld [tilespmem:s20+$0xFFFFFFE0]  }
0x116: {  	v21 =	vcvt.s32.f32 v21;
	v9 =	vsub.f32 v18, v9;
	v18 =	vld [tilespmem:s20+$0xFFFFFF80]  }
0x117: {  	v8 =	vsub.f32 v17, v8;
	v17 =	vld [tilespmem:s20+$0x30]  }
0x118: {  	v19 =	vsub.f32 v19, v21;
	v21 =	vperm.xlane v9, v1;
	v25 =	vld [tilespmem:s20+$0xFFFFFF90]  }
0x119: {  	v9 =	vperm.xlane v9, v3;
	v26 =	vperm.xlane v8, v1;
	v27 =	vld [tilespmem:s20+$0xFFFFFFB0]  }
0x11a: {  	v28 =	vperm.xlane v19, v1;
	v19 =	vperm.xlane v19, v3;
	v29 =	vld [tilespmem:s20+$0x10]  }
0x11b: {  	v8 =	vperm.xlane v8, v3;
	v30 =	vld [tilespmem:s20+$0xFFFFFFC0];
	v18 =	vmul.f32 v18, v26  }
0x11c: {  	v23 =	vmul.f32 v23, v26;
	v16 =	vmul.f32 v16, v26;
	v31 =	vld [tilespmem:s20+$0xFFFFFFF0]  }
0x11d: {  	v32 =	vsub.f32 $1.000000000e+00, v26;
	v22 =	vmul.f32 v22, v26;
	v26 =	vld [tilespmem:s20+$0xFFFFFFD0];
	v25 =	vmul.f32 v25, v8  }
0x11e: {  	v17 =	vmul.f32 v17, v8;
	v33 =	vld [tilespmem:s20+$0x50];
	v27 =	vmul.f32 v27, v8  }
0x11f: {  	v34 =	vsub.f32 $1.000000000e+00, v8;
	v24 =	vmul.f32 v24, v32;
	v35 =	vld [tilespmem:s20+$0x70];
	v8 =	vmul.f32 v29, v8  }
0x120: {  	v15 =	vmul.f32 v15, v32;
	v29 =	vsub.f32 $1.000000000e+00, v28;
	v30 =	vmul.f32 v30, v32  }
0x121: {  	v20 =	vmul.f32 v20, v32;
	v32 =	vsub.f32 $1.000000000e+00, v19;
	v31 =	vmul.f32 v31, v34  }
0x122: {  	v18 =	vadd.f32 v24, v18;
	v23 =	vadd.f32 v30, v23;
	v24 =	vmul.f32 v26, v34  }
0x123: {  	v15 =	vadd.f32 v15, v16;
	v16 =	vadd.f32 v20, v22;
	v20 =	vmul.f32 v33, v34  }
0x124: {  	v22 =	vadd.f32 v31, v25;
	v24 =	vadd.f32 v24, v27;
	v25 =	vmul.f32 v35, v34  }
0x125: {  	v18 =	vmul.f32 v18, v28;
	v23 =	vmul.f32 v23, v29;
	v17 =	vadd.f32 v20, v17  }
0x126: {  	v16 =	vmul.f32 v16, v28;
	v15 =	vmul.f32 v15, v29;
	v8 =	vadd.f32 v25, v8  }
0x127: {  	v20 =	vsub.f32 $1.000000000e+00, v21;
	v22 =	vmul.f32 v22, v19;
	v24 =	vmul.f32 v24, v32  }
0x128: {  	v25 =	vsub.f32 $1.000000000e+00, v9;
	v17 =	vmul.f32 v17, v32;
	v8 =	vmul.f32 v8, v19  }
0x129: {  	v15 =	vadd.f32 v16, v15;
	v18 =	vadd.f32 v18, v23  }
0x12a: {  	v16 =	vadd.f32 v22, v24;
	v8 =	vadd.f32 v8, v17  }
0x12b: {  	v15 =	vmul.f32 v15, v20;
	v17 =	vmul.f32 v18, v21  }
0x12c: {  	v9 =	vmul.f32 v16, v9;
	v8 =	vmul.f32 v8, v25  }
0x12d: {  	v16 =	vand.u32 $0x7, v0  }
0x12e: {  	v15 =	vadd.f32 v15, v17;
	v17 =	vadd.f32 v8, v9;
	v8 =	vmul.u32 $0x2, v16;
	_ =	sdelay $0x1  }
0x12f: {  	v16 =	vperm.xlane v15, v8;
	v18 =	vperm.xlane v17, v8;
	v9 =	vor.u32 $0x1, v8  }
0x130: {  	v15 =	vperm.xlane v15, v9;
	v17 =	vperm.xlane v17, v9  }
0x131: {  	v16 =	vsel vm0, v16, v18  }
0x132: {  	[tilespmem:v13+s21+$0xFFFFFF80 ss:$0x1] =	vst.idx.msk $0xffff, v16;
	v15 =	vsel vm0, v15, v17  }
0x133: {  	[tilespmem:v13+s21+$0x0 ss:$0x1] =	vst.idx.msk $0xffff, v15;
	s21 =	sshra.s32 s25, $0x2  }
0x134: {  	v15 =	vld.idx.msk [tilespmem:v12+s21+$0x0 ss:$0x1], $0xffff  }
0x135: {  	v16 =	vld.idx.msk [tilespmem:v10+s21+$0x0 ss:$0x1], $0xffff  }
0x136: {  	v19 =	vld.idx.msk [tilespmem:v11+s21+$0x0 ss:$0x1], $0xffff;
	_ =	sdelay $0x1  }
.Ltmp4:
0x137: {  	(pc) =	sbr.rel @p0 .LBB2_12-.Ltmp4, $4  }
0x138: {  	_ = 	snop  }
0x139: {  	s20 =	sadd.s32 $0x1000, s20;
	v18 =	vmul.f32 v15, v14  }
0x13a: {  	v17 =	vmul.f32 v16, v14;
	v15 =	vld [tilespmem:s20+$0x40]  }
0x13b: {  	s25 =	sadd.s32 $0x40, s25;
	v19 =	vmul.f32 v19, v14;
	v20 =	vtrunc.f32 v18;
	v16 =	vld [tilespmem:s20+$0x20]  }
0x13c: {  	v14 =	vtrunc.f32 v17;
	v20 =	vcvt.f32.s32 v20;
	v21 =	vld [tilespmem:s20+$0x60]  }
0x13d: {  	v23 =	vld [tilespmem:s20+$0x0];
	v14 =	vcvt.f32.s32 v14;
	v22 =	vtrunc.f32 v19  }
0x13e: {  	v24 =	vld [tilespmem:s20+$0xFFFFFFA0];
	v22 =	vcvt.f32.s32 v22;
	v20 =	vcvt.s32.f32 v20  }
0x13f: {  	v25 =	vld [tilespmem:s20+$0xFFFFFFE0];
	v14 =	vcvt.s32.f32 v14  }
0x140: {  	v45 =	vld [tilespmem:s20+$0xFFFFFF80];
	v22 =	vcvt.s32.f32 v22;
	v18 =	vsub.f32 v18, v20  }
0x141: {  	v46 =	vld [tilespmem:s20+$0x30];
	v14 =	vsub.f32 v17, v14  }
0x142: {  	v26 =	vld [tilespmem:s20+$0xFFFFFF90];
	v47 =	vsub.f32 v19, v22;
	v48 =	vperm.xlane v18, v1  }
0x143: {  	v28 =	vld [tilespmem:s20+$0xFFFFFFB0];
	v18 =	vperm.xlane v18, v3;
	v27 =	vperm.xlane v14, v1  }
0x144: {  	v30 =	vld [tilespmem:s20+$0x10];
	v14 =	vperm.xlane v14, v3;
	v29 =	vperm.xlane v47, v1  }
0x145: {  	v31 =	vld [tilespmem:s20+$0xFFFFFFC0];
	v19 =	vperm.xlane v47, v3;
	v20 =	vmul.f32 v45, v27  }
0x146: {  	v32 =	vld [tilespmem:s20+$0xFFFFFFF0];
	v24 =	vmul.f32 v24, v27;
	v16 =	vmul.f32 v16, v27  }
0x147: {  	v49 =	vld [tilespmem:s20+$0xFFFFFFD0];
	v33 =	vsub.f32 $1.000000000e+00, v27;
	v23 =	vmul.f32 v23, v27;
	v26 =	vmul.f32 v26, v14  }
0x148: {  	v34 =	vld [tilespmem:s20+$0x50];
	v28 =	vmul.f32 v28, v14;
	v17 =	vmul.f32 v46, v14  }
0x149: {  	v36 =	vld [tilespmem:s20+$0x70];
	v35 =	vsub.f32 $1.000000000e+00, v14;
	v14 =	vmul.f32 v30, v14;
	v25 =	vmul.f32 v25, v33  }
0x14a: {  	v50 =	vsub.f32 $1.000000000e+00, v29;
	v31 =	vmul.f32 v31, v33;
	v15 =	vmul.f32 v15, v33  }
0x14b: {  	v51 =	vsub.f32 $1.000000000e+00, v19;
	v21 =	vmul.f32 v21, v33;
	v32 =	vmul.f32 v32, v35  }
0x14c: {  	v52 =	vmul.f32 v49, v35;
	v20 =	vadd.f32 v25, v20;
	v24 =	vadd.f32 v31, v24  }
0x14d: {  	v54 =	vmul.f32 v34, v35;
	v15 =	vadd.f32 v15, v16;
	v53 =	vadd.f32 v21, v23  }
0x14e: {  	v56 =	vmul.f32 v36, v35;
	v55 =	vadd.f32 v32, v26;
	v25 =	vadd.f32 v52, v28  }
0x14f: {  	v17 =	vadd.f32 v54, v17;
	v20 =	vmul.f32 v20, v29;
	v24 =	vmul.f32 v24, v50  }
0x150: {  	v14 =	vadd.f32 v56, v14;
	v16 =	vmul.f32 v53, v29;
	v15 =	vmul.f32 v15, v50  }
0x151: {  	v57 =	vsub.f32 $1.000000000e+00, v48;
	v23 =	vmul.f32 v55, v19;
	v25 =	vmul.f32 v25, v51  }
0x152: {  	v58 =	vsub.f32 $1.000000000e+00, v18;
	v14 =	vmul.f32 v14, v19;
	v17 =	vmul.f32 v17, v51  }
0x153: {  	v59 =	vadd.f32 v20, v24;
	v15 =	vadd.f32 v16, v15  }
0x154: {  	v60 =	vadd.f32 v23, v25;
	v14 =	vadd.f32 v14, v17  }
0x155: {  	v61 =	vmul.f32 v59, v48;
	v15 =	vmul.f32 v15, v57  }
0x156: {  	v16 =	vmul.f32 v60, v18;
	v14 =	vmul.f32 v14, v58;
	_ =	sdelay $0x1  }
0x157: {  	s4 =	sadd.s32 $0x1, s4;
	v15 =	vadd.f32 v15, v61;
	v14 =	vadd.f32 v14, v16  }
0x158: {  	p0 =	sne.s32 s4, $0x10  }
.Ltmp5:
0x159: {  	v62 =	vperm.xlane v15, v8;
	v63 =	vperm.xlane v14, v8;
	(pc) =	sbr.rel @p0 .LBB2_11-.Ltmp5, $4  }
0x15a: {  	v15 =	vperm.xlane v15, v9;
	v14 =	vperm.xlane v14, v9  }
0x15b: {  	v16 =	vsel vm0, v62, v63  }
0x15c: {  	v14 =	vsel vm0, v15, v14;
	[tilespmem:v13+s21+$0xFFFFFF80 ss:$0x1] =	vst.idx.msk $0xffff, v16  }
0x15d: {  	s30 =	sadd.s32 $0x100, s30;
	s19 =	sadd.s32 $0x1, s19;
	s22 =	sadd.s32 $0x100, s22;
	[tilespmem:v13+s21+$0x0 ss:$0x1] =	vst.idx.msk $0xffff, v14  }
0x15e: {  	p0 =	seq.s32 s8, $0x1F  }
.Ltmp6:
0x15f: {  	_ = 	snop;
	(pc) =	sbr.rel @p0 .LBB2_19-.Ltmp6, $2  }
0x160: {  	_ =	sdelay $0x2  }
0x161: {  	s30 =	simm.s32 $0x0;
	s19 =	simm.s32 $0x3100  }
.LBB2_15:
0x162: {  	v12 =	vmov s6  }
0x163: {  	v13 =	vmov s7  }
0x164: {  	v11 =	vmov s17;
	_ =	sdelay $0x1  }
0x165: {  	s4 =	simm.s32 $0x0  }
0x166: {  	v10 =	vld.idx.msk [tilespmem:v12+s4+$0x0 ss:$0x1], $0xffff  }
0x167: {  	v15 =	vld.idx.msk [tilespmem:v13+s4+$0x0 ss:$0x1], $0xffff  }
0x168: {  	v14 =	vmov s30;
	v16 =	vld.idx.msk [tilespmem:v11+s4+$0x0 ss:$0x1], $0xffff  }
0x169: {  	v14 =	vperm.xlane v4, v14;
	_ =	sdelay $0x1  }
0x16a: {  	v10 =	vmul.f32 v10, v14  }
0x16b: {  	v15 =	vmul.f32 v15, v14  }
0x16c: {  	v16 =	vmul.f32 v16, v14;
	v10 =	vtrunc.f32 v10  }
0x16d: {  	v15 =	vtrunc.f32 v15;
	v10 =	vcvt.f32.s32 v10  }
0x16e: {  	v16 =	vtrunc.f32 v16;
	v15 =	vcvt.f32.s32 v15  }
0x16f: {  	s26 =	sshll.u32 s30, $0x14;
	v16 =	vcvt.f32.s32 v16;
	v17 =	vmul.u32 $0x9E3779B1, v10  }
0x170: {  	v10 =	vor.u32 s26, v2;
	v18 =	vmul.u32 $0x30025795, v15  }
0x171: {  	v15 =	vadd.s32 $0x1, v16;
	v19 =	vadd.s32 $0x9E3779B1, v17;
	v20 =	vxor.u32 v16, v17  }
0x172: {  	v21 =	vxor.u32 v15, v19;
	v15 =	vxor.u32 v15, v17;
	v16 =	vxor.u32 v16, v19  }
0x173: {  	v17 =	vadd.s32 $0x30025795, v18;
	v19 =	vxor.u32 v18, v21;
	v22 =	vxor.u32 v18, v15  }
0x174: {  	v21 =	vxor.u32 v17, v21;
	v23 =	vxor.u32 v20, v17;
	v24 =	vxor.u32 v18, v16  }
0x175: {  	v15 =	vxor.u32 v15, v17;
	v17 =	vxor.u32 v17, v16;
	v18 =	vxor.u32 v18, v20  }
0x176: {  	v23 =	vand.u32 $0x7FFFF, v23;
	v19 =	vand.u32 $0x7FFFF, v19;
	v24 =	vand.u32 $0x7FFFF, v24  }
0x177: {  	v15 =	vand.u32 $0x7FFFF, v15;
	v25 =	vperm.xlane v19, v3;
	v26 =	vperm.xlane v24, v1  }
0x178: {  	v22 =	vand.u32 $0x7FFFF, v22;
	v27 =	vperm.xlane v23, v1;
	v19 =	vperm.xlane v19, v1  }
0x179: {  	v16 =	vand.u32 $0x7FFFF, v21;
	v28 =	vperm.xlane v15, v1;
	v55 =	vperm.xlane v15, v3  }
0x17a: {  	v24 =	vperm.xlane v24, v3;
	v29 =	vand.u32 $0xFFFFFF80, v26;
	v26 =	vadd.s32 v10, v26  }
0x17b: {  	v30 =	vadd.s32 v10, v19;
	v15 =	vand.u32 $0xFFFFFF80, v19;
	v19 =	vperm.xlane v22, v1  }
0x17c: {  	v22 =	vperm.xlane v22, v3;
	v31 =	vand.u32 $0xFFFFFF80, v28;
	v28 =	vadd.s32 v10, v28  }
0x17d: {  	v21 =	vand.u32 $0xFFFFFF80, v27;
	v27 =	vadd.s32 v10, v27;
	v60 =	vand.u32 $0xFFFFFF80, v24  }
0x17e: {  	v24 =	vadd.s32 v10, v24;
	v63 =	vadd.s32 v10, v55;
	v26 =	vadd.s32 v29, v26  }
0x17f: {  	v30 =	vadd.s32 v15, v30;
	v15 =	vand.u32 $0xFFFFFF80, v25;
	v25 =	vadd.s32 v10, v25  }
0x180: {  	v28 =	vadd.s32 v31, v28;
	v24 =	vadd.s32 v60, v24;
	v25 =	vadd.s32 v15, v25  }
0x181: {  	v15 =	vadd.s32 v10, v19;
	v19 =	vand.u32 $0xFFFFFF80, v19;
	[tilespmem:s19+$0x60] =	vst v26;
	v57 =	vadd.s32 v10, v22  }
0x182: {  	[tilespmem:s19+$0x0] =	vst v30;
	v22 =	vand.u32 $0xFFFFFF80, v22;
	v19 =	vadd.s32 v19, v15;
	v15 =	vand.u32 $0x7FFFF, v17  }
0x183: {  	v62 =	vadd.s32 v21, v27;
	[tilespmem:s19+$0xFFFFFFA0] =	vst v28;
	v22 =	vadd.s32 v22, v57;
	v56 =	vperm.xlane v15, v3  }
0x184: {  	v17 =	vperm.xlane v23, v3;
	v23 =	vperm.xlane v15, v1;
	[tilespmem:s19+$0x30] =	vst v22;
	v22 =	vand.u32 $0xFFFFFF80, v55  }
0x185: {  	[tilespmem:s19+$0x70] =	vst v24;
	v15 =	vperm.xlane v16, v1;
	v22 =	vadd.s32 v22, v63;
	v58 =	vand.u32 $0xFFFFFF80, v56  }
0x186: {  	[tilespmem:s19+$0xFFFFFFC0] =	vst v62;
	v59 =	vadd.s32 v10, v56;
	v61 =	vadd.s32 v10, v23;
	v20 =	vand.u32 $0xFFFFFF80, v23  }
0x187: {  	s21 =	sadd.s32 $0x1000, s19;
	s22 =	simm.s32 $0x80;
	[tilespmem:s19+$0x10] =	vst v25;
	v23 =	vand.u32 $0x7FFFF, v18;
	v18 =	vand.u32 $0xFFFFFF80, v15;
	v21 =	vadd.s32 v20, v61  }
0x188: {  	s25 =	simm.s32 $0x10;
	s20 =	smov.u32 s21;
	s4 =	smov.u32 s19;
	[tilespmem:s19+$0x20] =	vst v19;
	v20 =	vadd.s32 v58, v59;
	v19 =	vperm.xlane v23, v3;
	v23 =	vperm.xlane v23, v1  }
.LBB2_16:
0x189: {  	p0 =	sne.s32 s22, $0xC0  }
0x18a: {  	s21 =	sadd.s32 $0x1000, s21;
	v16 =	vperm.xlane v16, v3;
	v24 =	vand.u32 $0xFFFFFF80, v17;
	v17 =	vadd.s32 v10, v17;
	[tilespmem:s4+$0xFFFFFFE0] =	vst v21;
	s26 =	smov.u32 s22;
	s22 =	sadd.s32 $0x40, s22  }
0x18b: {  	v17 =	vadd.s32 v24, v17;
	[tilespmem:s4+$0xFFFFFFF0] =	vst v20  }
0x18c: {  	v21 =	vadd.s32 v10, v23;
	v20 =	vand.u32 $0xFFFFFF80, v16;
	[tilespmem:s4+$0xFFFFFFD0] =	vst v17;
	v17 =	vand.u32 $0xFFFFFF80, v23  }
0x18d: {  	[tilespmem:s4+$0xFFFFFFB0] =	vst v22;
	v17 =	vadd.s32 v17, v21;
	v21 =	vand.u32 $0xFFFFFF80, v19;
	v19 =	vadd.s32 v10, v19  }
0x18e: {  	v16 =	vadd.s32 v10, v16;
	[tilespmem:s4+$0x40] =	vst v17;
	v17 =	vadd.s32 v21, v19  }
0x18f: {  	v15 =	vadd.s32 v10, v15;
	v16 =	vadd.s32 v20, v16;
	[tilespmem:s4+$0x50] =	vst v17  }
0x190: {  	v15 =	vadd.s32 v18, v15;
	[tilespmem:s4+$0xFFFFFF90] =	vst v16  }
0x191: {  	[tilespmem:s4+$0xFFFFFF80] =	vst v15;
	s4 =	smov.u32 s20;
	s20 =	smov.u32 s21  }
0x192: {  	v15 =	vld.idx.msk [tilespmem:v12+s25+$0x0 ss:$0x1], $0xffff  }
0x193: {  	v16 =	vld.idx.msk [tilespmem:v13+s25+$0x0 ss:$0x1], $0xffff  }
0x194: {  	v17 =	vld.idx.msk [tilespmem:v11+s25+$0x0 ss:$0x1], $0xffff;
	_ =	sdelay $0x3  }
0x195: {  	v15 =	vmul.f32 v15, v14  }
0x196: {  	v16 =	vmul.f32 v16, v14  }
0x197: {  	v17 =	vmul.f32 v17, v14;
	v15 =	vtrunc.f32 v15  }
0x198: {  	v15 =	vcvt.f32.s32 v15;
	v16 =	vtrunc.f32 v16  }
0x199: {  	v17 =	vtrunc.f32 v17;
	v16 =	vcvt.f32.s32 v16  }
0x19a: {  	v17 =	vcvt.f32.s32 v17;
	v15 =	vmul.u32 $0x9E3779B1, v15  }
0x19b: {  	v18 =	vmul.u32 $0x30025795, v16  }
0x19c: {  	v16 =	vadd.s32 $0x1, v17;
	v19 =	vadd.s32 $0x9E3779B1, v15;
	v20 =	vxor.u32 v17, v15  }
0x19d: {  	v21 =	vxor.u32 v16, v19;
	v15 =	vxor.u32 v16, v15;
	v16 =	vxor.u32 v17, v19  }
0x19e: {  	s25 =	sshra.s32 s26, $0x2;
	v17 =	vadd.s32 $0x30025795, v18;
	v19 =	vxor.u32 v18, v21;
	v22 =	vxor.u32 v18, v15  }
0x19f: {  	v21 =	vxor.u32 v17, v21;
	v23 =	vxor.u32 v20, v17;
	v24 =	vxor.u32 v18, v16  }
0x1a0: {  	v23 =	vand.u32 $0x7FFFF, v23;
	v19 =	vand.u32 $0x7FFFF, v19;
	v24 =	vand.u32 $0x7FFFF, v24  }
0x1a1: {  	v15 =	vxor.u32 v15, v17;
	v25 =	vperm.xlane v19, v3;
	v26 =	vperm.xlane v24, v1  }
0x1a2: {  	v15 =	vand.u32 $0x7FFFF, v15;
	v27 =	vperm.xlane v23, v1;
	v19 =	vperm.xlane v19, v1  }
0x1a3: {  	v28 =	vperm.xlane v15, v1;
	v29 =	vand.u32 $0xFFFFFF80, v26;
	v26 =	vadd.s32 v10, v26  }
0x1a4: {  	v22 =	vand.u32 $0x7FFFF, v22;
	v30 =	vadd.s32 v10, v19;
	v26 =	vadd.s32 v29, v26  }
0x1a5: {  	v29 =	vperm.xlane v15, v3;
	v15 =	vand.u32 $0xFFFFFF80, v19;
	v19 =	vperm.xlane v22, v1;
	[tilespmem:s4+$0x60] =	vst v26  }
0x1a6: {  	v15 =	vadd.s32 v15, v30;
	v26 =	vand.u32 $0xFFFFFF80, v25;
	v25 =	vadd.s32 v10, v25  }
0x1a7: {  	v22 =	vperm.xlane v22, v3;
	[tilespmem:s4+$0x0] =	vst v15;
	v15 =	vadd.s32 v26, v25;
	v25 =	vadd.s32 v10, v19  }
0x1a8: {  	v26 =	vand.u32 $0xFFFFFF80, v28;
	v28 =	vadd.s32 v10, v28;
	[tilespmem:s4+$0x10] =	vst v15;
	v15 =	vand.u32 $0xFFFFFF80, v19  }
0x1a9: {  	v17 =	vxor.u32 v17, v16;
	v19 =	vadd.s32 v26, v28;
	v25 =	vadd.s32 v15, v25  }
0x1aa: {  	v16 =	vand.u32 $0x7FFFF, v21;
	v15 =	vand.u32 $0x7FFFF, v17;
	v17 =	vperm.xlane v23, v3;
	[tilespmem:s4+$0xFFFFFFA0] =	vst v19  }
0x1ab: {  	v19 =	vand.u32 $0xFFFFFF80, v27;
	v21 =	vperm.xlane v15, v1;
	v23 =	vperm.xlane v15, v3  }
0x1ac: {  	v24 =	vperm.xlane v24, v3;
	v26 =	vadd.s32 v10, v22;
	v15 =	vperm.xlane v16, v1  }
0x1ad: {  	v22 =	vand.u32 $0xFFFFFF80, v22;
	v27 =	vadd.s32 v10, v27;
	v28 =	vand.u32 $0xFFFFFF80, v23  }
0x1ae: {  	v30 =	vand.u32 $0xFFFFFF80, v24;
	v24 =	vadd.s32 v10, v24;
	v23 =	vadd.s32 v10, v23  }
.Ltmp7:
0x1af: {  	v24 =	vadd.s32 v30, v24;
	v22 =	vadd.s32 v22, v26;
	v31 =	vadd.s32 v10, v21;
	(pc) =	sbr.rel @p0 .LBB2_16-.Ltmp7, $4  }
0x1b0: {  	v18 =	vxor.u32 v18, v20;
	v26 =	vadd.s32 v19, v27;
	v19 =	vand.u32 $0xFFFFFF80, v21;
	[tilespmem:s4+$0x70] =	vst v24  }
0x1b1: {  	v21 =	vadd.s32 v19, v31;
	v20 =	vadd.s32 v28, v23;
	v24 =	vand.u32 $0x7FFFF, v18;
	[tilespmem:s4+$0x30] =	vst v22  }
0x1b2: {  	v23 =	vadd.s32 v10, v29;
	v22 =	vand.u32 $0xFFFFFF80, v29;
	v19 =	vperm.xlane v24, v3;
	[tilespmem:s4+$0x20] =	vst v25  }
0x1b3: {  	v18 =	vand.u32 $0xFFFFFF80, v15;
	v22 =	vadd.s32 v22, v23;
	v23 =	vperm.xlane v24, v1;
	[tilespmem:s4+$0xFFFFFFC0] =	vst v26  }
0x1b4: {  	[tilespmem:s4+$0xFFFFFFE0] =	vst v21  }
0x1b5: {  	v24 =	vand.u32 $0xFFFFFF80, v17;
	v54 =	vadd.s32 v10, v17;
	[tilespmem:s4+$0xFFFFFFF0] =	vst v20  }
0x1b6: {  	[tilespmem:s4+$0xFFFFFFB0] =	vst v22;
	v57 =	vand.u32 $0xFFFFFF80, v19;
	v58 =	vadd.s32 v10, v19;
	v17 =	vadd.s32 v24, v54  }
0x1b7: {  	v16 =	vperm.xlane v16, v3;
	v15 =	vadd.s32 v10, v15;
	v60 =	vadd.s32 v57, v58;
	[tilespmem:s4+$0xFFFFFFD0] =	vst v17  }
0x1b8: {  	v55 =	vand.u32 $0xFFFFFF80, v23;
	v56 =	vadd.s32 v10, v23;
	v15 =	vadd.s32 v18, v15;
	[tilespmem:s4+$0x50] =	vst v60  }
0x1b9: {  	v17 =	vadd.s32 v55, v56;
	v59 =	vand.u32 $0xFFFFFF80, v16;
	v16 =	vadd.s32 v10, v16;
	[tilespmem:s4+$0xFFFFFF80] =	vst v15  }
0x1ba: {  	[tilespmem:s4+$0x40] =	vst v17;
	v16 =	vadd.s32 v59, v16  }
0x1bb: {  	[tilespmem:s4+$0xFFFFFF90] =	vst v16  }
0x1bc: {  	v12 =	vld.idx.msk [tilespmem:v12+s25+$0x0 ss:$0x1], $0xffff  }
0x1bd: {  	v13 =	vld.idx.msk [tilespmem:v13+s25+$0x0 ss:$0x1], $0xffff  }
0x1be: {  	v11 =	vld.idx.msk [tilespmem:v11+s25+$0x0 ss:$0x1], $0xffff;
	_ =	sdelay $0x2  }
0x1bf: {  	v12 =	vmul.f32 v12, v14  }
0x1c0: {  	v13 =	vmul.f32 v13, v14  }
0x1c1: {  	v11 =	vmul.f32 v11, v14;
	v12 =	vtrunc.f32 v12  }
0x1c2: {  	v13 =	vtrunc.f32 v13;
	v12 =	vcvt.f32.s32 v12  }
0x1c3: {  	v11 =	vtrunc.f32 v11;
	v13 =	vcvt.f32.s32 v13  }
0x1c4: {  	v11 =	vcvt.f32.s32 v11;
	v12 =	vmul.u32 $0x9E3779B1, v12  }
0x1c5: {  	v13 =	vmul.u32 $0x30025795, v13  }
0x1c6: {  	v61 =	vadd.s32 $0x1, v11;
	v62 =	vadd.s32 $0x9E3779B1, v12;
	v63 =	vxor.u32 v11, v12  }
0x1c7: {  	v12 =	vxor.u32 v61, v12;
	v30 =	vadd.s32 $0x30025795, v13;
	v29 =	vxor.u32 v61, v62  }
0x1c8: {  	v11 =	vxor.u32 v11, v62;
	v32 =	vxor.u32 v13, v12;
	v33 =	vxor.u32 v63, v30  }
0x1c9: {  	v12 =	vxor.u32 v12, v30;
	v31 =	vxor.u32 v13, v29;
	v34 =	vxor.u32 v13, v11  }
0x1ca: {  	v17 =	vxor.u32 v30, v29;
	v19 =	vand.u32 $0x7FFFF, v33;
	v12 =	vand.u32 $0x7FFFF, v12  }
0x1cb: {  	v18 =	vand.u32 $0x7FFFF, v32;
	v11 =	vxor.u32 v30, v11;
	v37 =	vperm.xlane v19, v1  }
0x1cc: {  	v13 =	vxor.u32 v13, v63;
	v38 =	vperm.xlane v12, v1;
	v12 =	vperm.xlane v12, v3  }
0x1cd: {  	v20 =	vand.u32 $0x7FFFF, v34;
	v39 =	vperm.xlane v18, v1;
	v18 =	vperm.xlane v18, v3  }
0x1ce: {  	v15 =	vand.u32 $0x7FFFF, v31;
	v19 =	vperm.xlane v19, v3;
	v35 =	vperm.xlane v20, v1  }
0x1cf: {  	v11 =	vand.u32 $0x7FFFF, v11;
	v36 =	vperm.xlane v15, v3;
	v15 =	vperm.xlane v15, v1  }
0x1d0: {  	v17 =	vand.u32 $0x7FFFF, v17;
	v44 =	vperm.xlane v11, v1;
	v20 =	vperm.xlane v20, v3  }
0x1d1: {  	v13 =	vand.u32 $0x7FFFF, v13;
	v11 =	vperm.xlane v11, v3;
	v46 =	vperm.xlane v17, v1  }
0x1d2: {  	v55 =	vperm.xlane v13, v1;
	v13 =	vperm.xlane v13, v3  }
0x1d3: {  	v40 =	vadd.s32 v10, v39;
	v41 =	vand.u32 $0xFFFFFF80, v38;
	v24 =	vadd.s32 v10, v38  }
0x1d4: {  	v47 =	vadd.s32 v10, v18;
	v18 =	vand.u32 $0xFFFFFF80, v18;
	v42 =	vadd.s32 v41, v24  }
0x1d5: {  	v45 =	vand.u32 $0xFFFFFF80, v37;
	v49 =	vadd.s32 v10, v37;
	v18 =	vadd.s32 v18, v47;
	[tilespmem:s20+$0xFFFFFFA0] =	vst v42  }
0x1d6: {  	v56 =	vand.u32 $0xFFFFFF80, v19;
	v19 =	vadd.s32 v10, v19;
	v14 =	vadd.s32 v45, v49;
	[tilespmem:s20+$0x30] =	vst v18  }
0x1d7: {  	v54 =	vand.u32 $0xFFFFFF80, v12;
	v12 =	vadd.s32 v10, v12;
	v57 =	vadd.s32 v56, v19;
	[tilespmem:s20+$0xFFFFFFC0] =	vst v14  }
0x1d8: {  	v25 =	vand.u32 $0xFFFFFF80, v35;
	v21 =	vadd.s32 v10, v35;
	v12 =	vadd.s32 v54, v12;
	[tilespmem:s20+$0xFFFFFFD0] =	vst v57  }
0x1d9: {  	v26 =	vadd.s32 v10, v15;
	v15 =	vand.u32 $0xFFFFFF80, v15;
	v21 =	vadd.s32 v25, v21;
	[tilespmem:s20+$0xFFFFFFB0] =	vst v12  }
0x1da: {  	v27 =	vand.u32 $0xFFFFFF80, v36;
	v22 =	vadd.s32 v10, v36;
	v15 =	vadd.s32 v15, v26;
	[tilespmem:s20+$0x60] =	vst v21  }
0x1db: {  	v48 =	vand.u32 $0xFFFFFF80, v20;
	v20 =	vadd.s32 v10, v20;
	v22 =	vadd.s32 v27, v22;
	[tilespmem:s20+$0x0] =	vst v15  }
0x1dc: {  	v51 =	vadd.s32 v10, v44;
	v52 =	vand.u32 $0xFFFFFF80, v44;
	v20 =	vadd.s32 v48, v20;
	[tilespmem:s20+$0x10] =	vst v22  }
0x1dd: {  	v50 =	vand.u32 $0xFFFFFF80, v11;
	v11 =	vadd.s32 v10, v11;
	v53 =	vadd.s32 v52, v51;
	[tilespmem:s20+$0x70] =	vst v20  }
0x1de: {  	s30 =	sadd.s32 $0x1, s30;
	v60 =	vand.u32 $0xFFFFFF80, v13;
	v13 =	vadd.s32 v10, v13;
	v11 =	vadd.s32 v50, v11;
	[tilespmem:s20+$0xFFFFFFE0] =	vst v53  }
0x1df: {  	p0 =	sne.s32 s30, $0x10;
	v25 =	vand.u32 $0xFFFFFF80, v39;
	v62 =	vadd.s32 v60, v13;
	[tilespmem:s20+$0xFFFFFFF0] =	vst v11;
	v11 =	vperm.xlane v17, v3  }
.Ltmp8:
0x1e0: {  	v58 =	vand.u32 $0xFFFFFF80, v55;
	v14 =	vadd.s32 v10, v55;
	v43 =	vadd.s32 v25, v40;
	[tilespmem:s20+$0x50] =	vst v62;
	(pc) =	sbr.rel @p0 .LBB2_15-.Ltmp8, $4  }
0x1e1: {  	v59 =	vadd.s32 v58, v14;
	[tilespmem:s20+$0x20] =	vst v43;
	v61 =	vand.u32 $0xFFFFFF80, v11;
	v11 =	vadd.s32 v10, v11  }
0x1e2: {  	v63 =	vand.u32 $0xFFFFFF80, v46;
	[tilespmem:s20+$0x40] =	vst v59;
	v10 =	vadd.s32 v10, v46;
	v11 =	vadd.s32 v61, v11  }
0x1e3: {  	v10 =	vadd.s32 v63, v10;
	[tilespmem:s20+$0xFFFFFF90] =	vst v11  }
0x1e4: {  	s19 =	sadd.s32 $0x100, s19;
	[tilespmem:s20+$0xFFFFFF80] =	vst v10  }
0x1e5: {  	s4 =	simm.s32 $0x3080;
	s19 =	simm.s32 $0xB080  }
0x1e6: {  	[tilespmem:s19], [sflag:$0x1] =	stream.indirect.gather [hbm4b:s1+s18], $0x1, s4, s18, $0xb8;
	[tilespmem:$0x14080] =	vst v63  }
.LBB2_19:
0x1e7: {  	_ =	swait.ge [sflag:s24], $0x4000  }
0x1e8: {  	s4 =	simm.s32 $0x0;
	s19 =	simm.s32 $0xF100;
	[sflag:s24] =	ssyncset.done $0x0  }
0x1e9: {  	s20 =	simm.s32 $0x0;
	s30 =	simm.s32 $0x0;
	[sflag:s24] =	ssyncadd.s32 $0xFFFFC000  }
.LBB2_20:
0x1ea: {  	_ =	sdelay $0x2  }
0x1eb: {  	s21 =	simm.s32 $0x0  }
0x1ec: {  	v10 =	vld.idx.msk [tilespmem:v7+s21+$0x0 ss:$0x1], $0xffff  }
0x1ed: {  	v12 =	vld.idx.msk [tilespmem:v5+s21+$0x0 ss:$0x1], $0xffff  }
0x1ee: {  	s22 =	sshll.u32 s20, $0x2;
	s25 =	sand.u32 $0x3, s4;
	v11 =	vmov s30;
	v13 =	vld.idx.msk [tilespmem:v6+s21+$0x0 ss:$0x1], $0xffff  }
0x1ef: {  	s22 =	sand.u32 $0xFFFFF000, s22;
	s25 =	sshll.u32 s25, $0xA;
	v11 =	vperm.xlane v4, v11  }
0x1f0: {  	s22 =	sor.u32 s25, s22  }
0x1f1: {  	s22 =	sshrl.u32 s22, $0x2;
	v15 =	vmul.f32 v10, v11  }
0x1f2: {  	s22 =	sadd.s32 $0x13140, s22;
	v14 =	vmul.f32 v12, v11;
	v12 =	vld [tilespmem:s19+$0x40]  }
0x1f3: {  	s25 =	simm.s32 $0x40;
	v10 =	vmov s22;
	v16 =	vmul.f32 v13, v11;
	v13 =	vld [tilespmem:s19+$0x20];
	s22 =	smov.u32 s19;
	v17 =	vtrunc.f32 v15  }
.LBB2_21:
0x1f4: {  	p0 =	sne.s32 s25, $0xC0;
	v18 =	vtrunc.f32 v14;
	v17 =	vcvt.f32.s32 v17;
	v19 =	vld [tilespmem:s22+$0x60]  }
0x1f5: {  	v18 =	vcvt.f32.s32 v18;
	v20 =	vtrunc.f32 v16;
	v21 =	vld [tilespmem:s22+$0x0]  }
0x1f6: {  	v20 =	vcvt.f32.s32 v20;
	v17 =	vcvt.s32.f32 v17;
	v22 =	vld [tilespmem:s22+$0xFFFFFFA0]  }
0x1f7: {  	v18 =	vcvt.s32.f32 v18;
	v23 =	vld [tilespmem:s22+$0xFFFFFFE0]  }
0x1f8: {  	v20 =	vcvt.s32.f32 v20;
	v15 =	vsub.f32 v15, v17;
	v17 =	vld [tilespmem:s22+$0xFFFFFF80]  }
0x1f9: {  	v14 =	vsub.f32 v14, v18;
	v18 =	vld [tilespmem:s22+$0x30]  }
0x1fa: {  	v16 =	vsub.f32 v16, v20;
	v20 =	vperm.xlane v15, v1;
	v24 =	vld [tilespmem:s22+$0xFFFFFF90]  }
0x1fb: {  	v15 =	vperm.xlane v15, v3;
	v25 =	vperm.xlane v14, v1;
	v26 =	vld [tilespmem:s22+$0xFFFFFFB0]  }
0x1fc: {  	v27 =	vperm.xlane v16, v1;
	v16 =	vperm.xlane v16, v3;
	v28 =	vld [tilespmem:s22+$0x10]  }
0x1fd: {  	v14 =	vperm.xlane v14, v3;
	v29 =	vld [tilespmem:s22+$0xFFFFFFC0];
	v17 =	vmul.f32 v17, v25  }
0x1fe: {  	v22 =	vmul.f32 v22, v25;
	v13 =	vmul.f32 v13, v25;
	v30 =	vld [tilespmem:s22+$0xFFFFFFF0]  }
0x1ff: {  	v31 =	vsub.f32 $1.000000000e+00, v25;
	v21 =	vmul.f32 v21, v25;
	v25 =	vld [tilespmem:s22+$0xFFFFFFD0];
	v24 =	vmul.f32 v24, v14  }
0x200: {  	v18 =	vmul.f32 v18, v14;
	v32 =	vld [tilespmem:s22+$0x50];
	v26 =	vmul.f32 v26, v14  }
0x201: {  	v33 =	vsub.f32 $1.000000000e+00, v14;
	v23 =	vmul.f32 v23, v31;
	v34 =	vld [tilespmem:s22+$0x70];
	v14 =	vmul.f32 v28, v14  }
0x202: {  	v12 =	vmul.f32 v12, v31;
	v28 =	vsub.f32 $1.000000000e+00, v27;
	v29 =	vmul.f32 v29, v31  }
0x203: {  	v19 =	vmul.f32 v19, v31;
	v31 =	vsub.f32 $1.000000000e+00, v16;
	v30 =	vmul.f32 v30, v33  }
0x204: {  	v17 =	vadd.f32 v23, v17;
	v22 =	vadd.f32 v29, v22;
	v23 =	vmul.f32 v25, v33  }
0x205: {  	v12 =	vadd.f32 v12, v13;
	v13 =	vadd.f32 v19, v21;
	v19 =	vmul.f32 v32, v33  }
0x206: {  	v21 =	vadd.f32 v30, v24;
	v23 =	vadd.f32 v23, v26;
	v24 =	vmul.f32 v34, v33  }
0x207: {  	v17 =	vmul.f32 v17, v27;
	v22 =	vmul.f32 v22, v28;
	v18 =	vadd.f32 v19, v18  }
0x208: {  	v13 =	vmul.f32 v13, v27;
	v12 =	vmul.f32 v12, v28;
	v14 =	vadd.f32 v24, v14  }
0x209: {  	v19 =	vsub.f32 $1.000000000e+00, v20;
	v21 =	vmul.f32 v21, v16;
	v23 =	vmul.f32 v23, v31  }
0x20a: {  	v24 =	vsub.f32 $1.000000000e+00, v15;
	v14 =	vmul.f32 v14, v16;
	v16 =	vmul.f32 v18, v31  }
0x20b: {  	v12 =	vadd.f32 v13, v12;
	v17 =	vadd.f32 v17, v22  }
0x20c: {  	v13 =	vadd.f32 v21, v23;
	v14 =	vadd.f32 v14, v16  }
0x20d: {  	v12 =	vmul.f32 v12, v19;
	v16 =	vmul.f32 v17, v20  }
0x20e: {  	v13 =	vmul.f32 v13, v15;
	v14 =	vmul.f32 v14, v24;
	_ =	sdelay $0x1  }
0x20f: {  	v12 =	vadd.f32 v12, v16;
	v13 =	vadd.f32 v14, v13;
	_ =	sdelay $0x1  }
0x210: {  	v14 =	vperm.xlane v12, v8;
	v15 =	vperm.xlane v13, v8  }
0x211: {  	v12 =	vperm.xlane v12, v9;
	v13 =	vperm.xlane v13, v9  }
0x212: {  	v14 =	vsel vm0, v14, v15  }
0x213: {  	v12 =	vsel vm0, v12, v13;
	[tilespmem:v10+s21+$0xFFFFFF80 ss:$0x1] =	vst.idx.msk $0xffff, v14  }
0x214: {  	[tilespmem:v10+s21+$0x0 ss:$0x1] =	vst.idx.msk $0xffff, v12;
	s21 =	sshra.s32 s25, $0x2  }
0x215: {  	v12 =	vld.idx.msk [tilespmem:v7+s21+$0x0 ss:$0x1], $0xffff  }
0x216: {  	v13 =	vld.idx.msk [tilespmem:v5+s21+$0x0 ss:$0x1], $0xffff  }
0x217: {  	v16 =	vld.idx.msk [tilespmem:v6+s21+$0x0 ss:$0x1], $0xffff;
	_ =	sdelay $0x1  }
.Ltmp9:
0x218: {  	(pc) =	sbr.rel @p0 .LBB2_21-.Ltmp9, $4  }
0x219: {  	_ = 	snop  }
0x21a: {  	s22 =	sadd.s32 $0x1000, s22;
	v15 =	vmul.f32 v12, v11  }
0x21b: {  	v14 =	vmul.f32 v13, v11;
	v12 =	vld [tilespmem:s22+$0x40]  }
0x21c: {  	s25 =	sadd.s32 $0x40, s25;
	v16 =	vmul.f32 v16, v11;
	v17 =	vtrunc.f32 v15;
	v13 =	vld [tilespmem:s22+$0x20]  }
0x21d: {  	v11 =	vtrunc.f32 v14;
	v17 =	vcvt.f32.s32 v17;
	v18 =	vld [tilespmem:s22+$0x60]  }
0x21e: {  	v20 =	vld [tilespmem:s22+$0x0];
	v11 =	vcvt.f32.s32 v11;
	v19 =	vtrunc.f32 v16  }
0x21f: {  	v21 =	vld [tilespmem:s22+$0xFFFFFFA0];
	v19 =	vcvt.f32.s32 v19;
	v17 =	vcvt.s32.f32 v17  }
0x220: {  	v22 =	vld [tilespmem:s22+$0xFFFFFFE0];
	v11 =	vcvt.s32.f32 v11  }
0x221: {  	v45 =	vld [tilespmem:s22+$0xFFFFFF80];
	v19 =	vcvt.s32.f32 v19;
	v15 =	vsub.f32 v15, v17  }
0x222: {  	v46 =	vld [tilespmem:s22+$0x30];
	v11 =	vsub.f32 v14, v11  }
0x223: {  	v23 =	vld [tilespmem:s22+$0xFFFFFF90];
	v47 =	vsub.f32 v16, v19;
	v48 =	vperm.xlane v15, v1  }
0x224: {  	v25 =	vld [tilespmem:s22+$0xFFFFFFB0];
	v15 =	vperm.xlane v15, v3;
	v24 =	vperm.xlane v11, v1  }
0x225: {  	v27 =	vld [tilespmem:s22+$0x10];
	v11 =	vperm.xlane v11, v3;
	v26 =	vperm.xlane v47, v1  }
0x226: {  	v28 =	vld [tilespmem:s22+$0xFFFFFFC0];
	v16 =	vperm.xlane v47, v3;
	v17 =	vmul.f32 v45, v24  }
0x227: {  	v29 =	vld [tilespmem:s22+$0xFFFFFFF0];
	v21 =	vmul.f32 v21, v24;
	v13 =	vmul.f32 v13, v24  }
0x228: {  	v49 =	vld [tilespmem:s22+$0xFFFFFFD0];
	v30 =	vsub.f32 $1.000000000e+00, v24;
	v20 =	vmul.f32 v20, v24;
	v23 =	vmul.f32 v23, v11  }
0x229: {  	v31 =	vld [tilespmem:s22+$0x50];
	v25 =	vmul.f32 v25, v11;
	v14 =	vmul.f32 v46, v11  }
0x22a: {  	v33 =	vld [tilespmem:s22+$0x70];
	v32 =	vsub.f32 $1.000000000e+00, v11;
	v11 =	vmul.f32 v27, v11;
	v22 =	vmul.f32 v22, v30  }
0x22b: {  	v50 =	vsub.f32 $1.000000000e+00, v26;
	v28 =	vmul.f32 v28, v30;
	v12 =	vmul.f32 v12, v30  }
0x22c: {  	v51 =	vsub.f32 $1.000000000e+00, v16;
	v18 =	vmul.f32 v18, v30;
	v29 =	vmul.f32 v29, v32  }
0x22d: {  	v52 =	vmul.f32 v49, v32;
	v17 =	vadd.f32 v22, v17;
	v21 =	vadd.f32 v28, v21  }
0x22e: {  	v54 =	vmul.f32 v31, v32;
	v12 =	vadd.f32 v12, v13;
	v53 =	vadd.f32 v18, v20  }
0x22f: {  	v56 =	vmul.f32 v33, v32;
	v55 =	vadd.f32 v29, v23;
	v22 =	vadd.f32 v52, v25  }
0x230: {  	v14 =	vadd.f32 v54, v14;
	v17 =	vmul.f32 v17, v26;
	v21 =	vmul.f32 v21, v50  }
0x231: {  	v11 =	vadd.f32 v56, v11;
	v13 =	vmul.f32 v53, v26;
	v12 =	vmul.f32 v12, v50  }
0x232: {  	v57 =	vsub.f32 $1.000000000e+00, v48;
	v20 =	vmul.f32 v55, v16;
	v22 =	vmul.f32 v22, v51  }
0x233: {  	v58 =	vsub.f32 $1.000000000e+00, v15;
	v11 =	vmul.f32 v11, v16;
	v14 =	vmul.f32 v14, v51  }
0x234: {  	v59 =	vadd.f32 v17, v21;
	v12 =	vadd.f32 v13, v12  }
0x235: {  	v60 =	vadd.f32 v20, v22;
	v11 =	vadd.f32 v11, v14  }
0x236: {  	v61 =	vmul.f32 v59, v48;
	v12 =	vmul.f32 v12, v57  }
0x237: {  	v13 =	vmul.f32 v60, v15;
	v11 =	vmul.f32 v11, v58;
	_ =	sdelay $0x1  }
0x238: {  	s30 =	sadd.s32 $0x1, s30;
	v12 =	vadd.f32 v12, v61;
	v11 =	vadd.f32 v11, v13  }
0x239: {  	p0 =	sne.s32 s30, $0x10  }
.Ltmp10:
0x23a: {  	v62 =	vperm.xlane v12, v8;
	v63 =	vperm.xlane v11, v8;
	(pc) =	sbr.rel @p0 .LBB2_20-.Ltmp10, $4  }
0x23b: {  	v12 =	vperm.xlane v12, v9;
	v11 =	vperm.xlane v11, v9  }
0x23c: {  	v13 =	vsel vm0, v62, v63  }
0x23d: {  	v11 =	vsel vm0, v12, v11;
	[tilespmem:v10+s21+$0xFFFFFF80 ss:$0x1] =	vst.idx.msk $0xffff, v13  }
0x23e: {  	s20 =	sadd.s32 $0x100, s20;
	s4 =	sadd.s32 $0x1, s4;
	s19 =	sadd.s32 $0x100, s19;
	[tilespmem:v10+s21+$0x0 ss:$0x1] =	vst.idx.msk $0xffff, v11  }
0x23f: {  	s4 =	sadd.s32 s9, s13;
	s22 =	rddreg [dreg:$0x5]  }
0x240: {  	s19 =	simm.s32 $0x13080;
	s13 =	sadd.s32 s22, s4  }
0x241: {  	[hbm4b:s13+s5] =	stream.linear.scatter [tilespmem:s19], [sflag:$0x3], $0x400, $0x38;
	[tilespmem:$0x14080] =	vst v63  }
0x242: {  	_ =	swait.ge [sflag:s14], $0x400  }
0x243: {  	[sflag:s14] =	ssyncset.done $0x0  }
0x244: {  	s26 =	simm.s32 $0x13480;
	s25 =	sadd.s32 s4, s10;
	[sflag:s14] =	ssyncadd.s32 $0xFFFFFC00  }
0x245: {  	[hbm4b:s25+s5] =	stream.linear.scatter [tilespmem:s26], [sflag:$0x3], $0x400, $0x38;
	[tilespmem:$0x14080] =	vst v63  }
0x246: {  	_ =	swait.ge [sflag:s14], $0x400  }
0x247: {  	[sflag:s14] =	ssyncset.done $0x0  }
0x248: {  	s8 =	sadd.s32 $0x1, s8;
	s30 =	sadd.s32 s4, s11;
	[sflag:s14] =	ssyncadd.s32 $0xFFFFFC00  }
0x249: {  	[hbm4b:s30+s5] =	stream.linear.scatter [tilespmem:s28], [sflag:$0x3], $0x400, $0x38;
	[tilespmem:$0x14080] =	vst v63  }
0x24a: {  	s0 =	sadd.s32 $0x80, s0;
	s2 =	sadd.s32 $0x80, s2;
	_ =	swait.ge [sflag:s14], $0x400  }
0x24b: {  	s3 =	sadd.s32 $0x80, s3;
	p0 =	sne.s32 s8, $0x20;
	[sflag:s14] =	ssyncset.done $0x0  }
.Ltmp11:
0x24c: {  	s4 =	sadd.s32 s4, s12;
	[sflag:s14] =	ssyncadd.s32 $0xFFFFFC00;
	(pc) =	sbr.rel @p0 .LBB2_6-.Ltmp11, $4  }
0x24d: {  	[hbm4b:s4+s5] =	stream.linear.scatter [tilespmem:s29], [sflag:$0x3], $0x400, $0x38;
	[tilespmem:$0x14080] =	vst v63  }
0x24e: {  	s15 =	sadd.s32 $0x80, s15;
	s16 =	sadd.s32 $0x80, s16;
	_ =	swait.ge [sflag:s14], $0x400  }
0x24f: {  	s31 =	sadd.s32 $0x80, s31;
	s17 =	sadd.s32 $0x80, s17;
	[sflag:s14] =	ssyncset.done $0x0  }
0x250: {  	s6 =	sadd.s32 $0x80, s6;
	s7 =	sadd.s32 $0x80, s7;
	[sflag:s14] =	ssyncadd.s32 $0xFFFFFC00  }
0x251: {  	s2 =	rddreg [dreg:$0xb]  }
0x252: {  	s0 =	rddreg [dreg:$0xa];
	s2 =	sadd.s32 $0x1, s2  }
0x253: {  	p0 =	sne.s32 s2, s0  }
.Ltmp12:
0x254: {  	_ = 	snop;
	(pc) =	sbr.rel @p0 .LBB2_1-.Ltmp12, $1  }
0x255: {  	_ =	sdelay $0x3  }
0x256: {  	_ =	sfence.sel $0x180000  }
0x257: {  	[bflag:$0x0] =	sbarrier.arrive $0xFFFF  }
0x258: {  	_ =	strace $0x90000047  }
0x259: {  	s0 =	stileid.u32;
	[bflag:$0x2] =	sbarrier.arrive $0xFFFF  }
0x25a: {  	p0 =	sne.s32 s0, $0x0;
	s0 =	rddreg [dreg:$0x6]  }
0x25b: {  	s0 =	sadd.s32 @!p0 $0x100000, s0  }
0x25c: {  	[sflag:s0] =	ssyncadd.tile.s32 @!p0 $0x1;
	_ =	shalt  }
.Lfunc_end2:
_tile_overlayer_lowered:
.L_overlay_start_2:
0x25d: {  	(tag) =	ssettag $0x2  }
0x25e: {  	s0 =	rddreg [dreg:$0x0];
	s2 =	stileid.u32  }
0x25f: {  	s1 =	rddreg [dreg:$0x1];
	p0 =	sne.s32 s2, $0x0  }
0x260: {  	s3 =	rddreg [dreg:$0x2];
	[bflag:$0x3] =	sbarrier.arrive $0xFFFF;
	s2 =	simm.s32 @!p0 $0x1C03  }
0x261: {  	[timem:s3], [sflag:s2] =	dma.local @!p0 [hbm:s0], s1  }
0x262: {  	s0 =	simm.s32 @!p0 $0x3  }
0x263: {  	_ =	swait.ge @!p0 [sflag:s0], s1  }
0x264: {  	s1 =	ssub.s32 @!p0 $0x0, s1;
	[sflag:s0] =	ssyncset.done @!p0 $0x0  }
0x265: {  	[sflag:s0] =	ssyncadd.s32 @!p0 s1  }
0x266: {  	[bflag:$0x3] =	sbarrier.arrive $0xFFFF  }
0x267: {  	_ =	shalt  }

</sc_bundles>
